<compile_context>
chip_gen: v7x
topology: tpu7x:2x2x1
jax: 0.10.2.dev20260603
libtpu: 0.0.44.dev20260713+nightly
codegen_flags: <defaults>
</compile_context>

<pallas_src>
import jax
import jax.numpy as jnp
from jax import lax
from jax.experimental import pallas as pl
from jax.experimental.pallas import tpu as pltpu
from jax.experimental.pallas import tpu_sc as plsc

_NUM_DIM = 10_000_000
_NUM_ACTIVE = 5_000_000
_NC = 2
_NS = 16
_NW = _NC * _NS
_CHUNK = 8000
_NFULL = 19
_BLEN = 4240
_TLEN = 160
_A_TOTAL = _NFULL * _NW * _CHUNK
_B_TOTAL = _A_TOTAL + _NW * _BLEN
_LENS = [_CHUNK] * _NFULL + [_BLEN, _TLEN]
_GMAX = len(_LENS)
_LANES = 16
_UNROLL = 4

_mesh = plsc.VectorSubcoreMesh(core_axis_name="c", subcore_axis_name="s")


@pl.kernel(
    out_type=jax.ShapeDtypeStruct((_NW, _LANES), jnp.float32),
    mesh=_mesh,
    scratch_types=[
        pltpu.VMEM((_CHUNK,), jnp.int32),
        pltpu.VMEM((_CHUNK,), jnp.int32),
        pltpu.VMEM((_CHUNK,), jnp.int32),
        pltpu.VMEM((_CHUNK,), jnp.float32),
        pltpu.VMEM((_CHUNK,), jnp.float32),
        pltpu.VMEM((_CHUNK,), jnp.float32),
        pltpu.VMEM((_LANES,), jnp.float32),
        pltpu.SemaphoreType.DMA,
        pltpu.SemaphoreType.DMA,
        pltpu.SemaphoreType.DMA,
        pltpu.SemaphoreType.DMA,
        pltpu.SemaphoreType.DMA,
        pltpu.SemaphoreType.DMA,
        pltpu.SemaphoreType.DMA,
    ],
)
def _gather_sq_partials(idx_hbm, table_hbm, x0_hbm, out_hbm,
                        idx0, idx1, idx2, rows0, rows1, rows2, stage,
                        si0, si1, si2, sg0, sg1, sg2, sx0):
    wid = lax.axis_index("s") * _NC + lax.axis_index("c")
    idx_b = (idx0, idx1, idx2)
    rows_b = (rows0, rows1, rows2)
    si = (si0, si1, si2)
    sg = (sg0, sg1, sg2)
    _NB = 3

    def offset(g):
        if g < _NFULL:
            return (wid + g * _NW) * _CHUNK
        if g == _NFULL:
            return _A_TOTAL + wid * _BLEN
        return _B_TOTAL + jnp.minimum(wid, 1) * _TLEN

    def start_idx(g):
        b = g % _NB
        return pltpu.async_copy(
            idx_hbm.at[pl.ds(offset(g), _LENS[g])],
            idx_b[b].at[pl.ds(0, _LENS[g])], si[b])

    def start_gather(g):
        b = g % _NB
        return pltpu.async_copy(
            table_hbm.at[idx_b[b].at[pl.ds(0, _LENS[g])]],
            rows_b[b].at[pl.ds(0, _LENS[g])], sg[b])

    def reduce_chunk(rows, n):
        z = jnp.zeros((_LANES,), jnp.float32)
        k4 = n // (_LANES * _UNROLL)

        def inner(i, accs):
            base = i * (_LANES * _UNROLL)
            out = []
            for u in range(_UNROLL):
                v = rows[pl.ds(base + u * _LANES, _LANES)]
                d = v - x0
                out.append(accs[u] + d * d)
            return tuple(out)

        accs = lax.fori_loop(0, k4, inner, (z,) * _UNROLL)
        csum = (accs[0] + accs[1]) + (accs[2] + accs[3])
        for j in range(k4 * _UNROLL, n // _LANES):
            v = rows[pl.ds(j * _LANES, _LANES)]
            d = v - x0
            csum = csum + d * d
        return csum

    pend_x0 = pltpu.async_copy(x0_hbm, stage.at[pl.ds(0, 1)], sx0)
    pend_i = [start_idx(g) for g in range(min(_NB, _GMAX))]
    pend_x0.wait()
    x0 = jnp.full((_LANES,), stage[...][0], dtype=jnp.float32)
    pend_g = {}
    for g in range(min(2, _GMAX)):
        pend_i[g].wait()
        pend_g[g] = start_gather(g)

    acc = jnp.zeros((_LANES,), jnp.float32)
    for g in range(_GMAX):
        if g + 2 < _GMAX:
            pend_i[(g + 2) % _NB].wait()
            pend_g[g + 2] = start_gather(g + 2)
        pend_g.pop(g).wait()
        if g + _NB < _GMAX:
            pend_i[g % _NB] = start_idx(g + _NB)
        csum = reduce_chunk(rows_b[g % _NB], _LENS[g])
        if g == _GMAX - 1:
            csum = jnp.where(wid < 2, csum, jnp.zeros_like(csum))
        acc = acc + csum

    stage[...] = acc
    pltpu.sync_copy(stage, out_hbm.at[wid])


def kernel(parameters_, active_idx, x_0):
    x0_arr = jnp.reshape(x_0.astype(jnp.float32), (1,))
    partials = _gather_sq_partials(active_idx, parameters_, x0_arr)
    return -jnp.sum(partials)

# --- scband reference (transcript-rebuilt; emitter-appended) ---
"""Pipeline reference for scband-tmsphere-41549513621993 (READ-ONLY COPY).

The authoritative reference and input builder live on the scoring server;
editing this copy changes nothing except your own understanding.
"""

import jax, jax.numpy as jnp
import numpy as np

NUM_DIM = 10000000
NUM_ACTIVE = 5000000


def setup_inputs(seed: int = 0) -> dict:
    key = jax.random.key(seed)
    k1, k2, k3 = jax.random.split(key, 3)
    parameters_ = jax.random.uniform(k1, (NUM_DIM,), dtype=jnp.float32)
    perm = jax.random.permutation(k2, NUM_DIM)
    active_idx = perm[:NUM_ACTIVE].astype(jnp.int32)
    x_0 = jax.random.uniform(k3, (), dtype=jnp.float32)
    return {"parameters_": parameters_, "active_idx": active_idx, "x_0": x_0}


def reference(parameters_, active_idx, x_0):
    # TMSphere.forward: x = params[active_idx] - x_0; return -sum(x*x)
    x = jnp.take(parameters_, active_idx, axis=0) - x_0
    return -jnp.sum(x * x)

if __name__ == "__main__":
    import jax
    _d = setup_inputs()
    print(jax.jit(kernel)(*tuple(_d.values())))

</pallas_src>

<mosaic_0001>
#map = affine_map<(d0, d1) -> (0)>
#map1 = affine_map<(d0, d1) -> (0, 0)>
module attributes {stable_mosaic.version = 14 : i64} {
  func.func @_gather_sq_partials(%arg0: i32, %arg1: i32, %arg2: memref<5000000xi32, #tpu.memory_space<hbm>>, %arg3: memref<10000000xf32, #tpu.memory_space<hbm>>, %arg4: memref<1xf32, #tpu.memory_space<hbm>>, %arg5: memref<32x16xf32, #tpu.memory_space<hbm>>, %arg6: memref<8000xi32, #tpu.memory_space<vmem>>, %arg7: memref<8000xi32, #tpu.memory_space<vmem>>, %arg8: memref<8000xi32, #tpu.memory_space<vmem>>, %arg9: memref<8000xf32, #tpu.memory_space<vmem>>, %arg10: memref<8000xf32, #tpu.memory_space<vmem>>, %arg11: memref<8000xf32, #tpu.memory_space<vmem>>, %arg12: memref<16xf32, #tpu.memory_space<vmem>>, %arg13: memref<!tpu.dma_semaphore, #tpu.memory_space<semaphore_mem>>, %arg14: memref<!tpu.dma_semaphore, #tpu.memory_space<semaphore_mem>>, %arg15: memref<!tpu.dma_semaphore, #tpu.memory_space<semaphore_mem>>, %arg16: memref<!tpu.dma_semaphore, #tpu.memory_space<semaphore_mem>>, %arg17: memref<!tpu.dma_semaphore, #tpu.memory_space<semaphore_mem>>, %arg18: memref<!tpu.dma_semaphore, #tpu.memory_space<semaphore_mem>>, %arg19: memref<!tpu.dma_semaphore, #tpu.memory_space<semaphore_mem>>) attributes {dimension_semantics = [#tpu.dimension_semantics<core_parallel>, #tpu.dimension_semantics<subcore_parallel>], iteration_bounds = array<i64: 2, 16>, scalar_prefetch = 0 : i64, scratch_operands = 14 : i64, tpu.core_type = #tpu.core_type<sc_vector_subcore>, window_params = [{transform_indices = #map}, {transform_indices = #map}, {transform_indices = #map}, {transform_indices = #map1}]} {
    %mul3A = arith.constant 2 : i32
    %mul3A_0 = arith.muli %arg1, %mul3A : i32
    %add3A = arith.addi %mul3A_0, %arg0 : i32
    %dma_start3A = arith.constant 0 : i32
    %dma_start3A_1 = tpu.memref_slice %arg12[%dma_start3A] : memref<16xf32, #tpu.memory_space<vmem>> -> memref<1xf32, #tpu.memory_space<vmem>>
    %dma_start3A_2 = arith.constant 0 : i32
    %dma_start3A_3 = tpu.memref_slice %arg12[%dma_start3A_2] : memref<16xf32, #tpu.memory_space<vmem>> -> memref<1xf32, #tpu.memory_space<vmem>>
    tpu.enqueue_dma source(%arg4 : memref<1xf32, #tpu.memory_space<hbm>>) target(%dma_start3A_3 : memref<1xf32, #tpu.memory_space<vmem>>) target_semaphore(%arg19 : memref<!tpu.dma_semaphore, #tpu.memory_space<semaphore_mem>>)
    %add3A_4 = arith.constant 0 : i32
    %add3A_5 = arith.addi %add3A, %add3A_4 : i32
    %mul3A_6 = arith.constant 8000 : i32
    %mul3A_7 = arith.muli %add3A_5, %mul3A_6 : i32
    %dma_start3A_8 = arith.constant 0 : i32
    %dma_start3A_9 = tpu.memref_slice %arg6[%dma_start3A_8] : memref<8000xi32, #tpu.memory_space<vmem>> -> memref<8000xi32, #tpu.memory_space<vmem>>
    %dma_start3A_10 = tpu.memref_slice %arg2[%mul3A_7] : memref<5000000xi32, #tpu.memory_space<hbm>> -> memref<8000xi32, #tpu.memory_space<hbm>>
    %dma_start3A_11 = arith.constant 0 : i32
    %dma_start3A_12 = tpu.memref_slice %arg6[%dma_start3A_11] : memref<8000xi32, #tpu.memory_space<vmem>> -> memref<8000xi32, #tpu.memory_space<vmem>>
    %dma_start3A_13 = tpu.memref_slice %arg2[%mul3A_7] : memref<5000000xi32, #tpu.memory_space<hbm>> -> memref<8000xi32, #tpu.memory_space<hbm>>
    tpu.enqueue_dma source(%dma_start3A_13 : memref<8000xi32, #tpu.memory_space<hbm>>) target(%dma_start3A_12 : memref<8000xi32, #tpu.memory_space<vmem>>) target_semaphore(%arg13 : memref<!tpu.dma_semaphore, #tpu.memory_space<semaphore_mem>>)
    %add3A_14 = arith.constant 32 : i32
    %add3A_15 = arith.addi %add3A, %add3A_14 : i32
    %mul3A_16 = arith.constant 8000 : i32
    %mul3A_17 = arith.muli %add3A_15, %mul3A_16 : i32
    %dma_start3A_18 = arith.constant 0 : i32
    %dma_start3A_19 = tpu.memref_slice %arg7[%dma_start3A_18] : memref<8000xi32, #tpu.memory_space<vmem>> -> memref<8000xi32, #tpu.memory_space<vmem>>
    %dma_start3A_20 = tpu.memref_slice %arg2[%mul3A_17] : memref<5000000xi32, #tpu.memory_space<hbm>> -> memref<8000xi32, #tpu.memory_space<hbm>>
    %dma_start3A_21 = arith.constant 0 : i32
    %dma_start3A_22 = tpu.memref_slice %arg7[%dma_start3A_21] : memref<8000xi32, #tpu.memory_space<vmem>> -> memref<8000xi32, #tpu.memory_space<vmem>>
    %dma_start3A_23 = tpu.memref_slice %arg2[%mul3A_17] : memref<5000000xi32, #tpu.memory_space<hbm>> -> memref<8000xi32, #tpu.memory_space<hbm>>
    tpu.enqueue_dma source(%dma_start3A_23 : memref<8000xi32, #tpu.memory_space<hbm>>) target(%dma_start3A_22 : memref<8000xi32, #tpu.memory_space<vmem>>) target_semaphore(%arg14 : memref<!tpu.dma_semaphore, #tpu.memory_space<semaphore_mem>>)
    %add3A_24 = arith.constant 64 : i32
    %add3A_25 = arith.addi %add3A, %add3A_24 : i32
    %mul3A_26 = arith.constant 8000 : i32
    %mul3A_27 = arith.muli %add3A_25, %mul3A_26 : i32
    %dma_start3A_28 = arith.constant 0 : i32
    %dma_start3A_29 = tpu.memref_slice %arg8[%dma_start3A_28] : memref<8000xi32, #tpu.memory_space<vmem>> -> memref<8000xi32, #tpu.memory_space<vmem>>
    %dma_start3A_30 = tpu.memref_slice %arg2[%mul3A_27] : memref<5000000xi32, #tpu.memory_space<hbm>> -> memref<8000xi32, #tpu.memory_space<hbm>>
    %dma_start3A_31 = arith.constant 0 : i32
    %dma_start3A_32 = tpu.memref_slice %arg8[%dma_start3A_31] : memref<8000xi32, #tpu.memory_space<vmem>> -> memref<8000xi32, #tpu.memory_space<vmem>>
    %dma_start3A_33 = tpu.memref_slice %arg2[%mul3A_27] : memref<5000000xi32, #tpu.memory_space<hbm>> -> memref<8000xi32, #tpu.memory_space<hbm>>
    tpu.enqueue_dma source(%dma_start3A_33 : memref<8000xi32, #tpu.memory_space<hbm>>) target(%dma_start3A_32 : memref<8000xi32, #tpu.memory_space<vmem>>) target_semaphore(%arg15 : memref<!tpu.dma_semaphore, #tpu.memory_space<semaphore_mem>>)
    %dma_wait3A = arith.constant 0 : i32
    %dma_wait3A_34 = tpu.memref_slice %arg12[%dma_wait3A] : memref<16xf32, #tpu.memory_space<vmem>> -> memref<1xf32, #tpu.memory_space<vmem>>
    %dma_wait3A_35 = arith.constant 0 : i32
    %dma_wait3A_36 = tpu.memref_slice %arg12[%dma_wait3A_35] : memref<16xf32, #tpu.memory_space<vmem>> -> memref<1xf32, #tpu.memory_space<vmem>>
    tpu.wait_dma2 semaphore(%arg19 : memref<!tpu.dma_semaphore, #tpu.memory_space<semaphore_mem>>) src(%arg4 : memref<1xf32, #tpu.memory_space<hbm>>) dst(%dma_wait3A_36 : memref<1xf32, #tpu.memory_space<vmem>>)
    %get3A = arith.constant 0 : index
    %get3A_37 = tpu.vector_load %arg12[%get3A] {strides = array<i32>} : memref<16xf32, #tpu.memory_space<vmem>>, vector<16xf32>,
    %get3A_38 = vector.shape_cast %get3A_37 : vector<16xf32> to vector<16xf32>
    %slice3A = vector.extract_strided_slice %get3A_38 {offsets = [0], sizes = [1], strides = [1]} : vector<16xf32> to vector<1xf32>
    %squeeze3A = vector.extract %slice3A[0] : f32 from vector<1xf32>
    %broadcast_in_dim3A = vector.broadcast %squeeze3A : f32 to vector<16xf32>
    %dma_wait3A_39 = arith.constant 0 : i32
    %dma_wait3A_40 = tpu.memref_slice %arg6[%dma_wait3A_39] : memref<8000xi32, #tpu.memory_space<vmem>> -> memref<8000xi32, #tpu.memory_space<vmem>>
    %dma_wait3A_41 = tpu.memref_slice %arg2[%mul3A_7] : memref<5000000xi32, #tpu.memory_space<hbm>> -> memref<8000xi32, #tpu.memory_space<hbm>>
    %dma_wait3A_42 = arith.constant 0 : i32
    %dma_wait3A_43 = tpu.memref_slice %arg6[%dma_wait3A_42] : memref<8000xi32, #tpu.memory_space<vmem>> -> memref<8000xi32, #tpu.memory_space<vmem>>
    %dma_wait3A_44 = tpu.memref_slice %arg2[%mul3A_7] : memref<5000000xi32, #tpu.memory_space<hbm>> -> memref<8000xi32, #tpu.memory_space<hbm>>
    tpu.wait_dma2 semaphore(%arg13 : memref<!tpu.dma_semaphore, #tpu.memory_space<semaphore_mem>>) src(%dma_wait3A_44 : memref<8000xi32, #tpu.memory_space<hbm>>) dst(%dma_wait3A_43 : memref<8000xi32, #tpu.memory_space<vmem>>)
    %dma_start3A_45 = arith.constant 0 : i32
    %dma_start3A_46 = tpu.memref_slice %arg9[%dma_start3A_45] : memref<8000xf32, #tpu.memory_space<vmem>> -> memref<8000xf32, #tpu.memory_space<vmem>>
    %dma_start3A_47 = arith.constant 0 : i32
    %dma_start3A_48 = tpu.memref_slice %arg6[%dma_start3A_47] : memref<8000xi32, #tpu.memory_space<vmem>> -> memref<8000xi32, #tpu.memory_space<vmem>>
    %dma_start3A_49 = arith.constant 0 : i32
    %dma_start3A_50 = tpu.memref_slice %arg3[%dma_start3A_49] : memref<10000000xf32, #tpu.memory_space<hbm>> -> memref<10000000xf32, #tpu.memory_space<hbm>>
    tpu.enqueue_indirect_dma source(%dma_start3A_50 : memref<10000000xf32, #tpu.memory_space<hbm>>) target(%dma_start3A_46 : memref<8000xf32, #tpu.memory_space<vmem>>) offsets(%dma_start3A_48 : memref<8000xi32, #tpu.memory_space<vmem>>) semaphore(%arg16 : memref<!tpu.dma_semaphore, #tpu.memory_space<semaphore_mem>>)
    %dma_wait3A_51 = arith.constant 0 : i32
    %dma_wait3A_52 = tpu.memref_slice %arg7[%dma_wait3A_51] : memref<8000xi32, #tpu.memory_space<vmem>> -> memref<8000xi32, #tpu.memory_space<vmem>>
    %dma_wait3A_53 = tpu.memref_slice %arg2[%mul3A_17] : memref<5000000xi32, #tpu.memory_space<hbm>> -> memref<8000xi32, #tpu.memory_space<hbm>>
    %dma_wait3A_54 = arith.constant 0 : i32
    %dma_wait3A_55 = tpu.memref_slice %arg7[%dma_wait3A_54] : memref<8000xi32, #tpu.memory_space<vmem>> -> memref<8000xi32, #tpu.memory_space<vmem>>
    %dma_wait3A_56 = tpu.memref_slice %arg2[%mul3A_17] : memref<5000000xi32, #tpu.memory_space<hbm>> -> memref<8000xi32, #tpu.memory_space<hbm>>
    tpu.wait_dma2 semaphore(%arg14 : memref<!tpu.dma_semaphore, #tpu.memory_space<semaphore_mem>>) src(%dma_wait3A_56 : memref<8000xi32, #tpu.memory_space<hbm>>) dst(%dma_wait3A_55 : memref<8000xi32, #tpu.memory_space<vmem>>)
    %dma_start3A_57 = arith.constant 0 : i32
    %dma_start3A_58 = tpu.memref_slice %arg10[%dma_start3A_57] : memref<8000xf32, #tpu.memory_space<vmem>> -> memref<8000xf32, #tpu.memory_space<vmem>>
    %dma_start3A_59 = arith.constant 0 : i32
    %dma_start3A_60 = tpu.memref_slice %arg7[%dma_start3A_59] : memref<8000xi32, #tpu.memory_space<vmem>> -> memref<8000xi32, #tpu.memory_space<vmem>>
    %dma_start3A_61 = arith.constant 0 : i32
    %dma_start3A_62 = tpu.memref_slice %arg3[%dma_start3A_61] : memref<10000000xf32, #tpu.memory_space<hbm>> -> memref<10000000xf32, #tpu.memory_space<hbm>>
    tpu.enqueue_indirect_dma source(%dma_start3A_62 : memref<10000000xf32, #tpu.memory_space<hbm>>) target(%dma_start3A_58 : memref<8000xf32, #tpu.memory_space<vmem>>) offsets(%dma_start3A_60 : memref<8000xi32, #tpu.memory_space<vmem>>) semaphore(%arg17 : memref<!tpu.dma_semaphore, #tpu.memory_space<semaphore_mem>>)
    %broadcast_in_dim3A_63 = arith.constant 0.000000e+00 : f32
    %broadcast_in_dim3A_64 = vector.broadcast %broadcast_in_dim3A_63 : f32 to vector<16xf32>
    %dma_wait3A_65 = arith.constant 0 : i32
    %dma_wait3A_66 = tpu.memref_slice %arg8[%dma_wait3A_65] : memref<8000xi32, #tpu.memory_space<vmem>> -> memref<8000xi32, #tpu.memory_space<vmem>>
    %dma_wait3A_67 = tpu.memref_slice %arg2[%mul3A_27] : memref<5000000xi32, #tpu.memory_space<hbm>> -> memref<8000xi32, #tpu.memory_space<hbm>>
    %dma_wait3A_68 = arith.constant 0 : i32
    %dma_wait3A_69 = tpu.memref_slice %arg8[%dma_wait3A_68] : memref<8000xi32, #tpu.memory_space<vmem>> -> memref<8000xi32, #tpu.memory_space<vmem>>
    %dma_wait3A_70 = tpu.memref_slice %arg2[%mul3A_27] : memref<5000000xi32, #tpu.memory_space<hbm>> -> memref<8000xi32, #tpu.memory_space<hbm>>
    tpu.wait_dma2 semaphore(%arg15 : memref<!tpu.dma_semaphore, #tpu.memory_space<semaphore_mem>>) src(%dma_wait3A_70 : memref<8000xi32, #tpu.memory_space<hbm>>) dst(%dma_wait3A_69 : memref<8000xi32, #tpu.memory_space<vmem>>)
    %dma_start3A_71 = arith.constant 0 : i32
    %dma_start3A_72 = tpu.memref_slice %arg11[%dma_start3A_71] : memref<8000xf32, #tpu.memory_space<vmem>> -> memref<8000xf32, #tpu.memory_space<vmem>>
    %dma_start3A_73 = arith.constant 0 : i32
    %dma_start3A_74 = tpu.memref_slice %arg8[%dma_start3A_73] : memref<8000xi32, #tpu.memory_space<vmem>> -> memref<8000xi32, #tpu.memory_space<vmem>>
    %dma_start3A_75 = arith.constant 0 : i32
    %dma_start3A_76 = tpu.memref_slice %arg3[%dma_start3A_75] : memref<10000000xf32, #tpu.memory_space<hbm>> -> memref<10000000xf32, #tpu.memory_space<hbm>>
    tpu.enqueue_indirect_dma source(%dma_start3A_76 : memref<10000000xf32, #tpu.memory_space<hbm>>) target(%dma_start3A_72 : memref<8000xf32, #tpu.memory_space<vmem>>) offsets(%dma_start3A_74 : memref<8000xi32, #tpu.memory_space<vmem>>) semaphore(%arg18 : memref<!tpu.dma_semaphore, #tpu.memory_space<semaphore_mem>>)
    %dma_wait3A_77 = arith.constant 0 : i32
    %dma_wait3A_78 = tpu.memref_slice %arg9[%dma_wait3A_77] : memref<8000xf32, #tpu.memory_space<vmem>> -> memref<8000xf32, #tpu.memory_space<vmem>>
    %dma_wait3A_79 = arith.constant 0 : i32
    %dma_wait3A_80 = tpu.memref_slice %arg6[%dma_wait3A_79] : memref<8000xi32, #tpu.memory_space<vmem>> -> memref<8000xi32, #tpu.memory_space<vmem>>
    %dma_wait3A_81 = arith.constant 0 : i32
    %dma_wait3A_82 = tpu.memref_slice %arg3[%dma_wait3A_81] : memref<10000000xf32, #tpu.memory_space<hbm>> -> memref<10000000xf32, #tpu.memory_space<hbm>>
    tpu.wait_indirect_dma semaphore(%arg16 : memref<!tpu.dma_semaphore, #tpu.memory_space<semaphore_mem>>) src(%dma_wait3A_82 : memref<10000000xf32, #tpu.memory_space<hbm>>) dst(%dma_wait3A_78 : memref<8000xf32, #tpu.memory_space<vmem>>)
    %add3A_83 = arith.constant 96 : i32
    %add3A_84 = arith.addi %add3A, %add3A_83 : i32
    %mul3A_85 = arith.constant 8000 : i32
    %mul3A_86 = arith.muli %add3A_84, %mul3A_85 : i32
    %dma_start3A_87 = arith.constant 0 : i32
    %dma_start3A_88 = tpu.memref_slice %arg6[%dma_start3A_87] : memref<8000xi32, #tpu.memory_space<vmem>> -> memref<8000xi32, #tpu.memory_space<vmem>>
    %dma_start3A_89 = tpu.memref_slice %arg2[%mul3A_86] : memref<5000000xi32, #tpu.memory_space<hbm>> -> memref<8000xi32, #tpu.memory_space<hbm>>
    %dma_start3A_90 = arith.constant 0 : i32
    %dma_start3A_91 = tpu.memref_slice %arg6[%dma_start3A_90] : memref<8000xi32, #tpu.memory_space<vmem>> -> memref<8000xi32, #tpu.memory_space<vmem>>
    %dma_start3A_92 = tpu.memref_slice %arg2[%mul3A_86] : memref<5000000xi32, #tpu.memory_space<hbm>> -> memref<8000xi32, #tpu.memory_space<hbm>>
    tpu.enqueue_dma source(%dma_start3A_92 : memref<8000xi32, #tpu.memory_space<hbm>>) target(%dma_start3A_91 : memref<8000xi32, #tpu.memory_space<vmem>>) target_semaphore(%arg13 : memref<!tpu.dma_semaphore, #tpu.memory_space<semaphore_mem>>)
    %broadcast_in_dim3A_93 = arith.constant 0.000000e+00 : f32
    %broadcast_in_dim3A_94 = vector.broadcast %broadcast_in_dim3A_93 : f32 to vector<16xf32>
    %scan3A = arith.constant 0 : i32
    %scan3A_95 = arith.constant 125 : i32
    %scan3A_96 = arith.addi %scan3A, %scan3A_95 : i32
    %scan3A_97 = arith.constant 1 : i32
    %scan3A_98:4 = scf.for %scan3A_874 = %scan3A to %scan3A_96 step %scan3A_97 iter_args(%scan3A_875 = %broadcast_in_dim3A_94, %scan3A_876 = %broadcast_in_dim3A_94, %scan3A_877 = %broadcast_in_dim3A_94, %scan3A_878 = %broadcast_in_dim3A_94) -> (vector<16xf32>, vector<16xf32>, vector<16xf32>, vector<16xf32>)  : i32 {
      %mul3A_879 = arith.constant 64 : i32
      %mul3A_880 = arith.muli %scan3A_874, %mul3A_879 : i32
      %add3A_881 = arith.constant 0 : i32
      %add3A_882 = arith.addi %mul3A_880, %add3A_881 : i32
      %get3A_883 = arith.index_cast %add3A_882 : i32 to index
      %get3A_884 = tpu.vector_load %arg9[%get3A_883] {strides = array<i32>} : memref<8000xf32, #tpu.memory_space<vmem>>, vector<16xf32>,
      %get3A_885 = vector.shape_cast %get3A_884 : vector<16xf32> to vector<16xf32>
      %sub3A_886 = arith.subf %get3A_885, %broadcast_in_dim3A : vector<16xf32>
      %mul3A_887 = arith.mulf %sub3A_886, %sub3A_886 : vector<16xf32>
      %add3A_888 = arith.addf %scan3A_875, %mul3A_887 : vector<16xf32>
      %add3A_889 = arith.constant 16 : i32
      %add3A_890 = arith.addi %mul3A_880, %add3A_889 : i32
      %get3A_891 = arith.index_cast %add3A_890 : i32 to index
      %get3A_892 = tpu.vector_load %arg9[%get3A_891] {strides = array<i32>} : memref<8000xf32, #tpu.memory_space<vmem>>, vector<16xf32>,
      %get3A_893 = vector.shape_cast %get3A_892 : vector<16xf32> to vector<16xf32>
      %sub3A_894 = arith.subf %get3A_893, %broadcast_in_dim3A : vector<16xf32>
      %mul3A_895 = arith.mulf %sub3A_894, %sub3A_894 : vector<16xf32>
      %add3A_896 = arith.addf %scan3A_876, %mul3A_895 : vector<16xf32>
      %add3A_897 = arith.constant 32 : i32
      %add3A_898 = arith.addi %mul3A_880, %add3A_897 : i32
      %get3A_899 = arith.index_cast %add3A_898 : i32 to index
      %get3A_900 = tpu.vector_load %arg9[%get3A_899] {strides = array<i32>} : memref<8000xf32, #tpu.memory_space<vmem>>, vector<16xf32>,
      %get3A_901 = vector.shape_cast %get3A_900 : vector<16xf32> to vector<16xf32>
      %sub3A_902 = arith.subf %get3A_901, %broadcast_in_dim3A : vector<16xf32>
      %mul3A_903 = arith.mulf %sub3A_902, %sub3A_902 : vector<16xf32>
      %add3A_904 = arith.addf %scan3A_877, %mul3A_903 : vector<16xf32>
      %add3A_905 = arith.constant 48 : i32
      %add3A_906 = arith.addi %mul3A_880, %add3A_905 : i32
      %get3A_907 = arith.index_cast %add3A_906 : i32 to index
      %get3A_908 = tpu.vector_load %arg9[%get3A_907] {strides = array<i32>} : memref<8000xf32, #tpu.memory_space<vmem>>, vector<16xf32>,
      %get3A_909 = vector.shape_cast %get3A_908 : vector<16xf32> to vector<16xf32>
      %sub3A_910 = arith.subf %get3A_909, %broadcast_in_dim3A : vector<16xf32>
      %mul3A_911 = arith.mulf %sub3A_910, %sub3A_910 : vector<16xf32>
      %add3A_912 = arith.addf %scan3A_878, %mul3A_911 : vector<16xf32>
      scf.yield %add3A_888, %add3A_896, %add3A_904, %add3A_912 : vector<16xf32>, vector<16xf32>, vector<16xf32>, vector<16xf32>
    }
    %scan3A_99 = arith.constant 125 : i32
    %add3A_100 = arith.addf %scan3A_98#0, %scan3A_98#1 : vector<16xf32>
    %add3A_101 = arith.addf %scan3A_98#2, %scan3A_98#3 : vector<16xf32>
    %add3A_102 = arith.addf %add3A_100, %add3A_101 : vector<16xf32>
    %add3A_103 = arith.addf %broadcast_in_dim3A_64, %add3A_102 : vector<16xf32>
    %dma_wait3A_104 = arith.constant 0 : i32
    %dma_wait3A_105 = tpu.memref_slice %arg6[%dma_wait3A_104] : memref<8000xi32, #tpu.memory_space<vmem>> -> memref<8000xi32, #tpu.memory_space<vmem>>
    %dma_wait3A_106 = tpu.memref_slice %arg2[%mul3A_86] : memref<5000000xi32, #tpu.memory_space<hbm>> -> memref<8000xi32, #tpu.memory_space<hbm>>
    %dma_wait3A_107 = arith.constant 0 : i32
    %dma_wait3A_108 = tpu.memref_slice %arg6[%dma_wait3A_107] : memref<8000xi32, #tpu.memory_space<vmem>> -> memref<8000xi32, #tpu.memory_space<vmem>>
    %dma_wait3A_109 = tpu.memref_slice %arg2[%mul3A_86] : memref<5000000xi32, #tpu.memory_space<hbm>> -> memref<8000xi32, #tpu.memory_space<hbm>>
    tpu.wait_dma2 semaphore(%arg13 : memref<!tpu.dma_semaphore, #tpu.memory_space<semaphore_mem>>) src(%dma_wait3A_109 : memref<8000xi32, #tpu.memory_space<hbm>>) dst(%dma_wait3A_108 : memref<8000xi32, #tpu.memory_space<vmem>>)
    %dma_start3A_110 = arith.constant 0 : i32
    %dma_start3A_111 = tpu.memref_slice %arg9[%dma_start3A_110] : memref<8000xf32, #tpu.memory_space<vmem>> -> memref<8000xf32, #tpu.memory_space<vmem>>
    %dma_start3A_112 = arith.constant 0 : i32
    %dma_start3A_113 = tpu.memref_slice %arg6[%dma_start3A_112] : memref<8000xi32, #tpu.memory_space<vmem>> -> memref<8000xi32, #tpu.memory_space<vmem>>
    %dma_start3A_114 = arith.constant 0 : i32
    %dma_start3A_115 = tpu.memref_slice %arg3[%dma_start3A_114] : memref<10000000xf32, #tpu.memory_space<hbm>> -> memref<10000000xf32, #tpu.memory_space<hbm>>
    tpu.enqueue_indirect_dma source(%dma_start3A_115 : memref<10000000xf32, #tpu.memory_space<hbm>>) target(%dma_start3A_111 : memref<8000xf32, #tpu.memory_space<vmem>>) offsets(%dma_start3A_113 : memref<8000xi32, #tpu.memory_space<vmem>>) semaphore(%arg16 : memref<!tpu.dma_semaphore, #tpu.memory_space<semaphore_mem>>)
    %dma_wait3A_116 = arith.constant 0 : i32
    %dma_wait3A_117 = tpu.memref_slice %arg10[%dma_wait3A_116] : memref<8000xf32, #tpu.memory_space<vmem>> -> memref<8000xf32, #tpu.memory_space<vmem>>
    %dma_wait3A_118 = arith.constant 0 : i32
    %dma_wait3A_119 = tpu.memref_slice %arg7[%dma_wait3A_118] : memref<8000xi32, #tpu.memory_space<vmem>> -> memref<8000xi32, #tpu.memory_space<vmem>>
    %dma_wait3A_120 = arith.constant 0 : i32
    %dma_wait3A_121 = tpu.memref_slice %arg3[%dma_wait3A_120] : memref<10000000xf32, #tpu.memory_space<hbm>> -> memref<10000000xf32, #tpu.memory_space<hbm>>
    tpu.wait_indirect_dma semaphore(%arg17 : memref<!tpu.dma_semaphore, #tpu.memory_space<semaphore_mem>>) src(%dma_wait3A_121 : memref<10000000xf32, #tpu.memory_space<hbm>>) dst(%dma_wait3A_117 : memref<8000xf32, #tpu.memory_space<vmem>>)
    %add3A_122 = arith.constant 128 : i32
    %add3A_123 = arith.addi %add3A, %add3A_122 : i32
    %mul3A_124 = arith.constant 8000 : i32
    %mul3A_125 = arith.muli %add3A_123, %mul3A_124 : i32
    %dma_start3A_126 = arith.constant 0 : i32
    %dma_start3A_127 = tpu.memref_slice %arg7[%dma_start3A_126] : memref<8000xi32, #tpu.memory_space<vmem>> -> memref<8000xi32, #tpu.memory_space<vmem>>
    %dma_start3A_128 = tpu.memref_slice %arg2[%mul3A_125] : memref<5000000xi32, #tpu.memory_space<hbm>> -> memref<8000xi32, #tpu.memory_space<hbm>>
    %dma_start3A_129 = arith.constant 0 : i32
    %dma_start3A_130 = tpu.memref_slice %arg7[%dma_start3A_129] : memref<8000xi32, #tpu.memory_space<vmem>> -> memref<8000xi32, #tpu.memory_space<vmem>>
    %dma_start3A_131 = tpu.memref_slice %arg2[%mul3A_125] : memref<5000000xi32, #tpu.memory_space<hbm>> -> memref<8000xi32, #tpu.memory_space<hbm>>
    tpu.enqueue_dma source(%dma_start3A_131 : memref<8000xi32, #tpu.memory_space<hbm>>) target(%dma_start3A_130 : memref<8000xi32, #tpu.memory_space<vmem>>) target_semaphore(%arg14 : memref<!tpu.dma_semaphore, #tpu.memory_space<semaphore_mem>>)
    %broadcast_in_dim3A_132 = arith.constant 0.000000e+00 : f32
    %broadcast_in_dim3A_133 = vector.broadcast %broadcast_in_dim3A_132 : f32 to vector<16xf32>
    %scan3A_134 = arith.constant 0 : i32
    %scan3A_135 = arith.constant 125 : i32
    %scan3A_136 = arith.addi %scan3A_134, %scan3A_135 : i32
    %scan3A_137 = arith.constant 1 : i32
    %scan3A_138:4 = scf.for %scan3A_874 = %scan3A_134 to %scan3A_136 step %scan3A_137 iter_args(%scan3A_875 = %broadcast_in_dim3A_133, %scan3A_876 = %broadcast_in_dim3A_133, %scan3A_877 = %broadcast_in_dim3A_133, %scan3A_878 = %broadcast_in_dim3A_133) -> (vector<16xf32>, vector<16xf32>, vector<16xf32>, vector<16xf32>)  : i32 {
      %mul3A_879 = arith.constant 64 : i32
      %mul3A_880 = arith.muli %scan3A_874, %mul3A_879 : i32
      %add3A_881 = arith.constant 0 : i32
      %add3A_882 = arith.addi %mul3A_880, %add3A_881 : i32
      %get3A_883 = arith.index_cast %add3A_882 : i32 to index
      %get3A_884 = tpu.vector_load %arg10[%get3A_883] {strides = array<i32>} : memref<8000xf32, #tpu.memory_space<vmem>>, vector<16xf32>,
      %get3A_885 = vector.shape_cast %get3A_884 : vector<16xf32> to vector<16xf32>
      %sub3A_886 = arith.subf %get3A_885, %broadcast_in_dim3A : vector<16xf32>
      %mul3A_887 = arith.mulf %sub3A_886, %sub3A_886 : vector<16xf32>
      %add3A_888 = arith.addf %scan3A_875, %mul3A_887 : vector<16xf32>
      %add3A_889 = arith.constant 16 : i32
      %add3A_890 = arith.addi %mul3A_880, %add3A_889 : i32
      %get3A_891 = arith.index_cast %add3A_890 : i32 to index
      %get3A_892 = tpu.vector_load %arg10[%get3A_891] {strides = array<i32>} : memref<8000xf32, #tpu.memory_space<vmem>>, vector<16xf32>,
      %get3A_893 = vector.shape_cast %get3A_892 : vector<16xf32> to vector<16xf32>
      %sub3A_894 = arith.subf %get3A_893, %broadcast_in_dim3A : vector<16xf32>
      %mul3A_895 = arith.mulf %sub3A_894, %sub3A_894 : vector<16xf32>
      %add3A_896 = arith.addf %scan3A_876, %mul3A_895 : vector<16xf32>
      %add3A_897 = arith.constant 32 : i32
      %add3A_898 = arith.addi %mul3A_880, %add3A_897 : i32
      %get3A_899 = arith.index_cast %add3A_898 : i32 to index
      %get3A_900 = tpu.vector_load %arg10[%get3A_899] {strides = array<i32>} : memref<8000xf32, #tpu.memory_space<vmem>>, vector<16xf32>,
      %get3A_901 = vector.shape_cast %get3A_900 : vector<16xf32> to vector<16xf32>
      %sub3A_902 = arith.subf %get3A_901, %broadcast_in_dim3A : vector<16xf32>
      %mul3A_903 = arith.mulf %sub3A_902, %sub3A_902 : vector<16xf32>
      %add3A_904 = arith.addf %scan3A_877, %mul3A_903 : vector<16xf32>
      %add3A_905 = arith.constant 48 : i32
      %add3A_906 = arith.addi %mul3A_880, %add3A_905 : i32
      %get3A_907 = arith.index_cast %add3A_906 : i32 to index
      %get3A_908 = tpu.vector_load %arg10[%get3A_907] {strides = array<i32>} : memref<8000xf32, #tpu.memory_space<vmem>>, vector<16xf32>,
      %get3A_909 = vector.shape_cast %get3A_908 : vector<16xf32> to vector<16xf32>
      %sub3A_910 = arith.subf %get3A_909, %broadcast_in_dim3A : vector<16xf32>
      %mul3A_911 = arith.mulf %sub3A_910, %sub3A_910 : vector<16xf32>
      %add3A_912 = arith.addf %scan3A_878, %mul3A_911 : vector<16xf32>
      scf.yield %add3A_888, %add3A_896, %add3A_904, %add3A_912 : vector<16xf32>, vector<16xf32>, vector<16xf32>, vector<16xf32>
    }
    %scan3A_139 = arith.constant 125 : i32
    %add3A_140 = arith.addf %scan3A_138#0, %scan3A_138#1 : vector<16xf32>
    %add3A_141 = arith.addf %scan3A_138#2, %scan3A_138#3 : vector<16xf32>
    %add3A_142 = arith.addf %add3A_140, %add3A_141 : vector<16xf32>
    %add3A_143 = arith.addf %add3A_103, %add3A_142 : vector<16xf32>
    %dma_wait3A_144 = arith.constant 0 : i32
    %dma_wait3A_145 = tpu.memref_slice %arg7[%dma_wait3A_144] : memref<8000xi32, #tpu.memory_space<vmem>> -> memref<8000xi32, #tpu.memory_space<vmem>>
    %dma_wait3A_146 = tpu.memref_slice %arg2[%mul3A_125] : memref<5000000xi32, #tpu.memory_space<hbm>> -> memref<8000xi32, #tpu.memory_space<hbm>>
    %dma_wait3A_147 = arith.constant 0 : i32
    %dma_wait3A_148 = tpu.memref_slice %arg7[%dma_wait3A_147] : memref<8000xi32, #tpu.memory_space<vmem>> -> memref<8000xi32, #tpu.memory_space<vmem>>
    %dma_wait3A_149 = tpu.memref_slice %arg2[%mul3A_125] : memref<5000000xi32, #tpu.memory_space<hbm>> -> memref<8000xi32, #tpu.memory_space<hbm>>
    tpu.wait_dma2 semaphore(%arg14 : memref<!tpu.dma_semaphore, #tpu.memory_space<semaphore_mem>>) src(%dma_wait3A_149 : memref<8000xi32, #tpu.memory_space<hbm>>) dst(%dma_wait3A_148 : memref<8000xi32, #tpu.memory_space<vmem>>)
    %dma_start3A_150 = arith.constant 0 : i32
    %dma_start3A_151 = tpu.memref_slice %arg10[%dma_start3A_150] : memref<8000xf32, #tpu.memory_space<vmem>> -> memref<8000xf32, #tpu.memory_space<vmem>>
    %dma_start3A_152 = arith.constant 0 : i32
    %dma_start3A_153 = tpu.memref_slice %arg7[%dma_start3A_152] : memref<8000xi32, #tpu.memory_space<vmem>> -> memref<8000xi32, #tpu.memory_space<vmem>>
    %dma_start3A_154 = arith.constant 0 : i32
    %dma_start3A_155 = tpu.memref_slice %arg3[%dma_start3A_154] : memref<10000000xf32, #tpu.memory_space<hbm>> -> memref<10000000xf32, #tpu.memory_space<hbm>>
    tpu.enqueue_indirect_dma source(%dma_start3A_155 : memref<10000000xf32, #tpu.memory_space<hbm>>) target(%dma_start3A_151 : memref<8000xf32, #tpu.memory_space<vmem>>) offsets(%dma_start3A_153 : memref<8000xi32, #tpu.memory_space<vmem>>) semaphore(%arg17 : memref<!tpu.dma_semaphore, #tpu.memory_space<semaphore_mem>>)
    %dma_wait3A_156 = arith.constant 0 : i32
    %dma_wait3A_157 = tpu.memref_slice %arg11[%dma_wait3A_156] : memref<8000xf32, #tpu.memory_space<vmem>> -> memref<8000xf32, #tpu.memory_space<vmem>>
    %dma_wait3A_158 = arith.constant 0 : i32
    %dma_wait3A_159 = tpu.memref_slice %arg8[%dma_wait3A_158] : memref<8000xi32, #tpu.memory_space<vmem>> -> memref<8000xi32, #tpu.memory_space<vmem>>
    %dma_wait3A_160 = arith.constant 0 : i32
    %dma_wait3A_161 = tpu.memref_slice %arg3[%dma_wait3A_160] : memref<10000000xf32, #tpu.memory_space<hbm>> -> memref<10000000xf32, #tpu.memory_space<hbm>>
    tpu.wait_indirect_dma semaphore(%arg18 : memref<!tpu.dma_semaphore, #tpu.memory_space<semaphore_mem>>) src(%dma_wait3A_161 : memref<10000000xf32, #tpu.memory_space<hbm>>) dst(%dma_wait3A_157 : memref<8000xf32, #tpu.memory_space<vmem>>)
    %add3A_162 = arith.constant 160 : i32
    %add3A_163 = arith.addi %add3A, %add3A_162 : i32
    %mul3A_164 = arith.constant 8000 : i32
    %mul3A_165 = arith.muli %add3A_163, %mul3A_164 : i32
    %dma_start3A_166 = arith.constant 0 : i32
    %dma_start3A_167 = tpu.memref_slice %arg8[%dma_start3A_166] : memref<8000xi32, #tpu.memory_space<vmem>> -> memref<8000xi32, #tpu.memory_space<vmem>>
    %dma_start3A_168 = tpu.memref_slice %arg2[%mul3A_165] : memref<5000000xi32, #tpu.memory_space<hbm>> -> memref<8000xi32, #tpu.memory_space<hbm>>
    %dma_start3A_169 = arith.constant 0 : i32
    %dma_start3A_170 = tpu.memref_slice %arg8[%dma_start3A_169] : memref<8000xi32, #tpu.memory_space<vmem>> -> memref<8000xi32, #tpu.memory_space<vmem>>
    %dma_start3A_171 = tpu.memref_slice %arg2[%mul3A_165] : memref<5000000xi32, #tpu.memory_space<hbm>> -> memref<8000xi32, #tpu.memory_space<hbm>>
    tpu.enqueue_dma source(%dma_start3A_171 : memref<8000xi32, #tpu.memory_space<hbm>>) target(%dma_start3A_170 : memref<8000xi32, #tpu.memory_space<vmem>>) target_semaphore(%arg15 : memref<!tpu.dma_semaphore, #tpu.memory_space<semaphore_mem>>)
    %broadcast_in_dim3A_172 = arith.constant 0.000000e+00 : f32
    %broadcast_in_dim3A_173 = vector.broadcast %broadcast_in_dim3A_172 : f32 to vector<16xf32>
    %scan3A_174 = arith.constant 0 : i32
    %scan3A_175 = arith.constant 125 : i32
    %scan3A_176 = arith.addi %scan3A_174, %scan3A_175 : i32
    %scan3A_177 = arith.constant 1 : i32
    %scan3A_178:4 = scf.for %scan3A_874 = %scan3A_174 to %scan3A_176 step %scan3A_177 iter_args(%scan3A_875 = %broadcast_in_dim3A_173, %scan3A_876 = %broadcast_in_dim3A_173, %scan3A_877 = %broadcast_in_dim3A_173, %scan3A_878 = %broadcast_in_dim3A_173) -> (vector<16xf32>, vector<16xf32>, vector<16xf32>, vector<16xf32>)  : i32 {
      %mul3A_879 = arith.constant 64 : i32
      %mul3A_880 = arith.muli %scan3A_874, %mul3A_879 : i32
      %add3A_881 = arith.constant 0 : i32
      %add3A_882 = arith.addi %mul3A_880, %add3A_881 : i32
      %get3A_883 = arith.index_cast %add3A_882 : i32 to index
      %get3A_884 = tpu.vector_load %arg11[%get3A_883] {strides = array<i32>} : memref<8000xf32, #tpu.memory_space<vmem>>, vector<16xf32>,
      %get3A_885 = vector.shape_cast %get3A_884 : vector<16xf32> to vector<16xf32>
      %sub3A_886 = arith.subf %get3A_885, %broadcast_in_dim3A : vector<16xf32>
      %mul3A_887 = arith.mulf %sub3A_886, %sub3A_886 : vector<16xf32>
      %add3A_888 = arith.addf %scan3A_875, %mul3A_887 : vector<16xf32>
      %add3A_889 = arith.constant 16 : i32
      %add3A_890 = arith.addi %mul3A_880, %add3A_889 : i32
      %get3A_891 = arith.index_cast %add3A_890 : i32 to index
      %get3A_892 = tpu.vector_load %arg11[%get3A_891] {strides = array<i32>} : memref<8000xf32, #tpu.memory_space<vmem>>, vector<16xf32>,
      %get3A_893 = vector.shape_cast %get3A_892 : vector<16xf32> to vector<16xf32>
      %sub3A_894 = arith.subf %get3A_893, %broadcast_in_dim3A : vector<16xf32>
      %mul3A_895 = arith.mulf %sub3A_894, %sub3A_894 : vector<16xf32>
      %add3A_896 = arith.addf %scan3A_876, %mul3A_895 : vector<16xf32>
      %add3A_897 = arith.constant 32 : i32
      %add3A_898 = arith.addi %mul3A_880, %add3A_897 : i32
      %get3A_899 = arith.index_cast %add3A_898 : i32 to index
      %get3A_900 = tpu.vector_load %arg11[%get3A_899] {strides = array<i32>} : memref<8000xf32, #tpu.memory_space<vmem>>, vector<16xf32>,
      %get3A_901 = vector.shape_cast %get3A_900 : vector<16xf32> to vector<16xf32>
      %sub3A_902 = arith.subf %get3A_901, %broadcast_in_dim3A : vector<16xf32>
      %mul3A_903 = arith.mulf %sub3A_902, %sub3A_902 : vector<16xf32>
      %add3A_904 = arith.addf %scan3A_877, %mul3A_903 : vector<16xf32>
      %add3A_905 = arith.constant 48 : i32
      %add3A_906 = arith.addi %mul3A_880, %add3A_905 : i32
      %get3A_907 = arith.index_cast %add3A_906 : i32 to index
      %get3A_908 = tpu.vector_load %arg11[%get3A_907] {strides = array<i32>} : memref<8000xf32, #tpu.memory_space<vmem>>, vector<16xf32>,
      %get3A_909 = vector.shape_cast %get3A_908 : vector<16xf32> to vector<16xf32>
      %sub3A_910 = arith.subf %get3A_909, %broadcast_in_dim3A : vector<16xf32>
      %mul3A_911 = arith.mulf %sub3A_910, %sub3A_910 : vector<16xf32>
      %add3A_912 = arith.addf %scan3A_878, %mul3A_911 : vector<16xf32>
      scf.yield %add3A_888, %add3A_896, %add3A_904, %add3A_912 : vector<16xf32>, vector<16xf32>, vector<16xf32>, vector<16xf32>
    }
    %scan3A_179 = arith.constant 125 : i32
    %add3A_180 = arith.addf %scan3A_178#0, %scan3A_178#1 : vector<16xf32>
    %add3A_181 = arith.addf %scan3A_178#2, %scan3A_178#3 : vector<16xf32>
    %add3A_182 = arith.addf %add3A_180, %add3A_181 : vector<16xf32>
    %add3A_183 = arith.addf %add3A_143, %add3A_182 : vector<16xf32>
    %dma_wait3A_184 = arith.constant 0 : i32
    %dma_wait3A_185 = tpu.memref_slice %arg8[%dma_wait3A_184] : memref<8000xi32, #tpu.memory_space<vmem>> -> memref<8000xi32, #tpu.memory_space<vmem>>
    %dma_wait3A_186 = tpu.memref_slice %arg2[%mul3A_165] : memref<5000000xi32, #tpu.memory_space<hbm>> -> memref<8000xi32, #tpu.memory_space<hbm>>
    %dma_wait3A_187 = arith.constant 0 : i32
    %dma_wait3A_188 = tpu.memref_slice %arg8[%dma_wait3A_187] : memref<8000xi32, #tpu.memory_space<vmem>> -> memref<8000xi32, #tpu.memory_space<vmem>>
    %dma_wait3A_189 = tpu.memref_slice %arg2[%mul3A_165] : memref<5000000xi32, #tpu.memory_space<hbm>> -> memref<8000xi32, #tpu.memory_space<hbm>>
    tpu.wait_dma2 semaphore(%arg15 : memref<!tpu.dma_semaphore, #tpu.memory_space<semaphore_mem>>) src(%dma_wait3A_189 : memref<8000xi32, #tpu.memory_space<hbm>>) dst(%dma_wait3A_188 : memref<8000xi32, #tpu.memory_space<vmem>>)
    %dma_start3A_190 = arith.constant 0 : i32
    %dma_start3A_191 = tpu.memref_slice %arg11[%dma_start3A_190] : memref<8000xf32, #tpu.memory_space<vmem>> -> memref<8000xf32, #tpu.memory_space<vmem>>
    %dma_start3A_192 = arith.constant 0 : i32
    %dma_start3A_193 = tpu.memref_slice %arg8[%dma_start3A_192] : memref<8000xi32, #tpu.memory_space<vmem>> -> memref<8000xi32, #tpu.memory_space<vmem>>
    %dma_start3A_194 = arith.constant 0 : i32
    %dma_start3A_195 = tpu.memref_slice %arg3[%dma_start3A_194] : memref<10000000xf32, #tpu.memory_space<hbm>> -> memref<10000000xf32, #tpu.memory_space<hbm>>
    tpu.enqueue_indirect_dma source(%dma_start3A_195 : memref<10000000xf32, #tpu.memory_space<hbm>>) target(%dma_start3A_191 : memref<8000xf32, #tpu.memory_space<vmem>>) offsets(%dma_start3A_193 : memref<8000xi32, #tpu.memory_space<vmem>>) semaphore(%arg18 : memref<!tpu.dma_semaphore, #tpu.memory_space<semaphore_mem>>)
    %dma_wait3A_196 = arith.constant 0 : i32
    %dma_wait3A_197 = tpu.memref_slice %arg9[%dma_wait3A_196] : memref<8000xf32, #tpu.memory_space<vmem>> -> memref<8000xf32, #tpu.memory_space<vmem>>
    %dma_wait3A_198 = arith.constant 0 : i32
    %dma_wait3A_199 = tpu.memref_slice %arg6[%dma_wait3A_198] : memref<8000xi32, #tpu.memory_space<vmem>> -> memref<8000xi32, #tpu.memory_space<vmem>>
    %dma_wait3A_200 = arith.constant 0 : i32
    %dma_wait3A_201 = tpu.memref_slice %arg3[%dma_wait3A_200] : memref<10000000xf32, #tpu.memory_space<hbm>> -> memref<10000000xf32, #tpu.memory_space<hbm>>
    tpu.wait_indirect_dma semaphore(%arg16 : memref<!tpu.dma_semaphore, #tpu.memory_space<semaphore_mem>>) src(%dma_wait3A_201 : memref<10000000xf32, #tpu.memory_space<hbm>>) dst(%dma_wait3A_197 : memref<8000xf32, #tpu.memory_space<vmem>>)
    %add3A_202 = arith.constant 192 : i32
    %add3A_203 = arith.addi %add3A, %add3A_202 : i32
    %mul3A_204 = arith.constant 8000 : i32
    %mul3A_205 = arith.muli %add3A_203, %mul3A_204 : i32
    %dma_start3A_206 = arith.constant 0 : i32
    %dma_start3A_207 = tpu.memref_slice %arg6[%dma_start3A_206] : memref<8000xi32, #tpu.memory_space<vmem>> -> memref<8000xi32, #tpu.memory_space<vmem>>
    %dma_start3A_208 = tpu.memref_slice %arg2[%mul3A_205] : memref<5000000xi32, #tpu.memory_space<hbm>> -> memref<8000xi32, #tpu.memory_space<hbm>>
    %dma_start3A_209 = arith.constant 0 : i32
    %dma_start3A_210 = tpu.memref_slice %arg6[%dma_start3A_209] : memref<8000xi32, #tpu.memory_space<vmem>> -> memref<8000xi32, #tpu.memory_space<vmem>>
    %dma_start3A_211 = tpu.memref_slice %arg2[%mul3A_205] : memref<5000000xi32, #tpu.memory_space<hbm>> -> memref<8000xi32, #tpu.memory_space<hbm>>
    tpu.enqueue_dma source(%dma_start3A_211 : memref<8000xi32, #tpu.memory_space<hbm>>) target(%dma_start3A_210 : memref<8000xi32, #tpu.memory_space<vmem>>) target_semaphore(%arg13 : memref<!tpu.dma_semaphore, #tpu.memory_space<semaphore_mem>>)
    %broadcast_in_dim3A_212 = arith.constant 0.000000e+00 : f32
    %broadcast_in_dim3A_213 = vector.broadcast %broadcast_in_dim3A_212 : f32 to vector<16xf32>
    %scan3A_214 = arith.constant 0 : i32
    %scan3A_215 = arith.constant 125 : i32
    %scan3A_216 = arith.addi %scan3A_214, %scan3A_215 : i32
    %scan3A_217 = arith.constant 1 : i32
    %scan3A_218:4 = scf.for %scan3A_874 = %scan3A_214 to %scan3A_216 step %scan3A_217 iter_args(%scan3A_875 = %broadcast_in_dim3A_213, %scan3A_876 = %broadcast_in_dim3A_213, %scan3A_877 = %broadcast_in_dim3A_213, %scan3A_878 = %broadcast_in_dim3A_213) -> (vector<16xf32>, vector<16xf32>, vector<16xf32>, vector<16xf32>)  : i32 {
      %mul3A_879 = arith.constant 64 : i32
      %mul3A_880 = arith.muli %scan3A_874, %mul3A_879 : i32
      %add3A_881 = arith.constant 0 : i32
      %add3A_882 = arith.addi %mul3A_880, %add3A_881 : i32
      %get3A_883 = arith.index_cast %add3A_882 : i32 to index
      %get3A_884 = tpu.vector_load %arg9[%get3A_883] {strides = array<i32>} : memref<8000xf32, #tpu.memory_space<vmem>>, vector<16xf32>,
      %get3A_885 = vector.shape_cast %get3A_884 : vector<16xf32> to vector<16xf32>
      %sub3A_886 = arith.subf %get3A_885, %broadcast_in_dim3A : vector<16xf32>
      %mul3A_887 = arith.mulf %sub3A_886, %sub3A_886 : vector<16xf32>
      %add3A_888 = arith.addf %scan3A_875, %mul3A_887 : vector<16xf32>
      %add3A_889 = arith.constant 16 : i32
      %add3A_890 = arith.addi %mul3A_880, %add3A_889 : i32
      %get3A_891 = arith.index_cast %add3A_890 : i32 to index
      %get3A_892 = tpu.vector_load %arg9[%get3A_891] {strides = array<i32>} : memref<8000xf32, #tpu.memory_space<vmem>>, vector<16xf32>,
      %get3A_893 = vector.shape_cast %get3A_892 : vector<16xf32> to vector<16xf32>
      %sub3A_894 = arith.subf %get3A_893, %broadcast_in_dim3A : vector<16xf32>
      %mul3A_895 = arith.mulf %sub3A_894, %sub3A_894 : vector<16xf32>
      %add3A_896 = arith.addf %scan3A_876, %mul3A_895 : vector<16xf32>
      %add3A_897 = arith.constant 32 : i32
      %add3A_898 = arith.addi %mul3A_880, %add3A_897 : i32
      %get3A_899 = arith.index_cast %add3A_898 : i32 to index
      %get3A_900 = tpu.vector_load %arg9[%get3A_899] {strides = array<i32>} : memref<8000xf32, #tpu.memory_space<vmem>>, vector<16xf32>,
      %get3A_901 = vector.shape_cast %get3A_900 : vector<16xf32> to vector<16xf32>
      %sub3A_902 = arith.subf %get3A_901, %broadcast_in_dim3A : vector<16xf32>
      %mul3A_903 = arith.mulf %sub3A_902, %sub3A_902 : vector<16xf32>
      %add3A_904 = arith.addf %scan3A_877, %mul3A_903 : vector<16xf32>
      %add3A_905 = arith.constant 48 : i32
      %add3A_906 = arith.addi %mul3A_880, %add3A_905 : i32
      %get3A_907 = arith.index_cast %add3A_906 : i32 to index
      %get3A_908 = tpu.vector_load %arg9[%get3A_907] {strides = array<i32>} : memref<8000xf32, #tpu.memory_space<vmem>>, vector<16xf32>,
      %get3A_909 = vector.shape_cast %get3A_908 : vector<16xf32> to vector<16xf32>
      %sub3A_910 = arith.subf %get3A_909, %broadcast_in_dim3A : vector<16xf32>
      %mul3A_911 = arith.mulf %sub3A_910, %sub3A_910 : vector<16xf32>
      %add3A_912 = arith.addf %scan3A_878, %mul3A_911 : vector<16xf32>
      scf.yield %add3A_888, %add3A_896, %add3A_904, %add3A_912 : vector<16xf32>, vector<16xf32>, vector<16xf32>, vector<16xf32>
    }
    %scan3A_219 = arith.constant 125 : i32
    %add3A_220 = arith.addf %scan3A_218#0, %scan3A_218#1 : vector<16xf32>
    %add3A_221 = arith.addf %scan3A_218#2, %scan3A_218#3 : vector<16xf32>
    %add3A_222 = arith.addf %add3A_220, %add3A_221 : vector<16xf32>
    %add3A_223 = arith.addf %add3A_183, %add3A_222 : vector<16xf32>
    %dma_wait3A_224 = arith.constant 0 : i32
    %dma_wait3A_225 = tpu.memref_slice %arg6[%dma_wait3A_224] : memref<8000xi32, #tpu.memory_space<vmem>> -> memref<8000xi32, #tpu.memory_space<vmem>>
    %dma_wait3A_226 = tpu.memref_slice %arg2[%mul3A_205] : memref<5000000xi32, #tpu.memory_space<hbm>> -> memref<8000xi32, #tpu.memory_space<hbm>>
    %dma_wait3A_227 = arith.constant 0 : i32
    %dma_wait3A_228 = tpu.memref_slice %arg6[%dma_wait3A_227] : memref<8000xi32, #tpu.memory_space<vmem>> -> memref<8000xi32, #tpu.memory_space<vmem>>
    %dma_wait3A_229 = tpu.memref_slice %arg2[%mul3A_205] : memref<5000000xi32, #tpu.memory_space<hbm>> -> memref<8000xi32, #tpu.memory_space<hbm>>
    tpu.wait_dma2 semaphore(%arg13 : memref<!tpu.dma_semaphore, #tpu.memory_space<semaphore_mem>>) src(%dma_wait3A_229 : memref<8000xi32, #tpu.memory_space<hbm>>) dst(%dma_wait3A_228 : memref<8000xi32, #tpu.memory_space<vmem>>)
    %dma_start3A_230 = arith.constant 0 : i32
    %dma_start3A_231 = tpu.memref_slice %arg9[%dma_start3A_230] : memref<8000xf32, #tpu.memory_space<vmem>> -> memref<8000xf32, #tpu.memory_space<vmem>>
    %dma_start3A_232 = arith.constant 0 : i32
    %dma_start3A_233 = tpu.memref_slice %arg6[%dma_start3A_232] : memref<8000xi32, #tpu.memory_space<vmem>> -> memref<8000xi32, #tpu.memory_space<vmem>>
    %dma_start3A_234 = arith.constant 0 : i32
    %dma_start3A_235 = tpu.memref_slice %arg3[%dma_start3A_234] : memref<10000000xf32, #tpu.memory_space<hbm>> -> memref<10000000xf32, #tpu.memory_space<hbm>>
    tpu.enqueue_indirect_dma source(%dma_start3A_235 : memref<10000000xf32, #tpu.memory_space<hbm>>) target(%dma_start3A_231 : memref<8000xf32, #tpu.memory_space<vmem>>) offsets(%dma_start3A_233 : memref<8000xi32, #tpu.memory_space<vmem>>) semaphore(%arg16 : memref<!tpu.dma_semaphore, #tpu.memory_space<semaphore_mem>>)
    %dma_wait3A_236 = arith.constant 0 : i32
    %dma_wait3A_237 = tpu.memref_slice %arg10[%dma_wait3A_236] : memref<8000xf32, #tpu.memory_space<vmem>> -> memref<8000xf32, #tpu.memory_space<vmem>>
    %dma_wait3A_238 = arith.constant 0 : i32
    %dma_wait3A_239 = tpu.memref_slice %arg7[%dma_wait3A_238] : memref<8000xi32, #tpu.memory_space<vmem>> -> memref<8000xi32, #tpu.memory_space<vmem>>
    %dma_wait3A_240 = arith.constant 0 : i32
    %dma_wait3A_241 = tpu.memref_slice %arg3[%dma_wait3A_240] : memref<10000000xf32, #tpu.memory_space<hbm>> -> memref<10000000xf32, #tpu.memory_space<hbm>>
    tpu.wait_indirect_dma semaphore(%arg17 : memref<!tpu.dma_semaphore, #tpu.memory_space<semaphore_mem>>) src(%dma_wait3A_241 : memref<10000000xf32, #tpu.memory_space<hbm>>) dst(%dma_wait3A_237 : memref<8000xf32, #tpu.memory_space<vmem>>)
    %add3A_242 = arith.constant 224 : i32
    %add3A_243 = arith.addi %add3A, %add3A_242 : i32
    %mul3A_244 = arith.constant 8000 : i32
    %mul3A_245 = arith.muli %add3A_243, %mul3A_244 : i32
    %dma_start3A_246 = arith.constant 0 : i32
    %dma_start3A_247 = tpu.memref_slice %arg7[%dma_start3A_246] : memref<8000xi32, #tpu.memory_space<vmem>> -> memref<8000xi32, #tpu.memory_space<vmem>>
    %dma_start3A_248 = tpu.memref_slice %arg2[%mul3A_245] : memref<5000000xi32, #tpu.memory_space<hbm>> -> memref<8000xi32, #tpu.memory_space<hbm>>
    %dma_start3A_249 = arith.constant 0 : i32
    %dma_start3A_250 = tpu.memref_slice %arg7[%dma_start3A_249] : memref<8000xi32, #tpu.memory_space<vmem>> -> memref<8000xi32, #tpu.memory_space<vmem>>
    %dma_start3A_251 = tpu.memref_slice %arg2[%mul3A_245] : memref<5000000xi32, #tpu.memory_space<hbm>> -> memref<8000xi32, #tpu.memory_space<hbm>>
    tpu.enqueue_dma source(%dma_start3A_251 : memref<8000xi32, #tpu.memory_space<hbm>>) target(%dma_start3A_250 : memref<8000xi32, #tpu.memory_space<vmem>>) target_semaphore(%arg14 : memref<!tpu.dma_semaphore, #tpu.memory_space<semaphore_mem>>)
    %broadcast_in_dim3A_252 = arith.constant 0.000000e+00 : f32
    %broadcast_in_dim3A_253 = vector.broadcast %broadcast_in_dim3A_252 : f32 to vector<16xf32>
    %scan3A_254 = arith.constant 0 : i32
    %scan3A_255 = arith.constant 125 : i32
    %scan3A_256 = arith.addi %scan3A_254, %scan3A_255 : i32
    %scan3A_257 = arith.constant 1 : i32
    %scan3A_258:4 = scf.for %scan3A_874 = %scan3A_254 to %scan3A_256 step %scan3A_257 iter_args(%scan3A_875 = %broadcast_in_dim3A_253, %scan3A_876 = %broadcast_in_dim3A_253, %scan3A_877 = %broadcast_in_dim3A_253, %scan3A_878 = %broadcast_in_dim3A_253) -> (vector<16xf32>, vector<16xf32>, vector<16xf32>, vector<16xf32>)  : i32 {
      %mul3A_879 = arith.constant 64 : i32
      %mul3A_880 = arith.muli %scan3A_874, %mul3A_879 : i32
      %add3A_881 = arith.constant 0 : i32
      %add3A_882 = arith.addi %mul3A_880, %add3A_881 : i32
      %get3A_883 = arith.index_cast %add3A_882 : i32 to index
      %get3A_884 = tpu.vector_load %arg10[%get3A_883] {strides = array<i32>} : memref<8000xf32, #tpu.memory_space<vmem>>, vector<16xf32>,
      %get3A_885 = vector.shape_cast %get3A_884 : vector<16xf32> to vector<16xf32>
      %sub3A_886 = arith.subf %get3A_885, %broadcast_in_dim3A : vector<16xf32>
      %mul3A_887 = arith.mulf %sub3A_886, %sub3A_886 : vector<16xf32>
      %add3A_888 = arith.addf %scan3A_875, %mul3A_887 : vector<16xf32>
      %add3A_889 = arith.constant 16 : i32
      %add3A_890 = arith.addi %mul3A_880, %add3A_889 : i32
      %get3A_891 = arith.index_cast %add3A_890 : i32 to index
      %get3A_892 = tpu.vector_load %arg10[%get3A_891] {strides = array<i32>} : memref<8000xf32, #tpu.memory_space<vmem>>, vector<16xf32>,
      %get3A_893 = vector.shape_cast %get3A_892 : vector<16xf32> to vector<16xf32>
      %sub3A_894 = arith.subf %get3A_893, %broadcast_in_dim3A : vector<16xf32>
      %mul3A_895 = arith.mulf %sub3A_894, %sub3A_894 : vector<16xf32>
      %add3A_896 = arith.addf %scan3A_876, %mul3A_895 : vector<16xf32>
      %add3A_897 = arith.constant 32 : i32
      %add3A_898 = arith.addi %mul3A_880, %add3A_897 : i32
      %get3A_899 = arith.index_cast %add3A_898 : i32 to index
      %get3A_900 = tpu.vector_load %arg10[%get3A_899] {strides = array<i32>} : memref<8000xf32, #tpu.memory_space<vmem>>, vector<16xf32>,
      %get3A_901 = vector.shape_cast %get3A_900 : vector<16xf32> to vector<16xf32>
      %sub3A_902 = arith.subf %get3A_901, %broadcast_in_dim3A : vector<16xf32>
      %mul3A_903 = arith.mulf %sub3A_902, %sub3A_902 : vector<16xf32>
      %add3A_904 = arith.addf %scan3A_877, %mul3A_903 : vector<16xf32>
      %add3A_905 = arith.constant 48 : i32
      %add3A_906 = arith.addi %mul3A_880, %add3A_905 : i32
      %get3A_907 = arith.index_cast %add3A_906 : i32 to index
      %get3A_908 = tpu.vector_load %arg10[%get3A_907] {strides = array<i32>} : memref<8000xf32, #tpu.memory_space<vmem>>, vector<16xf32>,
      %get3A_909 = vector.shape_cast %get3A_908 : vector<16xf32> to vector<16xf32>
      %sub3A_910 = arith.subf %get3A_909, %broadcast_in_dim3A : vector<16xf32>
      %mul3A_911 = arith.mulf %sub3A_910, %sub3A_910 : vector<16xf32>
      %add3A_912 = arith.addf %scan3A_878, %mul3A_911 : vector<16xf32>
      scf.yield %add3A_888, %add3A_896, %add3A_904, %add3A_912 : vector<16xf32>, vector<16xf32>, vector<16xf32>, vector<16xf32>
    }
    %scan3A_259 = arith.constant 125 : i32
    %add3A_260 = arith.addf %scan3A_258#0, %scan3A_258#1 : vector<16xf32>
    %add3A_261 = arith.addf %scan3A_258#2, %scan3A_258#3 : vector<16xf32>
    %add3A_262 = arith.addf %add3A_260, %add3A_261 : vector<16xf32>
    %add3A_263 = arith.addf %add3A_223, %add3A_262 : vector<16xf32>
    %dma_wait3A_264 = arith.constant 0 : i32
    %dma_wait3A_265 = tpu.memref_slice %arg7[%dma_wait3A_264] : memref<8000xi32, #tpu.memory_space<vmem>> -> memref<8000xi32, #tpu.memory_space<vmem>>
    %dma_wait3A_266 = tpu.memref_slice %arg2[%mul3A_245] : memref<5000000xi32, #tpu.memory_space<hbm>> -> memref<8000xi32, #tpu.memory_space<hbm>>
    %dma_wait3A_267 = arith.constant 0 : i32
    %dma_wait3A_268 = tpu.memref_slice %arg7[%dma_wait3A_267] : memref<8000xi32, #tpu.memory_space<vmem>> -> memref<8000xi32, #tpu.memory_space<vmem>>
    %dma_wait3A_269 = tpu.memref_slice %arg2[%mul3A_245] : memref<5000000xi32, #tpu.memory_space<hbm>> -> memref<8000xi32, #tpu.memory_space<hbm>>
    tpu.wait_dma2 semaphore(%arg14 : memref<!tpu.dma_semaphore, #tpu.memory_space<semaphore_mem>>) src(%dma_wait3A_269 : memref<8000xi32, #tpu.memory_space<hbm>>) dst(%dma_wait3A_268 : memref<8000xi32, #tpu.memory_space<vmem>>)
    %dma_start3A_270 = arith.constant 0 : i32
    %dma_start3A_271 = tpu.memref_slice %arg10[%dma_start3A_270] : memref<8000xf32, #tpu.memory_space<vmem>> -> memref<8000xf32, #tpu.memory_space<vmem>>
    %dma_start3A_272 = arith.constant 0 : i32
    %dma_start3A_273 = tpu.memref_slice %arg7[%dma_start3A_272] : memref<8000xi32, #tpu.memory_space<vmem>> -> memref<8000xi32, #tpu.memory_space<vmem>>
    %dma_start3A_274 = arith.constant 0 : i32
    %dma_start3A_275 = tpu.memref_slice %arg3[%dma_start3A_274] : memref<10000000xf32, #tpu.memory_space<hbm>> -> memref<10000000xf32, #tpu.memory_space<hbm>>
    tpu.enqueue_indirect_dma source(%dma_start3A_275 : memref<10000000xf32, #tpu.memory_space<hbm>>) target(%dma_start3A_271 : memref<8000xf32, #tpu.memory_space<vmem>>) offsets(%dma_start3A_273 : memref<8000xi32, #tpu.memory_space<vmem>>) semaphore(%arg17 : memref<!tpu.dma_semaphore, #tpu.memory_space<semaphore_mem>>)
    %dma_wait3A_276 = arith.constant 0 : i32
    %dma_wait3A_277 = tpu.memref_slice %arg11[%dma_wait3A_276] : memref<8000xf32, #tpu.memory_space<vmem>> -> memref<8000xf32, #tpu.memory_space<vmem>>
    %dma_wait3A_278 = arith.constant 0 : i32
    %dma_wait3A_279 = tpu.memref_slice %arg8[%dma_wait3A_278] : memref<8000xi32, #tpu.memory_space<vmem>> -> memref<8000xi32, #tpu.memory_space<vmem>>
    %dma_wait3A_280 = arith.constant 0 : i32
    %dma_wait3A_281 = tpu.memref_slice %arg3[%dma_wait3A_280] : memref<10000000xf32, #tpu.memory_space<hbm>> -> memref<10000000xf32, #tpu.memory_space<hbm>>
    tpu.wait_indirect_dma semaphore(%arg18 : memref<!tpu.dma_semaphore, #tpu.memory_space<semaphore_mem>>) src(%dma_wait3A_281 : memref<10000000xf32, #tpu.memory_space<hbm>>) dst(%dma_wait3A_277 : memref<8000xf32, #tpu.memory_space<vmem>>)
    %add3A_282 = arith.constant 256 : i32
    %add3A_283 = arith.addi %add3A, %add3A_282 : i32
    %mul3A_284 = arith.constant 8000 : i32
    %mul3A_285 = arith.muli %add3A_283, %mul3A_284 : i32
    %dma_start3A_286 = arith.constant 0 : i32
    %dma_start3A_287 = tpu.memref_slice %arg8[%dma_start3A_286] : memref<8000xi32, #tpu.memory_space<vmem>> -> memref<8000xi32, #tpu.memory_space<vmem>>
    %dma_start3A_288 = tpu.memref_slice %arg2[%mul3A_285] : memref<5000000xi32, #tpu.memory_space<hbm>> -> memref<8000xi32, #tpu.memory_space<hbm>>
    %dma_start3A_289 = arith.constant 0 : i32
    %dma_start3A_290 = tpu.memref_slice %arg8[%dma_start3A_289] : memref<8000xi32, #tpu.memory_space<vmem>> -> memref<8000xi32, #tpu.memory_space<vmem>>
    %dma_start3A_291 = tpu.memref_slice %arg2[%mul3A_285] : memref<5000000xi32, #tpu.memory_space<hbm>> -> memref<8000xi32, #tpu.memory_space<hbm>>
    tpu.enqueue_dma source(%dma_start3A_291 : memref<8000xi32, #tpu.memory_space<hbm>>) target(%dma_start3A_290 : memref<8000xi32, #tpu.memory_space<vmem>>) target_semaphore(%arg15 : memref<!tpu.dma_semaphore, #tpu.memory_space<semaphore_mem>>)
    %broadcast_in_dim3A_292 = arith.constant 0.000000e+00 : f32
    %broadcast_in_dim3A_293 = vector.broadcast %broadcast_in_dim3A_292 : f32 to vector<16xf32>
    %scan3A_294 = arith.constant 0 : i32
    %scan3A_295 = arith.constant 125 : i32
    %scan3A_296 = arith.addi %scan3A_294, %scan3A_295 : i32
    %scan3A_297 = arith.constant 1 : i32
    %scan3A_298:4 = scf.for %scan3A_874 = %scan3A_294 to %scan3A_296 step %scan3A_297 iter_args(%scan3A_875 = %broadcast_in_dim3A_293, %scan3A_876 = %broadcast_in_dim3A_293, %scan3A_877 = %broadcast_in_dim3A_293, %scan3A_878 = %broadcast_in_dim3A_293) -> (vector<16xf32>, vector<16xf32>, vector<16xf32>, vector<16xf32>)  : i32 {
      %mul3A_879 = arith.constant 64 : i32
      %mul3A_880 = arith.muli %scan3A_874, %mul3A_879 : i32
      %add3A_881 = arith.constant 0 : i32
      %add3A_882 = arith.addi %mul3A_880, %add3A_881 : i32
      %get3A_883 = arith.index_cast %add3A_882 : i32 to index
      %get3A_884 = tpu.vector_load %arg11[%get3A_883] {strides = array<i32>} : memref<8000xf32, #tpu.memory_space<vmem>>, vector<16xf32>,
      %get3A_885 = vector.shape_cast %get3A_884 : vector<16xf32> to vector<16xf32>
      %sub3A_886 = arith.subf %get3A_885, %broadcast_in_dim3A : vector<16xf32>
      %mul3A_887 = arith.mulf %sub3A_886, %sub3A_886 : vector<16xf32>
      %add3A_888 = arith.addf %scan3A_875, %mul3A_887 : vector<16xf32>
      %add3A_889 = arith.constant 16 : i32
      %add3A_890 = arith.addi %mul3A_880, %add3A_889 : i32
      %get3A_891 = arith.index_cast %add3A_890 : i32 to index
      %get3A_892 = tpu.vector_load %arg11[%get3A_891] {strides = array<i32>} : memref<8000xf32, #tpu.memory_space<vmem>>, vector<16xf32>,
      %get3A_893 = vector.shape_cast %get3A_892 : vector<16xf32> to vector<16xf32>
      %sub3A_894 = arith.subf %get3A_893, %broadcast_in_dim3A : vector<16xf32>
      %mul3A_895 = arith.mulf %sub3A_894, %sub3A_894 : vector<16xf32>
      %add3A_896 = arith.addf %scan3A_876, %mul3A_895 : vector<16xf32>
      %add3A_897 = arith.constant 32 : i32
      %add3A_898 = arith.addi %mul3A_880, %add3A_897 : i32
      %get3A_899 = arith.index_cast %add3A_898 : i32 to index
      %get3A_900 = tpu.vector_load %arg11[%get3A_899] {strides = array<i32>} : memref<8000xf32, #tpu.memory_space<vmem>>, vector<16xf32>,
      %get3A_901 = vector.shape_cast %get3A_900 : vector<16xf32> to vector<16xf32>
      %sub3A_902 = arith.subf %get3A_901, %broadcast_in_dim3A : vector<16xf32>
      %mul3A_903 = arith.mulf %sub3A_902, %sub3A_902 : vector<16xf32>
      %add3A_904 = arith.addf %scan3A_877, %mul3A_903 : vector<16xf32>
      %add3A_905 = arith.constant 48 : i32
      %add3A_906 = arith.addi %mul3A_880, %add3A_905 : i32
      %get3A_907 = arith.index_cast %add3A_906 : i32 to index
      %get3A_908 = tpu.vector_load %arg11[%get3A_907] {strides = array<i32>} : memref<8000xf32, #tpu.memory_space<vmem>>, vector<16xf32>,
      %get3A_909 = vector.shape_cast %get3A_908 : vector<16xf32> to vector<16xf32>
      %sub3A_910 = arith.subf %get3A_909, %broadcast_in_dim3A : vector<16xf32>
      %mul3A_911 = arith.mulf %sub3A_910, %sub3A_910 : vector<16xf32>
      %add3A_912 = arith.addf %scan3A_878, %mul3A_911 : vector<16xf32>
      scf.yield %add3A_888, %add3A_896, %add3A_904, %add3A_912 : vector<16xf32>, vector<16xf32>, vector<16xf32>, vector<16xf32>
    }
    %scan3A_299 = arith.constant 125 : i32
    %add3A_300 = arith.addf %scan3A_298#0, %scan3A_298#1 : vector<16xf32>
    %add3A_301 = arith.addf %scan3A_298#2, %scan3A_298#3 : vector<16xf32>
    %add3A_302 = arith.addf %add3A_300, %add3A_301 : vector<16xf32>
    %add3A_303 = arith.addf %add3A_263, %add3A_302 : vector<16xf32>
    %dma_wait3A_304 = arith.constant 0 : i32
    %dma_wait3A_305 = tpu.memref_slice %arg8[%dma_wait3A_304] : memref<8000xi32, #tpu.memory_space<vmem>> -> memref<8000xi32, #tpu.memory_space<vmem>>
    %dma_wait3A_306 = tpu.memref_slice %arg2[%mul3A_285] : memref<5000000xi32, #tpu.memory_space<hbm>> -> memref<8000xi32, #tpu.memory_space<hbm>>
    %dma_wait3A_307 = arith.constant 0 : i32
    %dma_wait3A_308 = tpu.memref_slice %arg8[%dma_wait3A_307] : memref<8000xi32, #tpu.memory_space<vmem>> -> memref<8000xi32, #tpu.memory_space<vmem>>
    %dma_wait3A_309 = tpu.memref_slice %arg2[%mul3A_285] : memref<5000000xi32, #tpu.memory_space<hbm>> -> memref<8000xi32, #tpu.memory_space<hbm>>
    tpu.wait_dma2 semaphore(%arg15 : memref<!tpu.dma_semaphore, #tpu.memory_space<semaphore_mem>>) src(%dma_wait3A_309 : memref<8000xi32, #tpu.memory_space<hbm>>) dst(%dma_wait3A_308 : memref<8000xi32, #tpu.memory_space<vmem>>)
    %dma_start3A_310 = arith.constant 0 : i32
    %dma_start3A_311 = tpu.memref_slice %arg11[%dma_start3A_310] : memref<8000xf32, #tpu.memory_space<vmem>> -> memref<8000xf32, #tpu.memory_space<vmem>>
    %dma_start3A_312 = arith.constant 0 : i32
    %dma_start3A_313 = tpu.memref_slice %arg8[%dma_start3A_312] : memref<8000xi32, #tpu.memory_space<vmem>> -> memref<8000xi32, #tpu.memory_space<vmem>>
    %dma_start3A_314 = arith.constant 0 : i32
    %dma_start3A_315 = tpu.memref_slice %arg3[%dma_start3A_314] : memref<10000000xf32, #tpu.memory_space<hbm>> -> memref<10000000xf32, #tpu.memory_space<hbm>>
    tpu.enqueue_indirect_dma source(%dma_start3A_315 : memref<10000000xf32, #tpu.memory_space<hbm>>) target(%dma_start3A_311 : memref<8000xf32, #tpu.memory_space<vmem>>) offsets(%dma_start3A_313 : memref<8000xi32, #tpu.memory_space<vmem>>) semaphore(%arg18 : memref<!tpu.dma_semaphore, #tpu.memory_space<semaphore_mem>>)
    %dma_wait3A_316 = arith.constant 0 : i32
    %dma_wait3A_317 = tpu.memref_slice %arg9[%dma_wait3A_316] : memref<8000xf32, #tpu.memory_space<vmem>> -> memref<8000xf32, #tpu.memory_space<vmem>>
    %dma_wait3A_318 = arith.constant 0 : i32
    %dma_wait3A_319 = tpu.memref_slice %arg6[%dma_wait3A_318] : memref<8000xi32, #tpu.memory_space<vmem>> -> memref<8000xi32, #tpu.memory_space<vmem>>
    %dma_wait3A_320 = arith.constant 0 : i32
    %dma_wait3A_321 = tpu.memref_slice %arg3[%dma_wait3A_320] : memref<10000000xf32, #tpu.memory_space<hbm>> -> memref<10000000xf32, #tpu.memory_space<hbm>>
    tpu.wait_indirect_dma semaphore(%arg16 : memref<!tpu.dma_semaphore, #tpu.memory_space<semaphore_mem>>) src(%dma_wait3A_321 : memref<10000000xf32, #tpu.memory_space<hbm>>) dst(%dma_wait3A_317 : memref<8000xf32, #tpu.memory_space<vmem>>)
    %add3A_322 = arith.constant 288 : i32
    %add3A_323 = arith.addi %add3A, %add3A_322 : i32
    %mul3A_324 = arith.constant 8000 : i32
    %mul3A_325 = arith.muli %add3A_323, %mul3A_324 : i32
    %dma_start3A_326 = arith.constant 0 : i32
    %dma_start3A_327 = tpu.memref_slice %arg6[%dma_start3A_326] : memref<8000xi32, #tpu.memory_space<vmem>> -> memref<8000xi32, #tpu.memory_space<vmem>>
    %dma_start3A_328 = tpu.memref_slice %arg2[%mul3A_325] : memref<5000000xi32, #tpu.memory_space<hbm>> -> memref<8000xi32, #tpu.memory_space<hbm>>
    %dma_start3A_329 = arith.constant 0 : i32
    %dma_start3A_330 = tpu.memref_slice %arg6[%dma_start3A_329] : memref<8000xi32, #tpu.memory_space<vmem>> -> memref<8000xi32, #tpu.memory_space<vmem>>
    %dma_start3A_331 = tpu.memref_slice %arg2[%mul3A_325] : memref<5000000xi32, #tpu.memory_space<hbm>> -> memref<8000xi32, #tpu.memory_space<hbm>>
    tpu.enqueue_dma source(%dma_start3A_331 : memref<8000xi32, #tpu.memory_space<hbm>>) target(%dma_start3A_330 : memref<8000xi32, #tpu.memory_space<vmem>>) target_semaphore(%arg13 : memref<!tpu.dma_semaphore, #tpu.memory_space<semaphore_mem>>)
    %broadcast_in_dim3A_332 = arith.constant 0.000000e+00 : f32
    %broadcast_in_dim3A_333 = vector.broadcast %broadcast_in_dim3A_332 : f32 to vector<16xf32>
    %scan3A_334 = arith.constant 0 : i32
    %scan3A_335 = arith.constant 125 : i32
    %scan3A_336 = arith.addi %scan3A_334, %scan3A_335 : i32
    %scan3A_337 = arith.constant 1 : i32
    %scan3A_338:4 = scf.for %scan3A_874 = %scan3A_334 to %scan3A_336 step %scan3A_337 iter_args(%scan3A_875 = %broadcast_in_dim3A_333, %scan3A_876 = %broadcast_in_dim3A_333, %scan3A_877 = %broadcast_in_dim3A_333, %scan3A_878 = %broadcast_in_dim3A_333) -> (vector<16xf32>, vector<16xf32>, vector<16xf32>, vector<16xf32>)  : i32 {
      %mul3A_879 = arith.constant 64 : i32
      %mul3A_880 = arith.muli %scan3A_874, %mul3A_879 : i32
      %add3A_881 = arith.constant 0 : i32
      %add3A_882 = arith.addi %mul3A_880, %add3A_881 : i32
      %get3A_883 = arith.index_cast %add3A_882 : i32 to index
      %get3A_884 = tpu.vector_load %arg9[%get3A_883] {strides = array<i32>} : memref<8000xf32, #tpu.memory_space<vmem>>, vector<16xf32>,
      %get3A_885 = vector.shape_cast %get3A_884 : vector<16xf32> to vector<16xf32>
      %sub3A_886 = arith.subf %get3A_885, %broadcast_in_dim3A : vector<16xf32>
      %mul3A_887 = arith.mulf %sub3A_886, %sub3A_886 : vector<16xf32>
      %add3A_888 = arith.addf %scan3A_875, %mul3A_887 : vector<16xf32>
      %add3A_889 = arith.constant 16 : i32
      %add3A_890 = arith.addi %mul3A_880, %add3A_889 : i32
      %get3A_891 = arith.index_cast %add3A_890 : i32 to index
      %get3A_892 = tpu.vector_load %arg9[%get3A_891] {strides = array<i32>} : memref<8000xf32, #tpu.memory_space<vmem>>, vector<16xf32>,
      %get3A_893 = vector.shape_cast %get3A_892 : vector<16xf32> to vector<16xf32>
      %sub3A_894 = arith.subf %get3A_893, %broadcast_in_dim3A : vector<16xf32>
      %mul3A_895 = arith.mulf %sub3A_894, %sub3A_894 : vector<16xf32>
      %add3A_896 = arith.addf %scan3A_876, %mul3A_895 : vector<16xf32>
      %add3A_897 = arith.constant 32 : i32
      %add3A_898 = arith.addi %mul3A_880, %add3A_897 : i32
      %get3A_899 = arith.index_cast %add3A_898 : i32 to index
      %get3A_900 = tpu.vector_load %arg9[%get3A_899] {strides = array<i32>} : memref<8000xf32, #tpu.memory_space<vmem>>, vector<16xf32>,
      %get3A_901 = vector.shape_cast %get3A_900 : vector<16xf32> to vector<16xf32>
      %sub3A_902 = arith.subf %get3A_901, %broadcast_in_dim3A : vector<16xf32>
      %mul3A_903 = arith.mulf %sub3A_902, %sub3A_902 : vector<16xf32>
      %add3A_904 = arith.addf %scan3A_877, %mul3A_903 : vector<16xf32>
      %add3A_905 = arith.constant 48 : i32
      %add3A_906 = arith.addi %mul3A_880, %add3A_905 : i32
      %get3A_907 = arith.index_cast %add3A_906 : i32 to index
      %get3A_908 = tpu.vector_load %arg9[%get3A_907] {strides = array<i32>} : memref<8000xf32, #tpu.memory_space<vmem>>, vector<16xf32>,
      %get3A_909 = vector.shape_cast %get3A_908 : vector<16xf32> to vector<16xf32>
      %sub3A_910 = arith.subf %get3A_909, %broadcast_in_dim3A : vector<16xf32>
      %mul3A_911 = arith.mulf %sub3A_910, %sub3A_910 : vector<16xf32>
      %add3A_912 = arith.addf %scan3A_878, %mul3A_911 : vector<16xf32>
      scf.yield %add3A_888, %add3A_896, %add3A_904, %add3A_912 : vector<16xf32>, vector<16xf32>, vector<16xf32>, vector<16xf32>
    }
    %scan3A_339 = arith.constant 125 : i32
    %add3A_340 = arith.addf %scan3A_338#0, %scan3A_338#1 : vector<16xf32>
    %add3A_341 = arith.addf %scan3A_338#2, %scan3A_338#3 : vector<16xf32>
    %add3A_342 = arith.addf %add3A_340, %add3A_341 : vector<16xf32>
    %add3A_343 = arith.addf %add3A_303, %add3A_342 : vector<16xf32>
    %dma_wait3A_344 = arith.constant 0 : i32
    %dma_wait3A_345 = tpu.memref_slice %arg6[%dma_wait3A_344] : memref<8000xi32, #tpu.memory_space<vmem>> -> memref<8000xi32, #tpu.memory_space<vmem>>
    %dma_wait3A_346 = tpu.memref_slice %arg2[%mul3A_325] : memref<5000000xi32, #tpu.memory_space<hbm>> -> memref<8000xi32, #tpu.memory_space<hbm>>
    %dma_wait3A_347 = arith.constant 0 : i32
    %dma_wait3A_348 = tpu.memref_slice %arg6[%dma_wait3A_347] : memref<8000xi32, #tpu.memory_space<vmem>> -> memref<8000xi32, #tpu.memory_space<vmem>>
    %dma_wait3A_349 = tpu.memref_slice %arg2[%mul3A_325] : memref<5000000xi32, #tpu.memory_space<hbm>> -> memref<8000xi32, #tpu.memory_space<hbm>>
    tpu.wait_dma2 semaphore(%arg13 : memref<!tpu.dma_semaphore, #tpu.memory_space<semaphore_mem>>) src(%dma_wait3A_349 : memref<8000xi32, #tpu.memory_space<hbm>>) dst(%dma_wait3A_348 : memref<8000xi32, #tpu.memory_space<vmem>>)
    %dma_start3A_350 = arith.constant 0 : i32
    %dma_start3A_351 = tpu.memref_slice %arg9[%dma_start3A_350] : memref<8000xf32, #tpu.memory_space<vmem>> -> memref<8000xf32, #tpu.memory_space<vmem>>
    %dma_start3A_352 = arith.constant 0 : i32
    %dma_start3A_353 = tpu.memref_slice %arg6[%dma_start3A_352] : memref<8000xi32, #tpu.memory_space<vmem>> -> memref<8000xi32, #tpu.memory_space<vmem>>
    %dma_start3A_354 = arith.constant 0 : i32
    %dma_start3A_355 = tpu.memref_slice %arg3[%dma_start3A_354] : memref<10000000xf32, #tpu.memory_space<hbm>> -> memref<10000000xf32, #tpu.memory_space<hbm>>
    tpu.enqueue_indirect_dma source(%dma_start3A_355 : memref<10000000xf32, #tpu.memory_space<hbm>>) target(%dma_start3A_351 : memref<8000xf32, #tpu.memory_space<vmem>>) offsets(%dma_start3A_353 : memref<8000xi32, #tpu.memory_space<vmem>>) semaphore(%arg16 : memref<!tpu.dma_semaphore, #tpu.memory_space<semaphore_mem>>)
    %dma_wait3A_356 = arith.constant 0 : i32
    %dma_wait3A_357 = tpu.memref_slice %arg10[%dma_wait3A_356] : memref<8000xf32, #tpu.memory_space<vmem>> -> memref<8000xf32, #tpu.memory_space<vmem>>
    %dma_wait3A_358 = arith.constant 0 : i32
    %dma_wait3A_359 = tpu.memref_slice %arg7[%dma_wait3A_358] : memref<8000xi32, #tpu.memory_space<vmem>> -> memref<8000xi32, #tpu.memory_space<vmem>>
    %dma_wait3A_360 = arith.constant 0 : i32
    %dma_wait3A_361 = tpu.memref_slice %arg3[%dma_wait3A_360] : memref<10000000xf32, #tpu.memory_space<hbm>> -> memref<10000000xf32, #tpu.memory_space<hbm>>
    tpu.wait_indirect_dma semaphore(%arg17 : memref<!tpu.dma_semaphore, #tpu.memory_space<semaphore_mem>>) src(%dma_wait3A_361 : memref<10000000xf32, #tpu.memory_space<hbm>>) dst(%dma_wait3A_357 : memref<8000xf32, #tpu.memory_space<vmem>>)
    %add3A_362 = arith.constant 320 : i32
    %add3A_363 = arith.addi %add3A, %add3A_362 : i32
    %mul3A_364 = arith.constant 8000 : i32
    %mul3A_365 = arith.muli %add3A_363, %mul3A_364 : i32
    %dma_start3A_366 = arith.constant 0 : i32
    %dma_start3A_367 = tpu.memref_slice %arg7[%dma_start3A_366] : memref<8000xi32, #tpu.memory_space<vmem>> -> memref<8000xi32, #tpu.memory_space<vmem>>
    %dma_start3A_368 = tpu.memref_slice %arg2[%mul3A_365] : memref<5000000xi32, #tpu.memory_space<hbm>> -> memref<8000xi32, #tpu.memory_space<hbm>>
    %dma_start3A_369 = arith.constant 0 : i32
    %dma_start3A_370 = tpu.memref_slice %arg7[%dma_start3A_369] : memref<8000xi32, #tpu.memory_space<vmem>> -> memref<8000xi32, #tpu.memory_space<vmem>>
    %dma_start3A_371 = tpu.memref_slice %arg2[%mul3A_365] : memref<5000000xi32, #tpu.memory_space<hbm>> -> memref<8000xi32, #tpu.memory_space<hbm>>
    tpu.enqueue_dma source(%dma_start3A_371 : memref<8000xi32, #tpu.memory_space<hbm>>) target(%dma_start3A_370 : memref<8000xi32, #tpu.memory_space<vmem>>) target_semaphore(%arg14 : memref<!tpu.dma_semaphore, #tpu.memory_space<semaphore_mem>>)
    %broadcast_in_dim3A_372 = arith.constant 0.000000e+00 : f32
    %broadcast_in_dim3A_373 = vector.broadcast %broadcast_in_dim3A_372 : f32 to vector<16xf32>
    %scan3A_374 = arith.constant 0 : i32
    %scan3A_375 = arith.constant 125 : i32
    %scan3A_376 = arith.addi %scan3A_374, %scan3A_375 : i32
    %scan3A_377 = arith.constant 1 : i32
    %scan3A_378:4 = scf.for %scan3A_874 = %scan3A_374 to %scan3A_376 step %scan3A_377 iter_args(%scan3A_875 = %broadcast_in_dim3A_373, %scan3A_876 = %broadcast_in_dim3A_373, %scan3A_877 = %broadcast_in_dim3A_373, %scan3A_878 = %broadcast_in_dim3A_373) -> (vector<16xf32>, vector<16xf32>, vector<16xf32>, vector<16xf32>)  : i32 {
      %mul3A_879 = arith.constant 64 : i32
      %mul3A_880 = arith.muli %scan3A_874, %mul3A_879 : i32
      %add3A_881 = arith.constant 0 : i32
      %add3A_882 = arith.addi %mul3A_880, %add3A_881 : i32
      %get3A_883 = arith.index_cast %add3A_882 : i32 to index
      %get3A_884 = tpu.vector_load %arg10[%get3A_883] {strides = array<i32>} : memref<8000xf32, #tpu.memory_space<vmem>>, vector<16xf32>,
      %get3A_885 = vector.shape_cast %get3A_884 : vector<16xf32> to vector<16xf32>
      %sub3A_886 = arith.subf %get3A_885, %broadcast_in_dim3A : vector<16xf32>
      %mul3A_887 = arith.mulf %sub3A_886, %sub3A_886 : vector<16xf32>
      %add3A_888 = arith.addf %scan3A_875, %mul3A_887 : vector<16xf32>
      %add3A_889 = arith.constant 16 : i32
      %add3A_890 = arith.addi %mul3A_880, %add3A_889 : i32
      %get3A_891 = arith.index_cast %add3A_890 : i32 to index
      %get3A_892 = tpu.vector_load %arg10[%get3A_891] {strides = array<i32>} : memref<8000xf32, #tpu.memory_space<vmem>>, vector<16xf32>,
      %get3A_893 = vector.shape_cast %get3A_892 : vector<16xf32> to vector<16xf32>
      %sub3A_894 = arith.subf %get3A_893, %broadcast_in_dim3A : vector<16xf32>
      %mul3A_895 = arith.mulf %sub3A_894, %sub3A_894 : vector<16xf32>
      %add3A_896 = arith.addf %scan3A_876, %mul3A_895 : vector<16xf32>
      %add3A_897 = arith.constant 32 : i32
      %add3A_898 = arith.addi %mul3A_880, %add3A_897 : i32
      %get3A_899 = arith.index_cast %add3A_898 : i32 to index
      %get3A_900 = tpu.vector_load %arg10[%get3A_899] {strides = array<i32>} : memref<8000xf32, #tpu.memory_space<vmem>>, vector<16xf32>,
      %get3A_901 = vector.shape_cast %get3A_900 : vector<16xf32> to vector<16xf32>
      %sub3A_902 = arith.subf %get3A_901, %broadcast_in_dim3A : vector<16xf32>
      %mul3A_903 = arith.mulf %sub3A_902, %sub3A_902 : vector<16xf32>
      %add3A_904 = arith.addf %scan3A_877, %mul3A_903 : vector<16xf32>
      %add3A_905 = arith.constant 48 : i32
      %add3A_906 = arith.addi %mul3A_880, %add3A_905 : i32
      %get3A_907 = arith.index_cast %add3A_906 : i32 to index
      %get3A_908 = tpu.vector_load %arg10[%get3A_907] {strides = array<i32>} : memref<8000xf32, #tpu.memory_space<vmem>>, vector<16xf32>,
      %get3A_909 = vector.shape_cast %get3A_908 : vector<16xf32> to vector<16xf32>
      %sub3A_910 = arith.subf %get3A_909, %broadcast_in_dim3A : vector<16xf32>
      %mul3A_911 = arith.mulf %sub3A_910, %sub3A_910 : vector<16xf32>
      %add3A_912 = arith.addf %scan3A_878, %mul3A_911 : vector<16xf32>
      scf.yield %add3A_888, %add3A_896, %add3A_904, %add3A_912 : vector<16xf32>, vector<16xf32>, vector<16xf32>, vector<16xf32>
    }
    %scan3A_379 = arith.constant 125 : i32
    %add3A_380 = arith.addf %scan3A_378#0, %scan3A_378#1 : vector<16xf32>
    %add3A_381 = arith.addf %scan3A_378#2, %scan3A_378#3 : vector<16xf32>
    %add3A_382 = arith.addf %add3A_380, %add3A_381 : vector<16xf32>
    %add3A_383 = arith.addf %add3A_343, %add3A_382 : vector<16xf32>
    %dma_wait3A_384 = arith.constant 0 : i32
    %dma_wait3A_385 = tpu.memref_slice %arg7[%dma_wait3A_384] : memref<8000xi32, #tpu.memory_space<vmem>> -> memref<8000xi32, #tpu.memory_space<vmem>>
    %dma_wait3A_386 = tpu.memref_slice %arg2[%mul3A_365] : memref<5000000xi32, #tpu.memory_space<hbm>> -> memref<8000xi32, #tpu.memory_space<hbm>>
    %dma_wait3A_387 = arith.constant 0 : i32
    %dma_wait3A_388 = tpu.memref_slice %arg7[%dma_wait3A_387] : memref<8000xi32, #tpu.memory_space<vmem>> -> memref<8000xi32, #tpu.memory_space<vmem>>
    %dma_wait3A_389 = tpu.memref_slice %arg2[%mul3A_365] : memref<5000000xi32, #tpu.memory_space<hbm>> -> memref<8000xi32, #tpu.memory_space<hbm>>
    tpu.wait_dma2 semaphore(%arg14 : memref<!tpu.dma_semaphore, #tpu.memory_space<semaphore_mem>>) src(%dma_wait3A_389 : memref<8000xi32, #tpu.memory_space<hbm>>) dst(%dma_wait3A_388 : memref<8000xi32, #tpu.memory_space<vmem>>)
    %dma_start3A_390 = arith.constant 0 : i32
    %dma_start3A_391 = tpu.memref_slice %arg10[%dma_start3A_390] : memref<8000xf32, #tpu.memory_space<vmem>> -> memref<8000xf32, #tpu.memory_space<vmem>>
    %dma_start3A_392 = arith.constant 0 : i32
    %dma_start3A_393 = tpu.memref_slice %arg7[%dma_start3A_392] : memref<8000xi32, #tpu.memory_space<vmem>> -> memref<8000xi32, #tpu.memory_space<vmem>>
    %dma_start3A_394 = arith.constant 0 : i32
    %dma_start3A_395 = tpu.memref_slice %arg3[%dma_start3A_394] : memref<10000000xf32, #tpu.memory_space<hbm>> -> memref<10000000xf32, #tpu.memory_space<hbm>>
    tpu.enqueue_indirect_dma source(%dma_start3A_395 : memref<10000000xf32, #tpu.memory_space<hbm>>) target(%dma_start3A_391 : memref<8000xf32, #tpu.memory_space<vmem>>) offsets(%dma_start3A_393 : memref<8000xi32, #tpu.memory_space<vmem>>) semaphore(%arg17 : memref<!tpu.dma_semaphore, #tpu.memory_space<semaphore_mem>>)
    %dma_wait3A_396 = arith.constant 0 : i32
    %dma_wait3A_397 = tpu.memref_slice %arg11[%dma_wait3A_396] : memref<8000xf32, #tpu.memory_space<vmem>> -> memref<8000xf32, #tpu.memory_space<vmem>>
    %dma_wait3A_398 = arith.constant 0 : i32
    %dma_wait3A_399 = tpu.memref_slice %arg8[%dma_wait3A_398] : memref<8000xi32, #tpu.memory_space<vmem>> -> memref<8000xi32, #tpu.memory_space<vmem>>
    %dma_wait3A_400 = arith.constant 0 : i32
    %dma_wait3A_401 = tpu.memref_slice %arg3[%dma_wait3A_400] : memref<10000000xf32, #tpu.memory_space<hbm>> -> memref<10000000xf32, #tpu.memory_space<hbm>>
    tpu.wait_indirect_dma semaphore(%arg18 : memref<!tpu.dma_semaphore, #tpu.memory_space<semaphore_mem>>) src(%dma_wait3A_401 : memref<10000000xf32, #tpu.memory_space<hbm>>) dst(%dma_wait3A_397 : memref<8000xf32, #tpu.memory_space<vmem>>)
    %add3A_402 = arith.constant 352 : i32
    %add3A_403 = arith.addi %add3A, %add3A_402 : i32
    %mul3A_404 = arith.constant 8000 : i32
    %mul3A_405 = arith.muli %add3A_403, %mul3A_404 : i32
    %dma_start3A_406 = arith.constant 0 : i32
    %dma_start3A_407 = tpu.memref_slice %arg8[%dma_start3A_406] : memref<8000xi32, #tpu.memory_space<vmem>> -> memref<8000xi32, #tpu.memory_space<vmem>>
    %dma_start3A_408 = tpu.memref_slice %arg2[%mul3A_405] : memref<5000000xi32, #tpu.memory_space<hbm>> -> memref<8000xi32, #tpu.memory_space<hbm>>
    %dma_start3A_409 = arith.constant 0 : i32
    %dma_start3A_410 = tpu.memref_slice %arg8[%dma_start3A_409] : memref<8000xi32, #tpu.memory_space<vmem>> -> memref<8000xi32, #tpu.memory_space<vmem>>
    %dma_start3A_411 = tpu.memref_slice %arg2[%mul3A_405] : memref<5000000xi32, #tpu.memory_space<hbm>> -> memref<8000xi32, #tpu.memory_space<hbm>>
    tpu.enqueue_dma source(%dma_start3A_411 : memref<8000xi32, #tpu.memory_space<hbm>>) target(%dma_start3A_410 : memref<8000xi32, #tpu.memory_space<vmem>>) target_semaphore(%arg15 : memref<!tpu.dma_semaphore, #tpu.memory_space<semaphore_mem>>)
    %broadcast_in_dim3A_412 = arith.constant 0.000000e+00 : f32
    %broadcast_in_dim3A_413 = vector.broadcast %broadcast_in_dim3A_412 : f32 to vector<16xf32>
    %scan3A_414 = arith.constant 0 : i32
    %scan3A_415 = arith.constant 125 : i32
    %scan3A_416 = arith.addi %scan3A_414, %scan3A_415 : i32
    %scan3A_417 = arith.constant 1 : i32
    %scan3A_418:4 = scf.for %scan3A_874 = %scan3A_414 to %scan3A_416 step %scan3A_417 iter_args(%scan3A_875 = %broadcast_in_dim3A_413, %scan3A_876 = %broadcast_in_dim3A_413, %scan3A_877 = %broadcast_in_dim3A_413, %scan3A_878 = %broadcast_in_dim3A_413) -> (vector<16xf32>, vector<16xf32>, vector<16xf32>, vector<16xf32>)  : i32 {
      %mul3A_879 = arith.constant 64 : i32
      %mul3A_880 = arith.muli %scan3A_874, %mul3A_879 : i32
      %add3A_881 = arith.constant 0 : i32
      %add3A_882 = arith.addi %mul3A_880, %add3A_881 : i32
      %get3A_883 = arith.index_cast %add3A_882 : i32 to index
      %get3A_884 = tpu.vector_load %arg11[%get3A_883] {strides = array<i32>} : memref<8000xf32, #tpu.memory_space<vmem>>, vector<16xf32>,
      %get3A_885 = vector.shape_cast %get3A_884 : vector<16xf32> to vector<16xf32>
      %sub3A_886 = arith.subf %get3A_885, %broadcast_in_dim3A : vector<16xf32>
      %mul3A_887 = arith.mulf %sub3A_886, %sub3A_886 : vector<16xf32>
      %add3A_888 = arith.addf %scan3A_875, %mul3A_887 : vector<16xf32>
      %add3A_889 = arith.constant 16 : i32
      %add3A_890 = arith.addi %mul3A_880, %add3A_889 : i32
      %get3A_891 = arith.index_cast %add3A_890 : i32 to index
      %get3A_892 = tpu.vector_load %arg11[%get3A_891] {strides = array<i32>} : memref<8000xf32, #tpu.memory_space<vmem>>, vector<16xf32>,
      %get3A_893 = vector.shape_cast %get3A_892 : vector<16xf32> to vector<16xf32>
      %sub3A_894 = arith.subf %get3A_893, %broadcast_in_dim3A : vector<16xf32>
      %mul3A_895 = arith.mulf %sub3A_894, %sub3A_894 : vector<16xf32>
      %add3A_896 = arith.addf %scan3A_876, %mul3A_895 : vector<16xf32>
      %add3A_897 = arith.constant 32 : i32
      %add3A_898 = arith.addi %mul3A_880, %add3A_897 : i32
      %get3A_899 = arith.index_cast %add3A_898 : i32 to index
      %get3A_900 = tpu.vector_load %arg11[%get3A_899] {strides = array<i32>} : memref<8000xf32, #tpu.memory_space<vmem>>, vector<16xf32>,
      %get3A_901 = vector.shape_cast %get3A_900 : vector<16xf32> to vector<16xf32>
      %sub3A_902 = arith.subf %get3A_901, %broadcast_in_dim3A : vector<16xf32>
      %mul3A_903 = arith.mulf %sub3A_902, %sub3A_902 : vector<16xf32>
      %add3A_904 = arith.addf %scan3A_877, %mul3A_903 : vector<16xf32>
      %add3A_905 = arith.constant 48 : i32
      %add3A_906 = arith.addi %mul3A_880, %add3A_905 : i32
      %get3A_907 = arith.index_cast %add3A_906 : i32 to index
      %get3A_908 = tpu.vector_load %arg11[%get3A_907] {strides = array<i32>} : memref<8000xf32, #tpu.memory_space<vmem>>, vector<16xf32>,
      %get3A_909 = vector.shape_cast %get3A_908 : vector<16xf32> to vector<16xf32>
      %sub3A_910 = arith.subf %get3A_909, %broadcast_in_dim3A : vector<16xf32>
      %mul3A_911 = arith.mulf %sub3A_910, %sub3A_910 : vector<16xf32>
      %add3A_912 = arith.addf %scan3A_878, %mul3A_911 : vector<16xf32>
      scf.yield %add3A_888, %add3A_896, %add3A_904, %add3A_912 : vector<16xf32>, vector<16xf32>, vector<16xf32>, vector<16xf32>
    }
    %scan3A_419 = arith.constant 125 : i32
    %add3A_420 = arith.addf %scan3A_418#0, %scan3A_418#1 : vector<16xf32>
    %add3A_421 = arith.addf %scan3A_418#2, %scan3A_418#3 : vector<16xf32>
    %add3A_422 = arith.addf %add3A_420, %add3A_421 : vector<16xf32>
    %add3A_423 = arith.addf %add3A_383, %add3A_422 : vector<16xf32>
    %dma_wait3A_424 = arith.constant 0 : i32
    %dma_wait3A_425 = tpu.memref_slice %arg8[%dma_wait3A_424] : memref<8000xi32, #tpu.memory_space<vmem>> -> memref<8000xi32, #tpu.memory_space<vmem>>
    %dma_wait3A_426 = tpu.memref_slice %arg2[%mul3A_405] : memref<5000000xi32, #tpu.memory_space<hbm>> -> memref<8000xi32, #tpu.memory_space<hbm>>
    %dma_wait3A_427 = arith.constant 0 : i32
    %dma_wait3A_428 = tpu.memref_slice %arg8[%dma_wait3A_427] : memref<8000xi32, #tpu.memory_space<vmem>> -> memref<8000xi32, #tpu.memory_space<vmem>>
    %dma_wait3A_429 = tpu.memref_slice %arg2[%mul3A_405] : memref<5000000xi32, #tpu.memory_space<hbm>> -> memref<8000xi32, #tpu.memory_space<hbm>>
    tpu.wait_dma2 semaphore(%arg15 : memref<!tpu.dma_semaphore, #tpu.memory_space<semaphore_mem>>) src(%dma_wait3A_429 : memref<8000xi32, #tpu.memory_space<hbm>>) dst(%dma_wait3A_428 : memref<8000xi32, #tpu.memory_space<vmem>>)
    %dma_start3A_430 = arith.constant 0 : i32
    %dma_start3A_431 = tpu.memref_slice %arg11[%dma_start3A_430] : memref<8000xf32, #tpu.memory_space<vmem>> -> memref<8000xf32, #tpu.memory_space<vmem>>
    %dma_start3A_432 = arith.constant 0 : i32
    %dma_start3A_433 = tpu.memref_slice %arg8[%dma_start3A_432] : memref<8000xi32, #tpu.memory_space<vmem>> -> memref<8000xi32, #tpu.memory_space<vmem>>
    %dma_start3A_434 = arith.constant 0 : i32
    %dma_start3A_435 = tpu.memref_slice %arg3[%dma_start3A_434] : memref<10000000xf32, #tpu.memory_space<hbm>> -> memref<10000000xf32, #tpu.memory_space<hbm>>
    tpu.enqueue_indirect_dma source(%dma_start3A_435 : memref<10000000xf32, #tpu.memory_space<hbm>>) target(%dma_start3A_431 : memref<8000xf32, #tpu.memory_space<vmem>>) offsets(%dma_start3A_433 : memref<8000xi32, #tpu.memory_space<vmem>>) semaphore(%arg18 : memref<!tpu.dma_semaphore, #tpu.memory_space<semaphore_mem>>)
    %dma_wait3A_436 = arith.constant 0 : i32
    %dma_wait3A_437 = tpu.memref_slice %arg9[%dma_wait3A_436] : memref<8000xf32, #tpu.memory_space<vmem>> -> memref<8000xf32, #tpu.memory_space<vmem>>
    %dma_wait3A_438 = arith.constant 0 : i32
    %dma_wait3A_439 = tpu.memref_slice %arg6[%dma_wait3A_438] : memref<8000xi32, #tpu.memory_space<vmem>> -> memref<8000xi32, #tpu.memory_space<vmem>>
    %dma_wait3A_440 = arith.constant 0 : i32
    %dma_wait3A_441 = tpu.memref_slice %arg3[%dma_wait3A_440] : memref<10000000xf32, #tpu.memory_space<hbm>> -> memref<10000000xf32, #tpu.memory_space<hbm>>
    tpu.wait_indirect_dma semaphore(%arg16 : memref<!tpu.dma_semaphore, #tpu.memory_space<semaphore_mem>>) src(%dma_wait3A_441 : memref<10000000xf32, #tpu.memory_space<hbm>>) dst(%dma_wait3A_437 : memref<8000xf32, #tpu.memory_space<vmem>>)
    %add3A_442 = arith.constant 384 : i32
    %add3A_443 = arith.addi %add3A, %add3A_442 : i32
    %mul3A_444 = arith.constant 8000 : i32
    %mul3A_445 = arith.muli %add3A_443, %mul3A_444 : i32
    %dma_start3A_446 = arith.constant 0 : i32
    %dma_start3A_447 = tpu.memref_slice %arg6[%dma_start3A_446] : memref<8000xi32, #tpu.memory_space<vmem>> -> memref<8000xi32, #tpu.memory_space<vmem>>
    %dma_start3A_448 = tpu.memref_slice %arg2[%mul3A_445] : memref<5000000xi32, #tpu.memory_space<hbm>> -> memref<8000xi32, #tpu.memory_space<hbm>>
    %dma_start3A_449 = arith.constant 0 : i32
    %dma_start3A_450 = tpu.memref_slice %arg6[%dma_start3A_449] : memref<8000xi32, #tpu.memory_space<vmem>> -> memref<8000xi32, #tpu.memory_space<vmem>>
    %dma_start3A_451 = tpu.memref_slice %arg2[%mul3A_445] : memref<5000000xi32, #tpu.memory_space<hbm>> -> memref<8000xi32, #tpu.memory_space<hbm>>
    tpu.enqueue_dma source(%dma_start3A_451 : memref<8000xi32, #tpu.memory_space<hbm>>) target(%dma_start3A_450 : memref<8000xi32, #tpu.memory_space<vmem>>) target_semaphore(%arg13 : memref<!tpu.dma_semaphore, #tpu.memory_space<semaphore_mem>>)
    %broadcast_in_dim3A_452 = arith.constant 0.000000e+00 : f32
    %broadcast_in_dim3A_453 = vector.broadcast %broadcast_in_dim3A_452 : f32 to vector<16xf32>
    %scan3A_454 = arith.constant 0 : i32
    %scan3A_455 = arith.constant 125 : i32
    %scan3A_456 = arith.addi %scan3A_454, %scan3A_455 : i32
    %scan3A_457 = arith.constant 1 : i32
    %scan3A_458:4 = scf.for %scan3A_874 = %scan3A_454 to %scan3A_456 step %scan3A_457 iter_args(%scan3A_875 = %broadcast_in_dim3A_453, %scan3A_876 = %broadcast_in_dim3A_453, %scan3A_877 = %broadcast_in_dim3A_453, %scan3A_878 = %broadcast_in_dim3A_453) -> (vector<16xf32>, vector<16xf32>, vector<16xf32>, vector<16xf32>)  : i32 {
      %mul3A_879 = arith.constant 64 : i32
      %mul3A_880 = arith.muli %scan3A_874, %mul3A_879 : i32
      %add3A_881 = arith.constant 0 : i32
      %add3A_882 = arith.addi %mul3A_880, %add3A_881 : i32
      %get3A_883 = arith.index_cast %add3A_882 : i32 to index
      %get3A_884 = tpu.vector_load %arg9[%get3A_883] {strides = array<i32>} : memref<8000xf32, #tpu.memory_space<vmem>>, vector<16xf32>,
      %get3A_885 = vector.shape_cast %get3A_884 : vector<16xf32> to vector<16xf32>
      %sub3A_886 = arith.subf %get3A_885, %broadcast_in_dim3A : vector<16xf32>
      %mul3A_887 = arith.mulf %sub3A_886, %sub3A_886 : vector<16xf32>
      %add3A_888 = arith.addf %scan3A_875, %mul3A_887 : vector<16xf32>
      %add3A_889 = arith.constant 16 : i32
      %add3A_890 = arith.addi %mul3A_880, %add3A_889 : i32
      %get3A_891 = arith.index_cast %add3A_890 : i32 to index
      %get3A_892 = tpu.vector_load %arg9[%get3A_891] {strides = array<i32>} : memref<8000xf32, #tpu.memory_space<vmem>>, vector<16xf32>,
      %get3A_893 = vector.shape_cast %get3A_892 : vector<16xf32> to vector<16xf32>
      %sub3A_894 = arith.subf %get3A_893, %broadcast_in_dim3A : vector<16xf32>
      %mul3A_895 = arith.mulf %sub3A_894, %sub3A_894 : vector<16xf32>
      %add3A_896 = arith.addf %scan3A_876, %mul3A_895 : vector<16xf32>
      %add3A_897 = arith.constant 32 : i32
      %add3A_898 = arith.addi %mul3A_880, %add3A_897 : i32
      %get3A_899 = arith.index_cast %add3A_898 : i32 to index
      %get3A_900 = tpu.vector_load %arg9[%get3A_899] {strides = array<i32>} : memref<8000xf32, #tpu.memory_space<vmem>>, vector<16xf32>,
      %get3A_901 = vector.shape_cast %get3A_900 : vector<16xf32> to vector<16xf32>
      %sub3A_902 = arith.subf %get3A_901, %broadcast_in_dim3A : vector<16xf32>
      %mul3A_903 = arith.mulf %sub3A_902, %sub3A_902 : vector<16xf32>
      %add3A_904 = arith.addf %scan3A_877, %mul3A_903 : vector<16xf32>
      %add3A_905 = arith.constant 48 : i32
      %add3A_906 = arith.addi %mul3A_880, %add3A_905 : i32
      %get3A_907 = arith.index_cast %add3A_906 : i32 to index
      %get3A_908 = tpu.vector_load %arg9[%get3A_907] {strides = array<i32>} : memref<8000xf32, #tpu.memory_space<vmem>>, vector<16xf32>,
      %get3A_909 = vector.shape_cast %get3A_908 : vector<16xf32> to vector<16xf32>
      %sub3A_910 = arith.subf %get3A_909, %broadcast_in_dim3A : vector<16xf32>
      %mul3A_911 = arith.mulf %sub3A_910, %sub3A_910 : vector<16xf32>
      %add3A_912 = arith.addf %scan3A_878, %mul3A_911 : vector<16xf32>
      scf.yield %add3A_888, %add3A_896, %add3A_904, %add3A_912 : vector<16xf32>, vector<16xf32>, vector<16xf32>, vector<16xf32>
    }
    %scan3A_459 = arith.constant 125 : i32
    %add3A_460 = arith.addf %scan3A_458#0, %scan3A_458#1 : vector<16xf32>
    %add3A_461 = arith.addf %scan3A_458#2, %scan3A_458#3 : vector<16xf32>
    %add3A_462 = arith.addf %add3A_460, %add3A_461 : vector<16xf32>
    %add3A_463 = arith.addf %add3A_423, %add3A_462 : vector<16xf32>
    %dma_wait3A_464 = arith.constant 0 : i32
    %dma_wait3A_465 = tpu.memref_slice %arg6[%dma_wait3A_464] : memref<8000xi32, #tpu.memory_space<vmem>> -> memref<8000xi32, #tpu.memory_space<vmem>>
    %dma_wait3A_466 = tpu.memref_slice %arg2[%mul3A_445] : memref<5000000xi32, #tpu.memory_space<hbm>> -> memref<8000xi32, #tpu.memory_space<hbm>>
    %dma_wait3A_467 = arith.constant 0 : i32
    %dma_wait3A_468 = tpu.memref_slice %arg6[%dma_wait3A_467] : memref<8000xi32, #tpu.memory_space<vmem>> -> memref<8000xi32, #tpu.memory_space<vmem>>
    %dma_wait3A_469 = tpu.memref_slice %arg2[%mul3A_445] : memref<5000000xi32, #tpu.memory_space<hbm>> -> memref<8000xi32, #tpu.memory_space<hbm>>
    tpu.wait_dma2 semaphore(%arg13 : memref<!tpu.dma_semaphore, #tpu.memory_space<semaphore_mem>>) src(%dma_wait3A_469 : memref<8000xi32, #tpu.memory_space<hbm>>) dst(%dma_wait3A_468 : memref<8000xi32, #tpu.memory_space<vmem>>)
    %dma_start3A_470 = arith.constant 0 : i32
    %dma_start3A_471 = tpu.memref_slice %arg9[%dma_start3A_470] : memref<8000xf32, #tpu.memory_space<vmem>> -> memref<8000xf32, #tpu.memory_space<vmem>>
    %dma_start3A_472 = arith.constant 0 : i32
    %dma_start3A_473 = tpu.memref_slice %arg6[%dma_start3A_472] : memref<8000xi32, #tpu.memory_space<vmem>> -> memref<8000xi32, #tpu.memory_space<vmem>>
    %dma_start3A_474 = arith.constant 0 : i32
    %dma_start3A_475 = tpu.memref_slice %arg3[%dma_start3A_474] : memref<10000000xf32, #tpu.memory_space<hbm>> -> memref<10000000xf32, #tpu.memory_space<hbm>>
    tpu.enqueue_indirect_dma source(%dma_start3A_475 : memref<10000000xf32, #tpu.memory_space<hbm>>) target(%dma_start3A_471 : memref<8000xf32, #tpu.memory_space<vmem>>) offsets(%dma_start3A_473 : memref<8000xi32, #tpu.memory_space<vmem>>) semaphore(%arg16 : memref<!tpu.dma_semaphore, #tpu.memory_space<semaphore_mem>>)
    %dma_wait3A_476 = arith.constant 0 : i32
    %dma_wait3A_477 = tpu.memref_slice %arg10[%dma_wait3A_476] : memref<8000xf32, #tpu.memory_space<vmem>> -> memref<8000xf32, #tpu.memory_space<vmem>>
    %dma_wait3A_478 = arith.constant 0 : i32
    %dma_wait3A_479 = tpu.memref_slice %arg7[%dma_wait3A_478] : memref<8000xi32, #tpu.memory_space<vmem>> -> memref<8000xi32, #tpu.memory_space<vmem>>
    %dma_wait3A_480 = arith.constant 0 : i32
    %dma_wait3A_481 = tpu.memref_slice %arg3[%dma_wait3A_480] : memref<10000000xf32, #tpu.memory_space<hbm>> -> memref<10000000xf32, #tpu.memory_space<hbm>>
    tpu.wait_indirect_dma semaphore(%arg17 : memref<!tpu.dma_semaphore, #tpu.memory_space<semaphore_mem>>) src(%dma_wait3A_481 : memref<10000000xf32, #tpu.memory_space<hbm>>) dst(%dma_wait3A_477 : memref<8000xf32, #tpu.memory_space<vmem>>)
    %add3A_482 = arith.constant 416 : i32
    %add3A_483 = arith.addi %add3A, %add3A_482 : i32
    %mul3A_484 = arith.constant 8000 : i32
    %mul3A_485 = arith.muli %add3A_483, %mul3A_484 : i32
    %dma_start3A_486 = arith.constant 0 : i32
    %dma_start3A_487 = tpu.memref_slice %arg7[%dma_start3A_486] : memref<8000xi32, #tpu.memory_space<vmem>> -> memref<8000xi32, #tpu.memory_space<vmem>>
    %dma_start3A_488 = tpu.memref_slice %arg2[%mul3A_485] : memref<5000000xi32, #tpu.memory_space<hbm>> -> memref<8000xi32, #tpu.memory_space<hbm>>
    %dma_start3A_489 = arith.constant 0 : i32
    %dma_start3A_490 = tpu.memref_slice %arg7[%dma_start3A_489] : memref<8000xi32, #tpu.memory_space<vmem>> -> memref<8000xi32, #tpu.memory_space<vmem>>
    %dma_start3A_491 = tpu.memref_slice %arg2[%mul3A_485] : memref<5000000xi32, #tpu.memory_space<hbm>> -> memref<8000xi32, #tpu.memory_space<hbm>>
    tpu.enqueue_dma source(%dma_start3A_491 : memref<8000xi32, #tpu.memory_space<hbm>>) target(%dma_start3A_490 : memref<8000xi32, #tpu.memory_space<vmem>>) target_semaphore(%arg14 : memref<!tpu.dma_semaphore, #tpu.memory_space<semaphore_mem>>)
    %broadcast_in_dim3A_492 = arith.constant 0.000000e+00 : f32
    %broadcast_in_dim3A_493 = vector.broadcast %broadcast_in_dim3A_492 : f32 to vector<16xf32>
    %scan3A_494 = arith.constant 0 : i32
    %scan3A_495 = arith.constant 125 : i32
    %scan3A_496 = arith.addi %scan3A_494, %scan3A_495 : i32
    %scan3A_497 = arith.constant 1 : i32
    %scan3A_498:4 = scf.for %scan3A_874 = %scan3A_494 to %scan3A_496 step %scan3A_497 iter_args(%scan3A_875 = %broadcast_in_dim3A_493, %scan3A_876 = %broadcast_in_dim3A_493, %scan3A_877 = %broadcast_in_dim3A_493, %scan3A_878 = %broadcast_in_dim3A_493) -> (vector<16xf32>, vector<16xf32>, vector<16xf32>, vector<16xf32>)  : i32 {
      %mul3A_879 = arith.constant 64 : i32
      %mul3A_880 = arith.muli %scan3A_874, %mul3A_879 : i32
      %add3A_881 = arith.constant 0 : i32
      %add3A_882 = arith.addi %mul3A_880, %add3A_881 : i32
      %get3A_883 = arith.index_cast %add3A_882 : i32 to index
      %get3A_884 = tpu.vector_load %arg10[%get3A_883] {strides = array<i32>} : memref<8000xf32, #tpu.memory_space<vmem>>, vector<16xf32>,
      %get3A_885 = vector.shape_cast %get3A_884 : vector<16xf32> to vector<16xf32>
      %sub3A_886 = arith.subf %get3A_885, %broadcast_in_dim3A : vector<16xf32>
      %mul3A_887 = arith.mulf %sub3A_886, %sub3A_886 : vector<16xf32>
      %add3A_888 = arith.addf %scan3A_875, %mul3A_887 : vector<16xf32>
      %add3A_889 = arith.constant 16 : i32
      %add3A_890 = arith.addi %mul3A_880, %add3A_889 : i32
      %get3A_891 = arith.index_cast %add3A_890 : i32 to index
      %get3A_892 = tpu.vector_load %arg10[%get3A_891] {strides = array<i32>} : memref<8000xf32, #tpu.memory_space<vmem>>, vector<16xf32>,
      %get3A_893 = vector.shape_cast %get3A_892 : vector<16xf32> to vector<16xf32>
      %sub3A_894 = arith.subf %get3A_893, %broadcast_in_dim3A : vector<16xf32>
      %mul3A_895 = arith.mulf %sub3A_894, %sub3A_894 : vector<16xf32>
      %add3A_896 = arith.addf %scan3A_876, %mul3A_895 : vector<16xf32>
      %add3A_897 = arith.constant 32 : i32
      %add3A_898 = arith.addi %mul3A_880, %add3A_897 : i32
      %get3A_899 = arith.index_cast %add3A_898 : i32 to index
      %get3A_900 = tpu.vector_load %arg10[%get3A_899] {strides = array<i32>} : memref<8000xf32, #tpu.memory_space<vmem>>, vector<16xf32>,
      %get3A_901 = vector.shape_cast %get3A_900 : vector<16xf32> to vector<16xf32>
      %sub3A_902 = arith.subf %get3A_901, %broadcast_in_dim3A : vector<16xf32>
      %mul3A_903 = arith.mulf %sub3A_902, %sub3A_902 : vector<16xf32>
      %add3A_904 = arith.addf %scan3A_877, %mul3A_903 : vector<16xf32>
      %add3A_905 = arith.constant 48 : i32
      %add3A_906 = arith.addi %mul3A_880, %add3A_905 : i32
      %get3A_907 = arith.index_cast %add3A_906 : i32 to index
      %get3A_908 = tpu.vector_load %arg10[%get3A_907] {strides = array<i32>} : memref<8000xf32, #tpu.memory_space<vmem>>, vector<16xf32>,
      %get3A_909 = vector.shape_cast %get3A_908 : vector<16xf32> to vector<16xf32>
      %sub3A_910 = arith.subf %get3A_909, %broadcast_in_dim3A : vector<16xf32>
      %mul3A_911 = arith.mulf %sub3A_910, %sub3A_910 : vector<16xf32>
      %add3A_912 = arith.addf %scan3A_878, %mul3A_911 : vector<16xf32>
      scf.yield %add3A_888, %add3A_896, %add3A_904, %add3A_912 : vector<16xf32>, vector<16xf32>, vector<16xf32>, vector<16xf32>
    }
    %scan3A_499 = arith.constant 125 : i32
    %add3A_500 = arith.addf %scan3A_498#0, %scan3A_498#1 : vector<16xf32>
    %add3A_501 = arith.addf %scan3A_498#2, %scan3A_498#3 : vector<16xf32>
    %add3A_502 = arith.addf %add3A_500, %add3A_501 : vector<16xf32>
    %add3A_503 = arith.addf %add3A_463, %add3A_502 : vector<16xf32>
    %dma_wait3A_504 = arith.constant 0 : i32
    %dma_wait3A_505 = tpu.memref_slice %arg7[%dma_wait3A_504] : memref<8000xi32, #tpu.memory_space<vmem>> -> memref<8000xi32, #tpu.memory_space<vmem>>
    %dma_wait3A_506 = tpu.memref_slice %arg2[%mul3A_485] : memref<5000000xi32, #tpu.memory_space<hbm>> -> memref<8000xi32, #tpu.memory_space<hbm>>
    %dma_wait3A_507 = arith.constant 0 : i32
    %dma_wait3A_508 = tpu.memref_slice %arg7[%dma_wait3A_507] : memref<8000xi32, #tpu.memory_space<vmem>> -> memref<8000xi32, #tpu.memory_space<vmem>>
    %dma_wait3A_509 = tpu.memref_slice %arg2[%mul3A_485] : memref<5000000xi32, #tpu.memory_space<hbm>> -> memref<8000xi32, #tpu.memory_space<hbm>>
    tpu.wait_dma2 semaphore(%arg14 : memref<!tpu.dma_semaphore, #tpu.memory_space<semaphore_mem>>) src(%dma_wait3A_509 : memref<8000xi32, #tpu.memory_space<hbm>>) dst(%dma_wait3A_508 : memref<8000xi32, #tpu.memory_space<vmem>>)
    %dma_start3A_510 = arith.constant 0 : i32
    %dma_start3A_511 = tpu.memref_slice %arg10[%dma_start3A_510] : memref<8000xf32, #tpu.memory_space<vmem>> -> memref<8000xf32, #tpu.memory_space<vmem>>
    %dma_start3A_512 = arith.constant 0 : i32
    %dma_start3A_513 = tpu.memref_slice %arg7[%dma_start3A_512] : memref<8000xi32, #tpu.memory_space<vmem>> -> memref<8000xi32, #tpu.memory_space<vmem>>
    %dma_start3A_514 = arith.constant 0 : i32
    %dma_start3A_515 = tpu.memref_slice %arg3[%dma_start3A_514] : memref<10000000xf32, #tpu.memory_space<hbm>> -> memref<10000000xf32, #tpu.memory_space<hbm>>
    tpu.enqueue_indirect_dma source(%dma_start3A_515 : memref<10000000xf32, #tpu.memory_space<hbm>>) target(%dma_start3A_511 : memref<8000xf32, #tpu.memory_space<vmem>>) offsets(%dma_start3A_513 : memref<8000xi32, #tpu.memory_space<vmem>>) semaphore(%arg17 : memref<!tpu.dma_semaphore, #tpu.memory_space<semaphore_mem>>)
    %dma_wait3A_516 = arith.constant 0 : i32
    %dma_wait3A_517 = tpu.memref_slice %arg11[%dma_wait3A_516] : memref<8000xf32, #tpu.memory_space<vmem>> -> memref<8000xf32, #tpu.memory_space<vmem>>
    %dma_wait3A_518 = arith.constant 0 : i32
    %dma_wait3A_519 = tpu.memref_slice %arg8[%dma_wait3A_518] : memref<8000xi32, #tpu.memory_space<vmem>> -> memref<8000xi32, #tpu.memory_space<vmem>>
    %dma_wait3A_520 = arith.constant 0 : i32
    %dma_wait3A_521 = tpu.memref_slice %arg3[%dma_wait3A_520] : memref<10000000xf32, #tpu.memory_space<hbm>> -> memref<10000000xf32, #tpu.memory_space<hbm>>
    tpu.wait_indirect_dma semaphore(%arg18 : memref<!tpu.dma_semaphore, #tpu.memory_space<semaphore_mem>>) src(%dma_wait3A_521 : memref<10000000xf32, #tpu.memory_space<hbm>>) dst(%dma_wait3A_517 : memref<8000xf32, #tpu.memory_space<vmem>>)
    %add3A_522 = arith.constant 448 : i32
    %add3A_523 = arith.addi %add3A, %add3A_522 : i32
    %mul3A_524 = arith.constant 8000 : i32
    %mul3A_525 = arith.muli %add3A_523, %mul3A_524 : i32
    %dma_start3A_526 = arith.constant 0 : i32
    %dma_start3A_527 = tpu.memref_slice %arg8[%dma_start3A_526] : memref<8000xi32, #tpu.memory_space<vmem>> -> memref<8000xi32, #tpu.memory_space<vmem>>
    %dma_start3A_528 = tpu.memref_slice %arg2[%mul3A_525] : memref<5000000xi32, #tpu.memory_space<hbm>> -> memref<8000xi32, #tpu.memory_space<hbm>>
    %dma_start3A_529 = arith.constant 0 : i32
    %dma_start3A_530 = tpu.memref_slice %arg8[%dma_start3A_529] : memref<8000xi32, #tpu.memory_space<vmem>> -> memref<8000xi32, #tpu.memory_space<vmem>>
    %dma_start3A_531 = tpu.memref_slice %arg2[%mul3A_525] : memref<5000000xi32, #tpu.memory_space<hbm>> -> memref<8000xi32, #tpu.memory_space<hbm>>
    tpu.enqueue_dma source(%dma_start3A_531 : memref<8000xi32, #tpu.memory_space<hbm>>) target(%dma_start3A_530 : memref<8000xi32, #tpu.memory_space<vmem>>) target_semaphore(%arg15 : memref<!tpu.dma_semaphore, #tpu.memory_space<semaphore_mem>>)
    %broadcast_in_dim3A_532 = arith.constant 0.000000e+00 : f32
    %broadcast_in_dim3A_533 = vector.broadcast %broadcast_in_dim3A_532 : f32 to vector<16xf32>
    %scan3A_534 = arith.constant 0 : i32
    %scan3A_535 = arith.constant 125 : i32
    %scan3A_536 = arith.addi %scan3A_534, %scan3A_535 : i32
    %scan3A_537 = arith.constant 1 : i32
    %scan3A_538:4 = scf.for %scan3A_874 = %scan3A_534 to %scan3A_536 step %scan3A_537 iter_args(%scan3A_875 = %broadcast_in_dim3A_533, %scan3A_876 = %broadcast_in_dim3A_533, %scan3A_877 = %broadcast_in_dim3A_533, %scan3A_878 = %broadcast_in_dim3A_533) -> (vector<16xf32>, vector<16xf32>, vector<16xf32>, vector<16xf32>)  : i32 {
      %mul3A_879 = arith.constant 64 : i32
      %mul3A_880 = arith.muli %scan3A_874, %mul3A_879 : i32
      %add3A_881 = arith.constant 0 : i32
      %add3A_882 = arith.addi %mul3A_880, %add3A_881 : i32
      %get3A_883 = arith.index_cast %add3A_882 : i32 to index
      %get3A_884 = tpu.vector_load %arg11[%get3A_883] {strides = array<i32>} : memref<8000xf32, #tpu.memory_space<vmem>>, vector<16xf32>,
      %get3A_885 = vector.shape_cast %get3A_884 : vector<16xf32> to vector<16xf32>
      %sub3A_886 = arith.subf %get3A_885, %broadcast_in_dim3A : vector<16xf32>
      %mul3A_887 = arith.mulf %sub3A_886, %sub3A_886 : vector<16xf32>
      %add3A_888 = arith.addf %scan3A_875, %mul3A_887 : vector<16xf32>
      %add3A_889 = arith.constant 16 : i32
      %add3A_890 = arith.addi %mul3A_880, %add3A_889 : i32
      %get3A_891 = arith.index_cast %add3A_890 : i32 to index
      %get3A_892 = tpu.vector_load %arg11[%get3A_891] {strides = array<i32>} : memref<8000xf32, #tpu.memory_space<vmem>>, vector<16xf32>,
      %get3A_893 = vector.shape_cast %get3A_892 : vector<16xf32> to vector<16xf32>
      %sub3A_894 = arith.subf %get3A_893, %broadcast_in_dim3A : vector<16xf32>
      %mul3A_895 = arith.mulf %sub3A_894, %sub3A_894 : vector<16xf32>
      %add3A_896 = arith.addf %scan3A_876, %mul3A_895 : vector<16xf32>
      %add3A_897 = arith.constant 32 : i32
      %add3A_898 = arith.addi %mul3A_880, %add3A_897 : i32
      %get3A_899 = arith.index_cast %add3A_898 : i32 to index
      %get3A_900 = tpu.vector_load %arg11[%get3A_899] {strides = array<i32>} : memref<8000xf32, #tpu.memory_space<vmem>>, vector<16xf32>,
      %get3A_901 = vector.shape_cast %get3A_900 : vector<16xf32> to vector<16xf32>
      %sub3A_902 = arith.subf %get3A_901, %broadcast_in_dim3A : vector<16xf32>
      %mul3A_903 = arith.mulf %sub3A_902, %sub3A_902 : vector<16xf32>
      %add3A_904 = arith.addf %scan3A_877, %mul3A_903 : vector<16xf32>
      %add3A_905 = arith.constant 48 : i32
      %add3A_906 = arith.addi %mul3A_880, %add3A_905 : i32
      %get3A_907 = arith.index_cast %add3A_906 : i32 to index
      %get3A_908 = tpu.vector_load %arg11[%get3A_907] {strides = array<i32>} : memref<8000xf32, #tpu.memory_space<vmem>>, vector<16xf32>,
      %get3A_909 = vector.shape_cast %get3A_908 : vector<16xf32> to vector<16xf32>
      %sub3A_910 = arith.subf %get3A_909, %broadcast_in_dim3A : vector<16xf32>
      %mul3A_911 = arith.mulf %sub3A_910, %sub3A_910 : vector<16xf32>
      %add3A_912 = arith.addf %scan3A_878, %mul3A_911 : vector<16xf32>
      scf.yield %add3A_888, %add3A_896, %add3A_904, %add3A_912 : vector<16xf32>, vector<16xf32>, vector<16xf32>, vector<16xf32>
    }
    %scan3A_539 = arith.constant 125 : i32
    %add3A_540 = arith.addf %scan3A_538#0, %scan3A_538#1 : vector<16xf32>
    %add3A_541 = arith.addf %scan3A_538#2, %scan3A_538#3 : vector<16xf32>
    %add3A_542 = arith.addf %add3A_540, %add3A_541 : vector<16xf32>
    %add3A_543 = arith.addf %add3A_503, %add3A_542 : vector<16xf32>
    %dma_wait3A_544 = arith.constant 0 : i32
    %dma_wait3A_545 = tpu.memref_slice %arg8[%dma_wait3A_544] : memref<8000xi32, #tpu.memory_space<vmem>> -> memref<8000xi32, #tpu.memory_space<vmem>>
    %dma_wait3A_546 = tpu.memref_slice %arg2[%mul3A_525] : memref<5000000xi32, #tpu.memory_space<hbm>> -> memref<8000xi32, #tpu.memory_space<hbm>>
    %dma_wait3A_547 = arith.constant 0 : i32
    %dma_wait3A_548 = tpu.memref_slice %arg8[%dma_wait3A_547] : memref<8000xi32, #tpu.memory_space<vmem>> -> memref<8000xi32, #tpu.memory_space<vmem>>
    %dma_wait3A_549 = tpu.memref_slice %arg2[%mul3A_525] : memref<5000000xi32, #tpu.memory_space<hbm>> -> memref<8000xi32, #tpu.memory_space<hbm>>
    tpu.wait_dma2 semaphore(%arg15 : memref<!tpu.dma_semaphore, #tpu.memory_space<semaphore_mem>>) src(%dma_wait3A_549 : memref<8000xi32, #tpu.memory_space<hbm>>) dst(%dma_wait3A_548 : memref<8000xi32, #tpu.memory_space<vmem>>)
    %dma_start3A_550 = arith.constant 0 : i32
    %dma_start3A_551 = tpu.memref_slice %arg11[%dma_start3A_550] : memref<8000xf32, #tpu.memory_space<vmem>> -> memref<8000xf32, #tpu.memory_space<vmem>>
    %dma_start3A_552 = arith.constant 0 : i32
    %dma_start3A_553 = tpu.memref_slice %arg8[%dma_start3A_552] : memref<8000xi32, #tpu.memory_space<vmem>> -> memref<8000xi32, #tpu.memory_space<vmem>>
    %dma_start3A_554 = arith.constant 0 : i32
    %dma_start3A_555 = tpu.memref_slice %arg3[%dma_start3A_554] : memref<10000000xf32, #tpu.memory_space<hbm>> -> memref<10000000xf32, #tpu.memory_space<hbm>>
    tpu.enqueue_indirect_dma source(%dma_start3A_555 : memref<10000000xf32, #tpu.memory_space<hbm>>) target(%dma_start3A_551 : memref<8000xf32, #tpu.memory_space<vmem>>) offsets(%dma_start3A_553 : memref<8000xi32, #tpu.memory_space<vmem>>) semaphore(%arg18 : memref<!tpu.dma_semaphore, #tpu.memory_space<semaphore_mem>>)
    %dma_wait3A_556 = arith.constant 0 : i32
    %dma_wait3A_557 = tpu.memref_slice %arg9[%dma_wait3A_556] : memref<8000xf32, #tpu.memory_space<vmem>> -> memref<8000xf32, #tpu.memory_space<vmem>>
    %dma_wait3A_558 = arith.constant 0 : i32
    %dma_wait3A_559 = tpu.memref_slice %arg6[%dma_wait3A_558] : memref<8000xi32, #tpu.memory_space<vmem>> -> memref<8000xi32, #tpu.memory_space<vmem>>
    %dma_wait3A_560 = arith.constant 0 : i32
    %dma_wait3A_561 = tpu.memref_slice %arg3[%dma_wait3A_560] : memref<10000000xf32, #tpu.memory_space<hbm>> -> memref<10000000xf32, #tpu.memory_space<hbm>>
    tpu.wait_indirect_dma semaphore(%arg16 : memref<!tpu.dma_semaphore, #tpu.memory_space<semaphore_mem>>) src(%dma_wait3A_561 : memref<10000000xf32, #tpu.memory_space<hbm>>) dst(%dma_wait3A_557 : memref<8000xf32, #tpu.memory_space<vmem>>)
    %add3A_562 = arith.constant 480 : i32
    %add3A_563 = arith.addi %add3A, %add3A_562 : i32
    %mul3A_564 = arith.constant 8000 : i32
    %mul3A_565 = arith.muli %add3A_563, %mul3A_564 : i32
    %dma_start3A_566 = arith.constant 0 : i32
    %dma_start3A_567 = tpu.memref_slice %arg6[%dma_start3A_566] : memref<8000xi32, #tpu.memory_space<vmem>> -> memref<8000xi32, #tpu.memory_space<vmem>>
    %dma_start3A_568 = tpu.memref_slice %arg2[%mul3A_565] : memref<5000000xi32, #tpu.memory_space<hbm>> -> memref<8000xi32, #tpu.memory_space<hbm>>
    %dma_start3A_569 = arith.constant 0 : i32
    %dma_start3A_570 = tpu.memref_slice %arg6[%dma_start3A_569] : memref<8000xi32, #tpu.memory_space<vmem>> -> memref<8000xi32, #tpu.memory_space<vmem>>
    %dma_start3A_571 = tpu.memref_slice %arg2[%mul3A_565] : memref<5000000xi32, #tpu.memory_space<hbm>> -> memref<8000xi32, #tpu.memory_space<hbm>>
    tpu.enqueue_dma source(%dma_start3A_571 : memref<8000xi32, #tpu.memory_space<hbm>>) target(%dma_start3A_570 : memref<8000xi32, #tpu.memory_space<vmem>>) target_semaphore(%arg13 : memref<!tpu.dma_semaphore, #tpu.memory_space<semaphore_mem>>)
    %broadcast_in_dim3A_572 = arith.constant 0.000000e+00 : f32
    %broadcast_in_dim3A_573 = vector.broadcast %broadcast_in_dim3A_572 : f32 to vector<16xf32>
    %scan3A_574 = arith.constant 0 : i32
    %scan3A_575 = arith.constant 125 : i32
    %scan3A_576 = arith.addi %scan3A_574, %scan3A_575 : i32
    %scan3A_577 = arith.constant 1 : i32
    %scan3A_578:4 = scf.for %scan3A_874 = %scan3A_574 to %scan3A_576 step %scan3A_577 iter_args(%scan3A_875 = %broadcast_in_dim3A_573, %scan3A_876 = %broadcast_in_dim3A_573, %scan3A_877 = %broadcast_in_dim3A_573, %scan3A_878 = %broadcast_in_dim3A_573) -> (vector<16xf32>, vector<16xf32>, vector<16xf32>, vector<16xf32>)  : i32 {
      %mul3A_879 = arith.constant 64 : i32
      %mul3A_880 = arith.muli %scan3A_874, %mul3A_879 : i32
      %add3A_881 = arith.constant 0 : i32
      %add3A_882 = arith.addi %mul3A_880, %add3A_881 : i32
      %get3A_883 = arith.index_cast %add3A_882 : i32 to index
      %get3A_884 = tpu.vector_load %arg9[%get3A_883] {strides = array<i32>} : memref<8000xf32, #tpu.memory_space<vmem>>, vector<16xf32>,
      %get3A_885 = vector.shape_cast %get3A_884 : vector<16xf32> to vector<16xf32>
      %sub3A_886 = arith.subf %get3A_885, %broadcast_in_dim3A : vector<16xf32>
      %mul3A_887 = arith.mulf %sub3A_886, %sub3A_886 : vector<16xf32>
      %add3A_888 = arith.addf %scan3A_875, %mul3A_887 : vector<16xf32>
      %add3A_889 = arith.constant 16 : i32
      %add3A_890 = arith.addi %mul3A_880, %add3A_889 : i32
      %get3A_891 = arith.index_cast %add3A_890 : i32 to index
      %get3A_892 = tpu.vector_load %arg9[%get3A_891] {strides = array<i32>} : memref<8000xf32, #tpu.memory_space<vmem>>, vector<16xf32>,
      %get3A_893 = vector.shape_cast %get3A_892 : vector<16xf32> to vector<16xf32>
      %sub3A_894 = arith.subf %get3A_893, %broadcast_in_dim3A : vector<16xf32>
      %mul3A_895 = arith.mulf %sub3A_894, %sub3A_894 : vector<16xf32>
      %add3A_896 = arith.addf %scan3A_876, %mul3A_895 : vector<16xf32>
      %add3A_897 = arith.constant 32 : i32
      %add3A_898 = arith.addi %mul3A_880, %add3A_897 : i32
      %get3A_899 = arith.index_cast %add3A_898 : i32 to index
      %get3A_900 = tpu.vector_load %arg9[%get3A_899] {strides = array<i32>} : memref<8000xf32, #tpu.memory_space<vmem>>, vector<16xf32>,
      %get3A_901 = vector.shape_cast %get3A_900 : vector<16xf32> to vector<16xf32>
      %sub3A_902 = arith.subf %get3A_901, %broadcast_in_dim3A : vector<16xf32>
      %mul3A_903 = arith.mulf %sub3A_902, %sub3A_902 : vector<16xf32>
      %add3A_904 = arith.addf %scan3A_877, %mul3A_903 : vector<16xf32>
      %add3A_905 = arith.constant 48 : i32
      %add3A_906 = arith.addi %mul3A_880, %add3A_905 : i32
      %get3A_907 = arith.index_cast %add3A_906 : i32 to index
      %get3A_908 = tpu.vector_load %arg9[%get3A_907] {strides = array<i32>} : memref<8000xf32, #tpu.memory_space<vmem>>, vector<16xf32>,
      %get3A_909 = vector.shape_cast %get3A_908 : vector<16xf32> to vector<16xf32>
      %sub3A_910 = arith.subf %get3A_909, %broadcast_in_dim3A : vector<16xf32>
      %mul3A_911 = arith.mulf %sub3A_910, %sub3A_910 : vector<16xf32>
      %add3A_912 = arith.addf %scan3A_878, %mul3A_911 : vector<16xf32>
      scf.yield %add3A_888, %add3A_896, %add3A_904, %add3A_912 : vector<16xf32>, vector<16xf32>, vector<16xf32>, vector<16xf32>
    }
    %scan3A_579 = arith.constant 125 : i32
    %add3A_580 = arith.addf %scan3A_578#0, %scan3A_578#1 : vector<16xf32>
    %add3A_581 = arith.addf %scan3A_578#2, %scan3A_578#3 : vector<16xf32>
    %add3A_582 = arith.addf %add3A_580, %add3A_581 : vector<16xf32>
    %add3A_583 = arith.addf %add3A_543, %add3A_582 : vector<16xf32>
    %dma_wait3A_584 = arith.constant 0 : i32
    %dma_wait3A_585 = tpu.memref_slice %arg6[%dma_wait3A_584] : memref<8000xi32, #tpu.memory_space<vmem>> -> memref<8000xi32, #tpu.memory_space<vmem>>
    %dma_wait3A_586 = tpu.memref_slice %arg2[%mul3A_565] : memref<5000000xi32, #tpu.memory_space<hbm>> -> memref<8000xi32, #tpu.memory_space<hbm>>
    %dma_wait3A_587 = arith.constant 0 : i32
    %dma_wait3A_588 = tpu.memref_slice %arg6[%dma_wait3A_587] : memref<8000xi32, #tpu.memory_space<vmem>> -> memref<8000xi32, #tpu.memory_space<vmem>>
    %dma_wait3A_589 = tpu.memref_slice %arg2[%mul3A_565] : memref<5000000xi32, #tpu.memory_space<hbm>> -> memref<8000xi32, #tpu.memory_space<hbm>>
    tpu.wait_dma2 semaphore(%arg13 : memref<!tpu.dma_semaphore, #tpu.memory_space<semaphore_mem>>) src(%dma_wait3A_589 : memref<8000xi32, #tpu.memory_space<hbm>>) dst(%dma_wait3A_588 : memref<8000xi32, #tpu.memory_space<vmem>>)
    %dma_start3A_590 = arith.constant 0 : i32
    %dma_start3A_591 = tpu.memref_slice %arg9[%dma_start3A_590] : memref<8000xf32, #tpu.memory_space<vmem>> -> memref<8000xf32, #tpu.memory_space<vmem>>
    %dma_start3A_592 = arith.constant 0 : i32
    %dma_start3A_593 = tpu.memref_slice %arg6[%dma_start3A_592] : memref<8000xi32, #tpu.memory_space<vmem>> -> memref<8000xi32, #tpu.memory_space<vmem>>
    %dma_start3A_594 = arith.constant 0 : i32
    %dma_start3A_595 = tpu.memref_slice %arg3[%dma_start3A_594] : memref<10000000xf32, #tpu.memory_space<hbm>> -> memref<10000000xf32, #tpu.memory_space<hbm>>
    tpu.enqueue_indirect_dma source(%dma_start3A_595 : memref<10000000xf32, #tpu.memory_space<hbm>>) target(%dma_start3A_591 : memref<8000xf32, #tpu.memory_space<vmem>>) offsets(%dma_start3A_593 : memref<8000xi32, #tpu.memory_space<vmem>>) semaphore(%arg16 : memref<!tpu.dma_semaphore, #tpu.memory_space<semaphore_mem>>)
    %dma_wait3A_596 = arith.constant 0 : i32
    %dma_wait3A_597 = tpu.memref_slice %arg10[%dma_wait3A_596] : memref<8000xf32, #tpu.memory_space<vmem>> -> memref<8000xf32, #tpu.memory_space<vmem>>
    %dma_wait3A_598 = arith.constant 0 : i32
    %dma_wait3A_599 = tpu.memref_slice %arg7[%dma_wait3A_598] : memref<8000xi32, #tpu.memory_space<vmem>> -> memref<8000xi32, #tpu.memory_space<vmem>>
    %dma_wait3A_600 = arith.constant 0 : i32
    %dma_wait3A_601 = tpu.memref_slice %arg3[%dma_wait3A_600] : memref<10000000xf32, #tpu.memory_space<hbm>> -> memref<10000000xf32, #tpu.memory_space<hbm>>
    tpu.wait_indirect_dma semaphore(%arg17 : memref<!tpu.dma_semaphore, #tpu.memory_space<semaphore_mem>>) src(%dma_wait3A_601 : memref<10000000xf32, #tpu.memory_space<hbm>>) dst(%dma_wait3A_597 : memref<8000xf32, #tpu.memory_space<vmem>>)
    %add3A_602 = arith.constant 512 : i32
    %add3A_603 = arith.addi %add3A, %add3A_602 : i32
    %mul3A_604 = arith.constant 8000 : i32
    %mul3A_605 = arith.muli %add3A_603, %mul3A_604 : i32
    %dma_start3A_606 = arith.constant 0 : i32
    %dma_start3A_607 = tpu.memref_slice %arg7[%dma_start3A_606] : memref<8000xi32, #tpu.memory_space<vmem>> -> memref<8000xi32, #tpu.memory_space<vmem>>
    %dma_start3A_608 = tpu.memref_slice %arg2[%mul3A_605] : memref<5000000xi32, #tpu.memory_space<hbm>> -> memref<8000xi32, #tpu.memory_space<hbm>>
    %dma_start3A_609 = arith.constant 0 : i32
    %dma_start3A_610 = tpu.memref_slice %arg7[%dma_start3A_609] : memref<8000xi32, #tpu.memory_space<vmem>> -> memref<8000xi32, #tpu.memory_space<vmem>>
    %dma_start3A_611 = tpu.memref_slice %arg2[%mul3A_605] : memref<5000000xi32, #tpu.memory_space<hbm>> -> memref<8000xi32, #tpu.memory_space<hbm>>
    tpu.enqueue_dma source(%dma_start3A_611 : memref<8000xi32, #tpu.memory_space<hbm>>) target(%dma_start3A_610 : memref<8000xi32, #tpu.memory_space<vmem>>) target_semaphore(%arg14 : memref<!tpu.dma_semaphore, #tpu.memory_space<semaphore_mem>>)
    %broadcast_in_dim3A_612 = arith.constant 0.000000e+00 : f32
    %broadcast_in_dim3A_613 = vector.broadcast %broadcast_in_dim3A_612 : f32 to vector<16xf32>
    %scan3A_614 = arith.constant 0 : i32
    %scan3A_615 = arith.constant 125 : i32
    %scan3A_616 = arith.addi %scan3A_614, %scan3A_615 : i32
    %scan3A_617 = arith.constant 1 : i32
    %scan3A_618:4 = scf.for %scan3A_874 = %scan3A_614 to %scan3A_616 step %scan3A_617 iter_args(%scan3A_875 = %broadcast_in_dim3A_613, %scan3A_876 = %broadcast_in_dim3A_613, %scan3A_877 = %broadcast_in_dim3A_613, %scan3A_878 = %broadcast_in_dim3A_613) -> (vector<16xf32>, vector<16xf32>, vector<16xf32>, vector<16xf32>)  : i32 {
      %mul3A_879 = arith.constant 64 : i32
      %mul3A_880 = arith.muli %scan3A_874, %mul3A_879 : i32
      %add3A_881 = arith.constant 0 : i32
      %add3A_882 = arith.addi %mul3A_880, %add3A_881 : i32
      %get3A_883 = arith.index_cast %add3A_882 : i32 to index
      %get3A_884 = tpu.vector_load %arg10[%get3A_883] {strides = array<i32>} : memref<8000xf32, #tpu.memory_space<vmem>>, vector<16xf32>,
      %get3A_885 = vector.shape_cast %get3A_884 : vector<16xf32> to vector<16xf32>
      %sub3A_886 = arith.subf %get3A_885, %broadcast_in_dim3A : vector<16xf32>
      %mul3A_887 = arith.mulf %sub3A_886, %sub3A_886 : vector<16xf32>
      %add3A_888 = arith.addf %scan3A_875, %mul3A_887 : vector<16xf32>
      %add3A_889 = arith.constant 16 : i32
      %add3A_890 = arith.addi %mul3A_880, %add3A_889 : i32
      %get3A_891 = arith.index_cast %add3A_890 : i32 to index
      %get3A_892 = tpu.vector_load %arg10[%get3A_891] {strides = array<i32>} : memref<8000xf32, #tpu.memory_space<vmem>>, vector<16xf32>,
      %get3A_893 = vector.shape_cast %get3A_892 : vector<16xf32> to vector<16xf32>
      %sub3A_894 = arith.subf %get3A_893, %broadcast_in_dim3A : vector<16xf32>
      %mul3A_895 = arith.mulf %sub3A_894, %sub3A_894 : vector<16xf32>
      %add3A_896 = arith.addf %scan3A_876, %mul3A_895 : vector<16xf32>
      %add3A_897 = arith.constant 32 : i32
      %add3A_898 = arith.addi %mul3A_880, %add3A_897 : i32
      %get3A_899 = arith.index_cast %add3A_898 : i32 to index
      %get3A_900 = tpu.vector_load %arg10[%get3A_899] {strides = array<i32>} : memref<8000xf32, #tpu.memory_space<vmem>>, vector<16xf32>,
      %get3A_901 = vector.shape_cast %get3A_900 : vector<16xf32> to vector<16xf32>
      %sub3A_902 = arith.subf %get3A_901, %broadcast_in_dim3A : vector<16xf32>
      %mul3A_903 = arith.mulf %sub3A_902, %sub3A_902 : vector<16xf32>
      %add3A_904 = arith.addf %scan3A_877, %mul3A_903 : vector<16xf32>
      %add3A_905 = arith.constant 48 : i32
      %add3A_906 = arith.addi %mul3A_880, %add3A_905 : i32
      %get3A_907 = arith.index_cast %add3A_906 : i32 to index
      %get3A_908 = tpu.vector_load %arg10[%get3A_907] {strides = array<i32>} : memref<8000xf32, #tpu.memory_space<vmem>>, vector<16xf32>,
      %get3A_909 = vector.shape_cast %get3A_908 : vector<16xf32> to vector<16xf32>
      %sub3A_910 = arith.subf %get3A_909, %broadcast_in_dim3A : vector<16xf32>
      %mul3A_911 = arith.mulf %sub3A_910, %sub3A_910 : vector<16xf32>
      %add3A_912 = arith.addf %scan3A_878, %mul3A_911 : vector<16xf32>
      scf.yield %add3A_888, %add3A_896, %add3A_904, %add3A_912 : vector<16xf32>, vector<16xf32>, vector<16xf32>, vector<16xf32>
    }
    %scan3A_619 = arith.constant 125 : i32
    %add3A_620 = arith.addf %scan3A_618#0, %scan3A_618#1 : vector<16xf32>
    %add3A_621 = arith.addf %scan3A_618#2, %scan3A_618#3 : vector<16xf32>
    %add3A_622 = arith.addf %add3A_620, %add3A_621 : vector<16xf32>
    %add3A_623 = arith.addf %add3A_583, %add3A_622 : vector<16xf32>
    %dma_wait3A_624 = arith.constant 0 : i32
    %dma_wait3A_625 = tpu.memref_slice %arg7[%dma_wait3A_624] : memref<8000xi32, #tpu.memory_space<vmem>> -> memref<8000xi32, #tpu.memory_space<vmem>>
    %dma_wait3A_626 = tpu.memref_slice %arg2[%mul3A_605] : memref<5000000xi32, #tpu.memory_space<hbm>> -> memref<8000xi32, #tpu.memory_space<hbm>>
    %dma_wait3A_627 = arith.constant 0 : i32
    %dma_wait3A_628 = tpu.memref_slice %arg7[%dma_wait3A_627] : memref<8000xi32, #tpu.memory_space<vmem>> -> memref<8000xi32, #tpu.memory_space<vmem>>
    %dma_wait3A_629 = tpu.memref_slice %arg2[%mul3A_605] : memref<5000000xi32, #tpu.memory_space<hbm>> -> memref<8000xi32, #tpu.memory_space<hbm>>
    tpu.wait_dma2 semaphore(%arg14 : memref<!tpu.dma_semaphore, #tpu.memory_space<semaphore_mem>>) src(%dma_wait3A_629 : memref<8000xi32, #tpu.memory_space<hbm>>) dst(%dma_wait3A_628 : memref<8000xi32, #tpu.memory_space<vmem>>)
    %dma_start3A_630 = arith.constant 0 : i32
    %dma_start3A_631 = tpu.memref_slice %arg10[%dma_start3A_630] : memref<8000xf32, #tpu.memory_space<vmem>> -> memref<8000xf32, #tpu.memory_space<vmem>>
    %dma_start3A_632 = arith.constant 0 : i32
    %dma_start3A_633 = tpu.memref_slice %arg7[%dma_start3A_632] : memref<8000xi32, #tpu.memory_space<vmem>> -> memref<8000xi32, #tpu.memory_space<vmem>>
    %dma_start3A_634 = arith.constant 0 : i32
    %dma_start3A_635 = tpu.memref_slice %arg3[%dma_start3A_634] : memref<10000000xf32, #tpu.memory_space<hbm>> -> memref<10000000xf32, #tpu.memory_space<hbm>>
    tpu.enqueue_indirect_dma source(%dma_start3A_635 : memref<10000000xf32, #tpu.memory_space<hbm>>) target(%dma_start3A_631 : memref<8000xf32, #tpu.memory_space<vmem>>) offsets(%dma_start3A_633 : memref<8000xi32, #tpu.memory_space<vmem>>) semaphore(%arg17 : memref<!tpu.dma_semaphore, #tpu.memory_space<semaphore_mem>>)
    %dma_wait3A_636 = arith.constant 0 : i32
    %dma_wait3A_637 = tpu.memref_slice %arg11[%dma_wait3A_636] : memref<8000xf32, #tpu.memory_space<vmem>> -> memref<8000xf32, #tpu.memory_space<vmem>>
    %dma_wait3A_638 = arith.constant 0 : i32
    %dma_wait3A_639 = tpu.memref_slice %arg8[%dma_wait3A_638] : memref<8000xi32, #tpu.memory_space<vmem>> -> memref<8000xi32, #tpu.memory_space<vmem>>
    %dma_wait3A_640 = arith.constant 0 : i32
    %dma_wait3A_641 = tpu.memref_slice %arg3[%dma_wait3A_640] : memref<10000000xf32, #tpu.memory_space<hbm>> -> memref<10000000xf32, #tpu.memory_space<hbm>>
    tpu.wait_indirect_dma semaphore(%arg18 : memref<!tpu.dma_semaphore, #tpu.memory_space<semaphore_mem>>) src(%dma_wait3A_641 : memref<10000000xf32, #tpu.memory_space<hbm>>) dst(%dma_wait3A_637 : memref<8000xf32, #tpu.memory_space<vmem>>)
    %add3A_642 = arith.constant 544 : i32
    %add3A_643 = arith.addi %add3A, %add3A_642 : i32
    %mul3A_644 = arith.constant 8000 : i32
    %mul3A_645 = arith.muli %add3A_643, %mul3A_644 : i32
    %dma_start3A_646 = arith.constant 0 : i32
    %dma_start3A_647 = tpu.memref_slice %arg8[%dma_start3A_646] : memref<8000xi32, #tpu.memory_space<vmem>> -> memref<8000xi32, #tpu.memory_space<vmem>>
    %dma_start3A_648 = tpu.memref_slice %arg2[%mul3A_645] : memref<5000000xi32, #tpu.memory_space<hbm>> -> memref<8000xi32, #tpu.memory_space<hbm>>
    %dma_start3A_649 = arith.constant 0 : i32
    %dma_start3A_650 = tpu.memref_slice %arg8[%dma_start3A_649] : memref<8000xi32, #tpu.memory_space<vmem>> -> memref<8000xi32, #tpu.memory_space<vmem>>
    %dma_start3A_651 = tpu.memref_slice %arg2[%mul3A_645] : memref<5000000xi32, #tpu.memory_space<hbm>> -> memref<8000xi32, #tpu.memory_space<hbm>>
    tpu.enqueue_dma source(%dma_start3A_651 : memref<8000xi32, #tpu.memory_space<hbm>>) target(%dma_start3A_650 : memref<8000xi32, #tpu.memory_space<vmem>>) target_semaphore(%arg15 : memref<!tpu.dma_semaphore, #tpu.memory_space<semaphore_mem>>)
    %broadcast_in_dim3A_652 = arith.constant 0.000000e+00 : f32
    %broadcast_in_dim3A_653 = vector.broadcast %broadcast_in_dim3A_652 : f32 to vector<16xf32>
    %scan3A_654 = arith.constant 0 : i32
    %scan3A_655 = arith.constant 125 : i32
    %scan3A_656 = arith.addi %scan3A_654, %scan3A_655 : i32
    %scan3A_657 = arith.constant 1 : i32
    %scan3A_658:4 = scf.for %scan3A_874 = %scan3A_654 to %scan3A_656 step %scan3A_657 iter_args(%scan3A_875 = %broadcast_in_dim3A_653, %scan3A_876 = %broadcast_in_dim3A_653, %scan3A_877 = %broadcast_in_dim3A_653, %scan3A_878 = %broadcast_in_dim3A_653) -> (vector<16xf32>, vector<16xf32>, vector<16xf32>, vector<16xf32>)  : i32 {
      %mul3A_879 = arith.constant 64 : i32
      %mul3A_880 = arith.muli %scan3A_874, %mul3A_879 : i32
      %add3A_881 = arith.constant 0 : i32
      %add3A_882 = arith.addi %mul3A_880, %add3A_881 : i32
      %get3A_883 = arith.index_cast %add3A_882 : i32 to index
      %get3A_884 = tpu.vector_load %arg11[%get3A_883] {strides = array<i32>} : memref<8000xf32, #tpu.memory_space<vmem>>, vector<16xf32>,
      %get3A_885 = vector.shape_cast %get3A_884 : vector<16xf32> to vector<16xf32>
      %sub3A_886 = arith.subf %get3A_885, %broadcast_in_dim3A : vector<16xf32>
      %mul3A_887 = arith.mulf %sub3A_886, %sub3A_886 : vector<16xf32>
      %add3A_888 = arith.addf %scan3A_875, %mul3A_887 : vector<16xf32>
      %add3A_889 = arith.constant 16 : i32
      %add3A_890 = arith.addi %mul3A_880, %add3A_889 : i32
      %get3A_891 = arith.index_cast %add3A_890 : i32 to index
      %get3A_892 = tpu.vector_load %arg11[%get3A_891] {strides = array<i32>} : memref<8000xf32, #tpu.memory_space<vmem>>, vector<16xf32>,
      %get3A_893 = vector.shape_cast %get3A_892 : vector<16xf32> to vector<16xf32>
      %sub3A_894 = arith.subf %get3A_893, %broadcast_in_dim3A : vector<16xf32>
      %mul3A_895 = arith.mulf %sub3A_894, %sub3A_894 : vector<16xf32>
      %add3A_896 = arith.addf %scan3A_876, %mul3A_895 : vector<16xf32>
      %add3A_897 = arith.constant 32 : i32
      %add3A_898 = arith.addi %mul3A_880, %add3A_897 : i32
      %get3A_899 = arith.index_cast %add3A_898 : i32 to index
      %get3A_900 = tpu.vector_load %arg11[%get3A_899] {strides = array<i32>} : memref<8000xf32, #tpu.memory_space<vmem>>, vector<16xf32>,
      %get3A_901 = vector.shape_cast %get3A_900 : vector<16xf32> to vector<16xf32>
      %sub3A_902 = arith.subf %get3A_901, %broadcast_in_dim3A : vector<16xf32>
      %mul3A_903 = arith.mulf %sub3A_902, %sub3A_902 : vector<16xf32>
      %add3A_904 = arith.addf %scan3A_877, %mul3A_903 : vector<16xf32>
      %add3A_905 = arith.constant 48 : i32
      %add3A_906 = arith.addi %mul3A_880, %add3A_905 : i32
      %get3A_907 = arith.index_cast %add3A_906 : i32 to index
      %get3A_908 = tpu.vector_load %arg11[%get3A_907] {strides = array<i32>} : memref<8000xf32, #tpu.memory_space<vmem>>, vector<16xf32>,
      %get3A_909 = vector.shape_cast %get3A_908 : vector<16xf32> to vector<16xf32>
      %sub3A_910 = arith.subf %get3A_909, %broadcast_in_dim3A : vector<16xf32>
      %mul3A_911 = arith.mulf %sub3A_910, %sub3A_910 : vector<16xf32>
      %add3A_912 = arith.addf %scan3A_878, %mul3A_911 : vector<16xf32>
      scf.yield %add3A_888, %add3A_896, %add3A_904, %add3A_912 : vector<16xf32>, vector<16xf32>, vector<16xf32>, vector<16xf32>
    }
    %scan3A_659 = arith.constant 125 : i32
    %add3A_660 = arith.addf %scan3A_658#0, %scan3A_658#1 : vector<16xf32>
    %add3A_661 = arith.addf %scan3A_658#2, %scan3A_658#3 : vector<16xf32>
    %add3A_662 = arith.addf %add3A_660, %add3A_661 : vector<16xf32>
    %add3A_663 = arith.addf %add3A_623, %add3A_662 : vector<16xf32>
    %dma_wait3A_664 = arith.constant 0 : i32
    %dma_wait3A_665 = tpu.memref_slice %arg8[%dma_wait3A_664] : memref<8000xi32, #tpu.memory_space<vmem>> -> memref<8000xi32, #tpu.memory_space<vmem>>
    %dma_wait3A_666 = tpu.memref_slice %arg2[%mul3A_645] : memref<5000000xi32, #tpu.memory_space<hbm>> -> memref<8000xi32, #tpu.memory_space<hbm>>
    %dma_wait3A_667 = arith.constant 0 : i32
    %dma_wait3A_668 = tpu.memref_slice %arg8[%dma_wait3A_667] : memref<8000xi32, #tpu.memory_space<vmem>> -> memref<8000xi32, #tpu.memory_space<vmem>>
    %dma_wait3A_669 = tpu.memref_slice %arg2[%mul3A_645] : memref<5000000xi32, #tpu.memory_space<hbm>> -> memref<8000xi32, #tpu.memory_space<hbm>>
    tpu.wait_dma2 semaphore(%arg15 : memref<!tpu.dma_semaphore, #tpu.memory_space<semaphore_mem>>) src(%dma_wait3A_669 : memref<8000xi32, #tpu.memory_space<hbm>>) dst(%dma_wait3A_668 : memref<8000xi32, #tpu.memory_space<vmem>>)
    %dma_start3A_670 = arith.constant 0 : i32
    %dma_start3A_671 = tpu.memref_slice %arg11[%dma_start3A_670] : memref<8000xf32, #tpu.memory_space<vmem>> -> memref<8000xf32, #tpu.memory_space<vmem>>
    %dma_start3A_672 = arith.constant 0 : i32
    %dma_start3A_673 = tpu.memref_slice %arg8[%dma_start3A_672] : memref<8000xi32, #tpu.memory_space<vmem>> -> memref<8000xi32, #tpu.memory_space<vmem>>
    %dma_start3A_674 = arith.constant 0 : i32
    %dma_start3A_675 = tpu.memref_slice %arg3[%dma_start3A_674] : memref<10000000xf32, #tpu.memory_space<hbm>> -> memref<10000000xf32, #tpu.memory_space<hbm>>
    tpu.enqueue_indirect_dma source(%dma_start3A_675 : memref<10000000xf32, #tpu.memory_space<hbm>>) target(%dma_start3A_671 : memref<8000xf32, #tpu.memory_space<vmem>>) offsets(%dma_start3A_673 : memref<8000xi32, #tpu.memory_space<vmem>>) semaphore(%arg18 : memref<!tpu.dma_semaphore, #tpu.memory_space<semaphore_mem>>)
    %dma_wait3A_676 = arith.constant 0 : i32
    %dma_wait3A_677 = tpu.memref_slice %arg9[%dma_wait3A_676] : memref<8000xf32, #tpu.memory_space<vmem>> -> memref<8000xf32, #tpu.memory_space<vmem>>
    %dma_wait3A_678 = arith.constant 0 : i32
    %dma_wait3A_679 = tpu.memref_slice %arg6[%dma_wait3A_678] : memref<8000xi32, #tpu.memory_space<vmem>> -> memref<8000xi32, #tpu.memory_space<vmem>>
    %dma_wait3A_680 = arith.constant 0 : i32
    %dma_wait3A_681 = tpu.memref_slice %arg3[%dma_wait3A_680] : memref<10000000xf32, #tpu.memory_space<hbm>> -> memref<10000000xf32, #tpu.memory_space<hbm>>
    tpu.wait_indirect_dma semaphore(%arg16 : memref<!tpu.dma_semaphore, #tpu.memory_space<semaphore_mem>>) src(%dma_wait3A_681 : memref<10000000xf32, #tpu.memory_space<hbm>>) dst(%dma_wait3A_677 : memref<8000xf32, #tpu.memory_space<vmem>>)
    %add3A_682 = arith.constant 576 : i32
    %add3A_683 = arith.addi %add3A, %add3A_682 : i32
    %mul3A_684 = arith.constant 8000 : i32
    %mul3A_685 = arith.muli %add3A_683, %mul3A_684 : i32
    %dma_start3A_686 = arith.constant 0 : i32
    %dma_start3A_687 = tpu.memref_slice %arg6[%dma_start3A_686] : memref<8000xi32, #tpu.memory_space<vmem>> -> memref<8000xi32, #tpu.memory_space<vmem>>
    %dma_start3A_688 = tpu.memref_slice %arg2[%mul3A_685] : memref<5000000xi32, #tpu.memory_space<hbm>> -> memref<8000xi32, #tpu.memory_space<hbm>>
    %dma_start3A_689 = arith.constant 0 : i32
    %dma_start3A_690 = tpu.memref_slice %arg6[%dma_start3A_689] : memref<8000xi32, #tpu.memory_space<vmem>> -> memref<8000xi32, #tpu.memory_space<vmem>>
    %dma_start3A_691 = tpu.memref_slice %arg2[%mul3A_685] : memref<5000000xi32, #tpu.memory_space<hbm>> -> memref<8000xi32, #tpu.memory_space<hbm>>
    tpu.enqueue_dma source(%dma_start3A_691 : memref<8000xi32, #tpu.memory_space<hbm>>) target(%dma_start3A_690 : memref<8000xi32, #tpu.memory_space<vmem>>) target_semaphore(%arg13 : memref<!tpu.dma_semaphore, #tpu.memory_space<semaphore_mem>>)
    %broadcast_in_dim3A_692 = arith.constant 0.000000e+00 : f32
    %broadcast_in_dim3A_693 = vector.broadcast %broadcast_in_dim3A_692 : f32 to vector<16xf32>
    %scan3A_694 = arith.constant 0 : i32
    %scan3A_695 = arith.constant 125 : i32
    %scan3A_696 = arith.addi %scan3A_694, %scan3A_695 : i32
    %scan3A_697 = arith.constant 1 : i32
    %scan3A_698:4 = scf.for %scan3A_874 = %scan3A_694 to %scan3A_696 step %scan3A_697 iter_args(%scan3A_875 = %broadcast_in_dim3A_693, %scan3A_876 = %broadcast_in_dim3A_693, %scan3A_877 = %broadcast_in_dim3A_693, %scan3A_878 = %broadcast_in_dim3A_693) -> (vector<16xf32>, vector<16xf32>, vector<16xf32>, vector<16xf32>)  : i32 {
      %mul3A_879 = arith.constant 64 : i32
      %mul3A_880 = arith.muli %scan3A_874, %mul3A_879 : i32
      %add3A_881 = arith.constant 0 : i32
      %add3A_882 = arith.addi %mul3A_880, %add3A_881 : i32
      %get3A_883 = arith.index_cast %add3A_882 : i32 to index
      %get3A_884 = tpu.vector_load %arg9[%get3A_883] {strides = array<i32>} : memref<8000xf32, #tpu.memory_space<vmem>>, vector<16xf32>,
      %get3A_885 = vector.shape_cast %get3A_884 : vector<16xf32> to vector<16xf32>
      %sub3A_886 = arith.subf %get3A_885, %broadcast_in_dim3A : vector<16xf32>
      %mul3A_887 = arith.mulf %sub3A_886, %sub3A_886 : vector<16xf32>
      %add3A_888 = arith.addf %scan3A_875, %mul3A_887 : vector<16xf32>
      %add3A_889 = arith.constant 16 : i32
      %add3A_890 = arith.addi %mul3A_880, %add3A_889 : i32
      %get3A_891 = arith.index_cast %add3A_890 : i32 to index
      %get3A_892 = tpu.vector_load %arg9[%get3A_891] {strides = array<i32>} : memref<8000xf32, #tpu.memory_space<vmem>>, vector<16xf32>,
      %get3A_893 = vector.shape_cast %get3A_892 : vector<16xf32> to vector<16xf32>
      %sub3A_894 = arith.subf %get3A_893, %broadcast_in_dim3A : vector<16xf32>
      %mul3A_895 = arith.mulf %sub3A_894, %sub3A_894 : vector<16xf32>
      %add3A_896 = arith.addf %scan3A_876, %mul3A_895 : vector<16xf32>
      %add3A_897 = arith.constant 32 : i32
      %add3A_898 = arith.addi %mul3A_880, %add3A_897 : i32
      %get3A_899 = arith.index_cast %add3A_898 : i32 to index
      %get3A_900 = tpu.vector_load %arg9[%get3A_899] {strides = array<i32>} : memref<8000xf32, #tpu.memory_space<vmem>>, vector<16xf32>,
      %get3A_901 = vector.shape_cast %get3A_900 : vector<16xf32> to vector<16xf32>
      %sub3A_902 = arith.subf %get3A_901, %broadcast_in_dim3A : vector<16xf32>
      %mul3A_903 = arith.mulf %sub3A_902, %sub3A_902 : vector<16xf32>
      %add3A_904 = arith.addf %scan3A_877, %mul3A_903 : vector<16xf32>
      %add3A_905 = arith.constant 48 : i32
      %add3A_906 = arith.addi %mul3A_880, %add3A_905 : i32
      %get3A_907 = arith.index_cast %add3A_906 : i32 to index
      %get3A_908 = tpu.vector_load %arg9[%get3A_907] {strides = array<i32>} : memref<8000xf32, #tpu.memory_space<vmem>>, vector<16xf32>,
      %get3A_909 = vector.shape_cast %get3A_908 : vector<16xf32> to vector<16xf32>
      %sub3A_910 = arith.subf %get3A_909, %broadcast_in_dim3A : vector<16xf32>
      %mul3A_911 = arith.mulf %sub3A_910, %sub3A_910 : vector<16xf32>
      %add3A_912 = arith.addf %scan3A_878, %mul3A_911 : vector<16xf32>
      scf.yield %add3A_888, %add3A_896, %add3A_904, %add3A_912 : vector<16xf32>, vector<16xf32>, vector<16xf32>, vector<16xf32>
    }
    %scan3A_699 = arith.constant 125 : i32
    %add3A_700 = arith.addf %scan3A_698#0, %scan3A_698#1 : vector<16xf32>
    %add3A_701 = arith.addf %scan3A_698#2, %scan3A_698#3 : vector<16xf32>
    %add3A_702 = arith.addf %add3A_700, %add3A_701 : vector<16xf32>
    %add3A_703 = arith.addf %add3A_663, %add3A_702 : vector<16xf32>
    %dma_wait3A_704 = arith.constant 0 : i32
    %dma_wait3A_705 = tpu.memref_slice %arg6[%dma_wait3A_704] : memref<8000xi32, #tpu.memory_space<vmem>> -> memref<8000xi32, #tpu.memory_space<vmem>>
    %dma_wait3A_706 = tpu.memref_slice %arg2[%mul3A_685] : memref<5000000xi32, #tpu.memory_space<hbm>> -> memref<8000xi32, #tpu.memory_space<hbm>>
    %dma_wait3A_707 = arith.constant 0 : i32
    %dma_wait3A_708 = tpu.memref_slice %arg6[%dma_wait3A_707] : memref<8000xi32, #tpu.memory_space<vmem>> -> memref<8000xi32, #tpu.memory_space<vmem>>
    %dma_wait3A_709 = tpu.memref_slice %arg2[%mul3A_685] : memref<5000000xi32, #tpu.memory_space<hbm>> -> memref<8000xi32, #tpu.memory_space<hbm>>
    tpu.wait_dma2 semaphore(%arg13 : memref<!tpu.dma_semaphore, #tpu.memory_space<semaphore_mem>>) src(%dma_wait3A_709 : memref<8000xi32, #tpu.memory_space<hbm>>) dst(%dma_wait3A_708 : memref<8000xi32, #tpu.memory_space<vmem>>)
    %dma_start3A_710 = arith.constant 0 : i32
    %dma_start3A_711 = tpu.memref_slice %arg9[%dma_start3A_710] : memref<8000xf32, #tpu.memory_space<vmem>> -> memref<8000xf32, #tpu.memory_space<vmem>>
    %dma_start3A_712 = arith.constant 0 : i32
    %dma_start3A_713 = tpu.memref_slice %arg6[%dma_start3A_712] : memref<8000xi32, #tpu.memory_space<vmem>> -> memref<8000xi32, #tpu.memory_space<vmem>>
    %dma_start3A_714 = arith.constant 0 : i32
    %dma_start3A_715 = tpu.memref_slice %arg3[%dma_start3A_714] : memref<10000000xf32, #tpu.memory_space<hbm>> -> memref<10000000xf32, #tpu.memory_space<hbm>>
    tpu.enqueue_indirect_dma source(%dma_start3A_715 : memref<10000000xf32, #tpu.memory_space<hbm>>) target(%dma_start3A_711 : memref<8000xf32, #tpu.memory_space<vmem>>) offsets(%dma_start3A_713 : memref<8000xi32, #tpu.memory_space<vmem>>) semaphore(%arg16 : memref<!tpu.dma_semaphore, #tpu.memory_space<semaphore_mem>>)
    %dma_wait3A_716 = arith.constant 0 : i32
    %dma_wait3A_717 = tpu.memref_slice %arg10[%dma_wait3A_716] : memref<8000xf32, #tpu.memory_space<vmem>> -> memref<8000xf32, #tpu.memory_space<vmem>>
    %dma_wait3A_718 = arith.constant 0 : i32
    %dma_wait3A_719 = tpu.memref_slice %arg7[%dma_wait3A_718] : memref<8000xi32, #tpu.memory_space<vmem>> -> memref<8000xi32, #tpu.memory_space<vmem>>
    %dma_wait3A_720 = arith.constant 0 : i32
    %dma_wait3A_721 = tpu.memref_slice %arg3[%dma_wait3A_720] : memref<10000000xf32, #tpu.memory_space<hbm>> -> memref<10000000xf32, #tpu.memory_space<hbm>>
    tpu.wait_indirect_dma semaphore(%arg17 : memref<!tpu.dma_semaphore, #tpu.memory_space<semaphore_mem>>) src(%dma_wait3A_721 : memref<10000000xf32, #tpu.memory_space<hbm>>) dst(%dma_wait3A_717 : memref<8000xf32, #tpu.memory_space<vmem>>)
    %mul3A_722 = arith.constant 4240 : i32
    %mul3A_723 = arith.muli %add3A, %mul3A_722 : i32
    %add3A_724 = arith.constant 4864000 : i32
    %add3A_725 = arith.addi %add3A_724, %mul3A_723 : i32
    %dma_start3A_726 = arith.constant 0 : i32
    %dma_start3A_727 = tpu.memref_slice %arg7[%dma_start3A_726] : memref<8000xi32, #tpu.memory_space<vmem>> -> memref<4240xi32, #tpu.memory_space<vmem>>
    %dma_start3A_728 = tpu.memref_slice %arg2[%add3A_725] : memref<5000000xi32, #tpu.memory_space<hbm>> -> memref<4240xi32, #tpu.memory_space<hbm>>
    %dma_start3A_729 = arith.constant 0 : i32
    %dma_start3A_730 = tpu.memref_slice %arg7[%dma_start3A_729] : memref<8000xi32, #tpu.memory_space<vmem>> -> memref<4240xi32, #tpu.memory_space<vmem>>
    %dma_start3A_731 = tpu.memref_slice %arg2[%add3A_725] : memref<5000000xi32, #tpu.memory_space<hbm>> -> memref<4240xi32, #tpu.memory_space<hbm>>
    tpu.enqueue_dma source(%dma_start3A_731 : memref<4240xi32, #tpu.memory_space<hbm>>) target(%dma_start3A_730 : memref<4240xi32, #tpu.memory_space<vmem>>) target_semaphore(%arg14 : memref<!tpu.dma_semaphore, #tpu.memory_space<semaphore_mem>>)
    %broadcast_in_dim3A_732 = arith.constant 0.000000e+00 : f32
    %broadcast_in_dim3A_733 = vector.broadcast %broadcast_in_dim3A_732 : f32 to vector<16xf32>
    %scan3A_734 = arith.constant 0 : i32
    %scan3A_735 = arith.constant 125 : i32
    %scan3A_736 = arith.addi %scan3A_734, %scan3A_735 : i32
    %scan3A_737 = arith.constant 1 : i32
    %scan3A_738:4 = scf.for %scan3A_874 = %scan3A_734 to %scan3A_736 step %scan3A_737 iter_args(%scan3A_875 = %broadcast_in_dim3A_733, %scan3A_876 = %broadcast_in_dim3A_733, %scan3A_877 = %broadcast_in_dim3A_733, %scan3A_878 = %broadcast_in_dim3A_733) -> (vector<16xf32>, vector<16xf32>, vector<16xf32>, vector<16xf32>)  : i32 {
      %mul3A_879 = arith.constant 64 : i32
      %mul3A_880 = arith.muli %scan3A_874, %mul3A_879 : i32
      %add3A_881 = arith.constant 0 : i32
      %add3A_882 = arith.addi %mul3A_880, %add3A_881 : i32
      %get3A_883 = arith.index_cast %add3A_882 : i32 to index
      %get3A_884 = tpu.vector_load %arg10[%get3A_883] {strides = array<i32>} : memref<8000xf32, #tpu.memory_space<vmem>>, vector<16xf32>,
      %get3A_885 = vector.shape_cast %get3A_884 : vector<16xf32> to vector<16xf32>
      %sub3A_886 = arith.subf %get3A_885, %broadcast_in_dim3A : vector<16xf32>
      %mul3A_887 = arith.mulf %sub3A_886, %sub3A_886 : vector<16xf32>
      %add3A_888 = arith.addf %scan3A_875, %mul3A_887 : vector<16xf32>
      %add3A_889 = arith.constant 16 : i32
      %add3A_890 = arith.addi %mul3A_880, %add3A_889 : i32
      %get3A_891 = arith.index_cast %add3A_890 : i32 to index
      %get3A_892 = tpu.vector_load %arg10[%get3A_891] {strides = array<i32>} : memref<8000xf32, #tpu.memory_space<vmem>>, vector<16xf32>,
      %get3A_893 = vector.shape_cast %get3A_892 : vector<16xf32> to vector<16xf32>
      %sub3A_894 = arith.subf %get3A_893, %broadcast_in_dim3A : vector<16xf32>
      %mul3A_895 = arith.mulf %sub3A_894, %sub3A_894 : vector<16xf32>
      %add3A_896 = arith.addf %scan3A_876, %mul3A_895 : vector<16xf32>
      %add3A_897 = arith.constant 32 : i32
      %add3A_898 = arith.addi %mul3A_880, %add3A_897 : i32
      %get3A_899 = arith.index_cast %add3A_898 : i32 to index
      %get3A_900 = tpu.vector_load %arg10[%get3A_899] {strides = array<i32>} : memref<8000xf32, #tpu.memory_space<vmem>>, vector<16xf32>,
      %get3A_901 = vector.shape_cast %get3A_900 : vector<16xf32> to vector<16xf32>
      %sub3A_902 = arith.subf %get3A_901, %broadcast_in_dim3A : vector<16xf32>
      %mul3A_903 = arith.mulf %sub3A_902, %sub3A_902 : vector<16xf32>
      %add3A_904 = arith.addf %scan3A_877, %mul3A_903 : vector<16xf32>
      %add3A_905 = arith.constant 48 : i32
      %add3A_906 = arith.addi %mul3A_880, %add3A_905 : i32
      %get3A_907 = arith.index_cast %add3A_906 : i32 to index
      %get3A_908 = tpu.vector_load %arg10[%get3A_907] {strides = array<i32>} : memref<8000xf32, #tpu.memory_space<vmem>>, vector<16xf32>,
      %get3A_909 = vector.shape_cast %get3A_908 : vector<16xf32> to vector<16xf32>
      %sub3A_910 = arith.subf %get3A_909, %broadcast_in_dim3A : vector<16xf32>
      %mul3A_911 = arith.mulf %sub3A_910, %sub3A_910 : vector<16xf32>
      %add3A_912 = arith.addf %scan3A_878, %mul3A_911 : vector<16xf32>
      scf.yield %add3A_888, %add3A_896, %add3A_904, %add3A_912 : vector<16xf32>, vector<16xf32>, vector<16xf32>, vector<16xf32>
    }
    %scan3A_739 = arith.constant 125 : i32
    %add3A_740 = arith.addf %scan3A_738#0, %scan3A_738#1 : vector<16xf32>
    %add3A_741 = arith.addf %scan3A_738#2, %scan3A_738#3 : vector<16xf32>
    %add3A_742 = arith.addf %add3A_740, %add3A_741 : vector<16xf32>
    %add3A_743 = arith.addf %add3A_703, %add3A_742 : vector<16xf32>
    %dma_wait3A_744 = arith.constant 0 : i32
    %dma_wait3A_745 = tpu.memref_slice %arg7[%dma_wait3A_744] : memref<8000xi32, #tpu.memory_space<vmem>> -> memref<4240xi32, #tpu.memory_space<vmem>>
    %dma_wait3A_746 = tpu.memref_slice %arg2[%add3A_725] : memref<5000000xi32, #tpu.memory_space<hbm>> -> memref<4240xi32, #tpu.memory_space<hbm>>
    %dma_wait3A_747 = arith.constant 0 : i32
    %dma_wait3A_748 = tpu.memref_slice %arg7[%dma_wait3A_747] : memref<8000xi32, #tpu.memory_space<vmem>> -> memref<4240xi32, #tpu.memory_space<vmem>>
    %dma_wait3A_749 = tpu.memref_slice %arg2[%add3A_725] : memref<5000000xi32, #tpu.memory_space<hbm>> -> memref<4240xi32, #tpu.memory_space<hbm>>
    tpu.wait_dma2 semaphore(%arg14 : memref<!tpu.dma_semaphore, #tpu.memory_space<semaphore_mem>>) src(%dma_wait3A_749 : memref<4240xi32, #tpu.memory_space<hbm>>) dst(%dma_wait3A_748 : memref<4240xi32, #tpu.memory_space<vmem>>)
    %dma_start3A_750 = arith.constant 0 : i32
    %dma_start3A_751 = tpu.memref_slice %arg10[%dma_start3A_750] : memref<8000xf32, #tpu.memory_space<vmem>> -> memref<4240xf32, #tpu.memory_space<vmem>>
    %dma_start3A_752 = arith.constant 0 : i32
    %dma_start3A_753 = tpu.memref_slice %arg7[%dma_start3A_752] : memref<8000xi32, #tpu.memory_space<vmem>> -> memref<4240xi32, #tpu.memory_space<vmem>>
    %dma_start3A_754 = arith.constant 0 : i32
    %dma_start3A_755 = tpu.memref_slice %arg3[%dma_start3A_754] : memref<10000000xf32, #tpu.memory_space<hbm>> -> memref<10000000xf32, #tpu.memory_space<hbm>>
    tpu.enqueue_indirect_dma source(%dma_start3A_755 : memref<10000000xf32, #tpu.memory_space<hbm>>) target(%dma_start3A_751 : memref<4240xf32, #tpu.memory_space<vmem>>) offsets(%dma_start3A_753 : memref<4240xi32, #tpu.memory_space<vmem>>) semaphore(%arg17 : memref<!tpu.dma_semaphore, #tpu.memory_space<semaphore_mem>>)
    %dma_wait3A_756 = arith.constant 0 : i32
    %dma_wait3A_757 = tpu.memref_slice %arg11[%dma_wait3A_756] : memref<8000xf32, #tpu.memory_space<vmem>> -> memref<8000xf32, #tpu.memory_space<vmem>>
    %dma_wait3A_758 = arith.constant 0 : i32
    %dma_wait3A_759 = tpu.memref_slice %arg8[%dma_wait3A_758] : memref<8000xi32, #tpu.memory_space<vmem>> -> memref<8000xi32, #tpu.memory_space<vmem>>
    %dma_wait3A_760 = arith.constant 0 : i32
    %dma_wait3A_761 = tpu.memref_slice %arg3[%dma_wait3A_760] : memref<10000000xf32, #tpu.memory_space<hbm>> -> memref<10000000xf32, #tpu.memory_space<hbm>>
    tpu.wait_indirect_dma semaphore(%arg18 : memref<!tpu.dma_semaphore, #tpu.memory_space<semaphore_mem>>) src(%dma_wait3A_761 : memref<10000000xf32, #tpu.memory_space<hbm>>) dst(%dma_wait3A_757 : memref<8000xf32, #tpu.memory_space<vmem>>)
    %min3A = arith.constant 1 : i32
    %min3A_762 = arith.minsi %add3A, %min3A : i32
    %mul3A_763 = arith.constant 160 : i32
    %mul3A_764 = arith.muli %min3A_762, %mul3A_763 : i32
    %add3A_765 = arith.constant 4999680 : i32
    %add3A_766 = arith.addi %add3A_765, %mul3A_764 : i32
    %dma_start3A_767 = arith.constant 0 : i32
    %dma_start3A_768 = tpu.memref_slice %arg8[%dma_start3A_767] : memref<8000xi32, #tpu.memory_space<vmem>> -> memref<160xi32, #tpu.memory_space<vmem>>
    %dma_start3A_769 = tpu.memref_slice %arg2[%add3A_766] : memref<5000000xi32, #tpu.memory_space<hbm>> -> memref<160xi32, #tpu.memory_space<hbm>>
    %dma_start3A_770 = arith.constant 0 : i32
    %dma_start3A_771 = tpu.memref_slice %arg8[%dma_start3A_770] : memref<8000xi32, #tpu.memory_space<vmem>> -> memref<160xi32, #tpu.memory_space<vmem>>
    %dma_start3A_772 = tpu.memref_slice %arg2[%add3A_766] : memref<5000000xi32, #tpu.memory_space<hbm>> -> memref<160xi32, #tpu.memory_space<hbm>>
    tpu.enqueue_dma source(%dma_start3A_772 : memref<160xi32, #tpu.memory_space<hbm>>) target(%dma_start3A_771 : memref<160xi32, #tpu.memory_space<vmem>>) target_semaphore(%arg15 : memref<!tpu.dma_semaphore, #tpu.memory_space<semaphore_mem>>)
    %broadcast_in_dim3A_773 = arith.constant 0.000000e+00 : f32
    %broadcast_in_dim3A_774 = vector.broadcast %broadcast_in_dim3A_773 : f32 to vector<16xf32>
    %scan3A_775 = arith.constant 0 : i32
    %scan3A_776 = arith.constant 125 : i32
    %scan3A_777 = arith.addi %scan3A_775, %scan3A_776 : i32
    %scan3A_778 = arith.constant 1 : i32
    %scan3A_779:4 = scf.for %scan3A_874 = %scan3A_775 to %scan3A_777 step %scan3A_778 iter_args(%scan3A_875 = %broadcast_in_dim3A_774, %scan3A_876 = %broadcast_in_dim3A_774, %scan3A_877 = %broadcast_in_dim3A_774, %scan3A_878 = %broadcast_in_dim3A_774) -> (vector<16xf32>, vector<16xf32>, vector<16xf32>, vector<16xf32>)  : i32 {
      %mul3A_879 = arith.constant 64 : i32
      %mul3A_880 = arith.muli %scan3A_874, %mul3A_879 : i32
      %add3A_881 = arith.constant 0 : i32
      %add3A_882 = arith.addi %mul3A_880, %add3A_881 : i32
      %get3A_883 = arith.index_cast %add3A_882 : i32 to index
      %get3A_884 = tpu.vector_load %arg11[%get3A_883] {strides = array<i32>} : memref<8000xf32, #tpu.memory_space<vmem>>, vector<16xf32>,
      %get3A_885 = vector.shape_cast %get3A_884 : vector<16xf32> to vector<16xf32>
      %sub3A_886 = arith.subf %get3A_885, %broadcast_in_dim3A : vector<16xf32>
      %mul3A_887 = arith.mulf %sub3A_886, %sub3A_886 : vector<16xf32>
      %add3A_888 = arith.addf %scan3A_875, %mul3A_887 : vector<16xf32>
      %add3A_889 = arith.constant 16 : i32
      %add3A_890 = arith.addi %mul3A_880, %add3A_889 : i32
      %get3A_891 = arith.index_cast %add3A_890 : i32 to index
      %get3A_892 = tpu.vector_load %arg11[%get3A_891] {strides = array<i32>} : memref<8000xf32, #tpu.memory_space<vmem>>, vector<16xf32>,
      %get3A_893 = vector.shape_cast %get3A_892 : vector<16xf32> to vector<16xf32>
      %sub3A_894 = arith.subf %get3A_893, %broadcast_in_dim3A : vector<16xf32>
      %mul3A_895 = arith.mulf %sub3A_894, %sub3A_894 : vector<16xf32>
      %add3A_896 = arith.addf %scan3A_876, %mul3A_895 : vector<16xf32>
      %add3A_897 = arith.constant 32 : i32
      %add3A_898 = arith.addi %mul3A_880, %add3A_897 : i32
      %get3A_899 = arith.index_cast %add3A_898 : i32 to index
      %get3A_900 = tpu.vector_load %arg11[%get3A_899] {strides = array<i32>} : memref<8000xf32, #tpu.memory_space<vmem>>, vector<16xf32>,
      %get3A_901 = vector.shape_cast %get3A_900 : vector<16xf32> to vector<16xf32>
      %sub3A_902 = arith.subf %get3A_901, %broadcast_in_dim3A : vector<16xf32>
      %mul3A_903 = arith.mulf %sub3A_902, %sub3A_902 : vector<16xf32>
      %add3A_904 = arith.addf %scan3A_877, %mul3A_903 : vector<16xf32>
      %add3A_905 = arith.constant 48 : i32
      %add3A_906 = arith.addi %mul3A_880, %add3A_905 : i32
      %get3A_907 = arith.index_cast %add3A_906 : i32 to index
      %get3A_908 = tpu.vector_load %arg11[%get3A_907] {strides = array<i32>} : memref<8000xf32, #tpu.memory_space<vmem>>, vector<16xf32>,
      %get3A_909 = vector.shape_cast %get3A_908 : vector<16xf32> to vector<16xf32>
      %sub3A_910 = arith.subf %get3A_909, %broadcast_in_dim3A : vector<16xf32>
      %mul3A_911 = arith.mulf %sub3A_910, %sub3A_910 : vector<16xf32>
      %add3A_912 = arith.addf %scan3A_878, %mul3A_911 : vector<16xf32>
      scf.yield %add3A_888, %add3A_896, %add3A_904, %add3A_912 : vector<16xf32>, vector<16xf32>, vector<16xf32>, vector<16xf32>
    }
    %scan3A_780 = arith.constant 125 : i32
    %add3A_781 = arith.addf %scan3A_779#0, %scan3A_779#1 : vector<16xf32>
    %add3A_782 = arith.addf %scan3A_779#2, %scan3A_779#3 : vector<16xf32>
    %add3A_783 = arith.addf %add3A_781, %add3A_782 : vector<16xf32>
    %add3A_784 = arith.addf %add3A_743, %add3A_783 : vector<16xf32>
    %dma_wait3A_785 = arith.constant 0 : i32
    %dma_wait3A_786 = tpu.memref_slice %arg8[%dma_wait3A_785] : memref<8000xi32, #tpu.memory_space<vmem>> -> memref<160xi32, #tpu.memory_space<vmem>>
    %dma_wait3A_787 = tpu.memref_slice %arg2[%add3A_766] : memref<5000000xi32, #tpu.memory_space<hbm>> -> memref<160xi32, #tpu.memory_space<hbm>>
    %dma_wait3A_788 = arith.constant 0 : i32
    %dma_wait3A_789 = tpu.memref_slice %arg8[%dma_wait3A_788] : memref<8000xi32, #tpu.memory_space<vmem>> -> memref<160xi32, #tpu.memory_space<vmem>>
    %dma_wait3A_790 = tpu.memref_slice %arg2[%add3A_766] : memref<5000000xi32, #tpu.memory_space<hbm>> -> memref<160xi32, #tpu.memory_space<hbm>>
    tpu.wait_dma2 semaphore(%arg15 : memref<!tpu.dma_semaphore, #tpu.memory_space<semaphore_mem>>) src(%dma_wait3A_790 : memref<160xi32, #tpu.memory_space<hbm>>) dst(%dma_wait3A_789 : memref<160xi32, #tpu.memory_space<vmem>>)
    %dma_start3A_791 = arith.constant 0 : i32
    %dma_start3A_792 = tpu.memref_slice %arg11[%dma_start3A_791] : memref<8000xf32, #tpu.memory_space<vmem>> -> memref<160xf32, #tpu.memory_space<vmem>>
    %dma_start3A_793 = arith.constant 0 : i32
    %dma_start3A_794 = tpu.memref_slice %arg8[%dma_start3A_793] : memref<8000xi32, #tpu.memory_space<vmem>> -> memref<160xi32, #tpu.memory_space<vmem>>
    %dma_start3A_795 = arith.constant 0 : i32
    %dma_start3A_796 = tpu.memref_slice %arg3[%dma_start3A_795] : memref<10000000xf32, #tpu.memory_space<hbm>> -> memref<10000000xf32, #tpu.memory_space<hbm>>
    tpu.enqueue_indirect_dma source(%dma_start3A_796 : memref<10000000xf32, #tpu.memory_space<hbm>>) target(%dma_start3A_792 : memref<160xf32, #tpu.memory_space<vmem>>) offsets(%dma_start3A_794 : memref<160xi32, #tpu.memory_space<vmem>>) semaphore(%arg18 : memref<!tpu.dma_semaphore, #tpu.memory_space<semaphore_mem>>)
    %dma_wait3A_797 = arith.constant 0 : i32
    %dma_wait3A_798 = tpu.memref_slice %arg9[%dma_wait3A_797] : memref<8000xf32, #tpu.memory_space<vmem>> -> memref<8000xf32, #tpu.memory_space<vmem>>
    %dma_wait3A_799 = arith.constant 0 : i32
    %dma_wait3A_800 = tpu.memref_slice %arg6[%dma_wait3A_799] : memref<8000xi32, #tpu.memory_space<vmem>> -> memref<8000xi32, #tpu.memory_space<vmem>>
    %dma_wait3A_801 = arith.constant 0 : i32
    %dma_wait3A_802 = tpu.memref_slice %arg3[%dma_wait3A_801] : memref<10000000xf32, #tpu.memory_space<hbm>> -> memref<10000000xf32, #tpu.memory_space<hbm>>
    tpu.wait_indirect_dma semaphore(%arg16 : memref<!tpu.dma_semaphore, #tpu.memory_space<semaphore_mem>>) src(%dma_wait3A_802 : memref<10000000xf32, #tpu.memory_space<hbm>>) dst(%dma_wait3A_798 : memref<8000xf32, #tpu.memory_space<vmem>>)
    %broadcast_in_dim3A_803 = arith.constant 0.000000e+00 : f32
    %broadcast_in_dim3A_804 = vector.broadcast %broadcast_in_dim3A_803 : f32 to vector<16xf32>
    %scan3A_805 = arith.constant 0 : i32
    %scan3A_806 = arith.constant 125 : i32
    %scan3A_807 = arith.addi %scan3A_805, %scan3A_806 : i32
    %scan3A_808 = arith.constant 1 : i32
    %scan3A_809:4 = scf.for %scan3A_874 = %scan3A_805 to %scan3A_807 step %scan3A_808 iter_args(%scan3A_875 = %broadcast_in_dim3A_804, %scan3A_876 = %broadcast_in_dim3A_804, %scan3A_877 = %broadcast_in_dim3A_804, %scan3A_878 = %broadcast_in_dim3A_804) -> (vector<16xf32>, vector<16xf32>, vector<16xf32>, vector<16xf32>)  : i32 {
      %mul3A_879 = arith.constant 64 : i32
      %mul3A_880 = arith.muli %scan3A_874, %mul3A_879 : i32
      %add3A_881 = arith.constant 0 : i32
      %add3A_882 = arith.addi %mul3A_880, %add3A_881 : i32
      %get3A_883 = arith.index_cast %add3A_882 : i32 to index
      %get3A_884 = tpu.vector_load %arg9[%get3A_883] {strides = array<i32>} : memref<8000xf32, #tpu.memory_space<vmem>>, vector<16xf32>,
      %get3A_885 = vector.shape_cast %get3A_884 : vector<16xf32> to vector<16xf32>
      %sub3A_886 = arith.subf %get3A_885, %broadcast_in_dim3A : vector<16xf32>
      %mul3A_887 = arith.mulf %sub3A_886, %sub3A_886 : vector<16xf32>
      %add3A_888 = arith.addf %scan3A_875, %mul3A_887 : vector<16xf32>
      %add3A_889 = arith.constant 16 : i32
      %add3A_890 = arith.addi %mul3A_880, %add3A_889 : i32
      %get3A_891 = arith.index_cast %add3A_890 : i32 to index
      %get3A_892 = tpu.vector_load %arg9[%get3A_891] {strides = array<i32>} : memref<8000xf32, #tpu.memory_space<vmem>>, vector<16xf32>,
      %get3A_893 = vector.shape_cast %get3A_892 : vector<16xf32> to vector<16xf32>
      %sub3A_894 = arith.subf %get3A_893, %broadcast_in_dim3A : vector<16xf32>
      %mul3A_895 = arith.mulf %sub3A_894, %sub3A_894 : vector<16xf32>
      %add3A_896 = arith.addf %scan3A_876, %mul3A_895 : vector<16xf32>
      %add3A_897 = arith.constant 32 : i32
      %add3A_898 = arith.addi %mul3A_880, %add3A_897 : i32
      %get3A_899 = arith.index_cast %add3A_898 : i32 to index
      %get3A_900 = tpu.vector_load %arg9[%get3A_899] {strides = array<i32>} : memref<8000xf32, #tpu.memory_space<vmem>>, vector<16xf32>,
      %get3A_901 = vector.shape_cast %get3A_900 : vector<16xf32> to vector<16xf32>
      %sub3A_902 = arith.subf %get3A_901, %broadcast_in_dim3A : vector<16xf32>
      %mul3A_903 = arith.mulf %sub3A_902, %sub3A_902 : vector<16xf32>
      %add3A_904 = arith.addf %scan3A_877, %mul3A_903 : vector<16xf32>
      %add3A_905 = arith.constant 48 : i32
      %add3A_906 = arith.addi %mul3A_880, %add3A_905 : i32
      %get3A_907 = arith.index_cast %add3A_906 : i32 to index
      %get3A_908 = tpu.vector_load %arg9[%get3A_907] {strides = array<i32>} : memref<8000xf32, #tpu.memory_space<vmem>>, vector<16xf32>,
      %get3A_909 = vector.shape_cast %get3A_908 : vector<16xf32> to vector<16xf32>
      %sub3A_910 = arith.subf %get3A_909, %broadcast_in_dim3A : vector<16xf32>
      %mul3A_911 = arith.mulf %sub3A_910, %sub3A_910 : vector<16xf32>
      %add3A_912 = arith.addf %scan3A_878, %mul3A_911 : vector<16xf32>
      scf.yield %add3A_888, %add3A_896, %add3A_904, %add3A_912 : vector<16xf32>, vector<16xf32>, vector<16xf32>, vector<16xf32>
    }
    %scan3A_810 = arith.constant 125 : i32
    %add3A_811 = arith.addf %scan3A_809#0, %scan3A_809#1 : vector<16xf32>
    %add3A_812 = arith.addf %scan3A_809#2, %scan3A_809#3 : vector<16xf32>
    %add3A_813 = arith.addf %add3A_811, %add3A_812 : vector<16xf32>
    %add3A_814 = arith.addf %add3A_784, %add3A_813 : vector<16xf32>
    %dma_wait3A_815 = arith.constant 0 : i32
    %dma_wait3A_816 = tpu.memref_slice %arg10[%dma_wait3A_815] : memref<8000xf32, #tpu.memory_space<vmem>> -> memref<4240xf32, #tpu.memory_space<vmem>>
    %dma_wait3A_817 = arith.constant 0 : i32
    %dma_wait3A_818 = tpu.memref_slice %arg7[%dma_wait3A_817] : memref<8000xi32, #tpu.memory_space<vmem>> -> memref<4240xi32, #tpu.memory_space<vmem>>
    %dma_wait3A_819 = arith.constant 0 : i32
    %dma_wait3A_820 = tpu.memref_slice %arg3[%dma_wait3A_819] : memref<10000000xf32, #tpu.memory_space<hbm>> -> memref<10000000xf32, #tpu.memory_space<hbm>>
    tpu.wait_indirect_dma semaphore(%arg17 : memref<!tpu.dma_semaphore, #tpu.memory_space<semaphore_mem>>) src(%dma_wait3A_820 : memref<10000000xf32, #tpu.memory_space<hbm>>) dst(%dma_wait3A_816 : memref<4240xf32, #tpu.memory_space<vmem>>)
    %broadcast_in_dim3A_821 = arith.constant 0.000000e+00 : f32
    %broadcast_in_dim3A_822 = vector.broadcast %broadcast_in_dim3A_821 : f32 to vector<16xf32>
    %scan3A_823 = arith.constant 0 : i32
    %scan3A_824 = arith.constant 66 : i32
    %scan3A_825 = arith.addi %scan3A_823, %scan3A_824 : i32
    %scan3A_826 = arith.constant 1 : i32
    %scan3A_827:4 = scf.for %scan3A_874 = %scan3A_823 to %scan3A_825 step %scan3A_826 iter_args(%scan3A_875 = %broadcast_in_dim3A_822, %scan3A_876 = %broadcast_in_dim3A_822, %scan3A_877 = %broadcast_in_dim3A_822, %scan3A_878 = %broadcast_in_dim3A_822) -> (vector<16xf32>, vector<16xf32>, vector<16xf32>, vector<16xf32>)  : i32 {
      %mul3A_879 = arith.constant 64 : i32
      %mul3A_880 = arith.muli %scan3A_874, %mul3A_879 : i32
      %add3A_881 = arith.constant 0 : i32
      %add3A_882 = arith.addi %mul3A_880, %add3A_881 : i32
      %get3A_883 = arith.index_cast %add3A_882 : i32 to index
      %get3A_884 = tpu.vector_load %arg10[%get3A_883] {strides = array<i32>} : memref<8000xf32, #tpu.memory_space<vmem>>, vector<16xf32>,
      %get3A_885 = vector.shape_cast %get3A_884 : vector<16xf32> to vector<16xf32>
      %sub3A_886 = arith.subf %get3A_885, %broadcast_in_dim3A : vector<16xf32>
      %mul3A_887 = arith.mulf %sub3A_886, %sub3A_886 : vector<16xf32>
      %add3A_888 = arith.addf %scan3A_875, %mul3A_887 : vector<16xf32>
      %add3A_889 = arith.constant 16 : i32
      %add3A_890 = arith.addi %mul3A_880, %add3A_889 : i32
      %get3A_891 = arith.index_cast %add3A_890 : i32 to index
      %get3A_892 = tpu.vector_load %arg10[%get3A_891] {strides = array<i32>} : memref<8000xf32, #tpu.memory_space<vmem>>, vector<16xf32>,
      %get3A_893 = vector.shape_cast %get3A_892 : vector<16xf32> to vector<16xf32>
      %sub3A_894 = arith.subf %get3A_893, %broadcast_in_dim3A : vector<16xf32>
      %mul3A_895 = arith.mulf %sub3A_894, %sub3A_894 : vector<16xf32>
      %add3A_896 = arith.addf %scan3A_876, %mul3A_895 : vector<16xf32>
      %add3A_897 = arith.constant 32 : i32
      %add3A_898 = arith.addi %mul3A_880, %add3A_897 : i32
      %get3A_899 = arith.index_cast %add3A_898 : i32 to index
      %get3A_900 = tpu.vector_load %arg10[%get3A_899] {strides = array<i32>} : memref<8000xf32, #tpu.memory_space<vmem>>, vector<16xf32>,
      %get3A_901 = vector.shape_cast %get3A_900 : vector<16xf32> to vector<16xf32>
      %sub3A_902 = arith.subf %get3A_901, %broadcast_in_dim3A : vector<16xf32>
      %mul3A_903 = arith.mulf %sub3A_902, %sub3A_902 : vector<16xf32>
      %add3A_904 = arith.addf %scan3A_877, %mul3A_903 : vector<16xf32>
      %add3A_905 = arith.constant 48 : i32
      %add3A_906 = arith.addi %mul3A_880, %add3A_905 : i32
      %get3A_907 = arith.index_cast %add3A_906 : i32 to index
      %get3A_908 = tpu.vector_load %arg10[%get3A_907] {strides = array<i32>} : memref<8000xf32, #tpu.memory_space<vmem>>, vector<16xf32>,
      %get3A_909 = vector.shape_cast %get3A_908 : vector<16xf32> to vector<16xf32>
      %sub3A_910 = arith.subf %get3A_909, %broadcast_in_dim3A : vector<16xf32>
      %mul3A_911 = arith.mulf %sub3A_910, %sub3A_910 : vector<16xf32>
      %add3A_912 = arith.addf %scan3A_878, %mul3A_911 : vector<16xf32>
      scf.yield %add3A_888, %add3A_896, %add3A_904, %add3A_912 : vector<16xf32>, vector<16xf32>, vector<16xf32>, vector<16xf32>
    }
    %scan3A_828 = arith.constant 66 : i32
    %add3A_829 = arith.addf %scan3A_827#0, %scan3A_827#1 : vector<16xf32>
    %add3A_830 = arith.addf %scan3A_827#2, %scan3A_827#3 : vector<16xf32>
    %add3A_831 = arith.addf %add3A_829, %add3A_830 : vector<16xf32>
    %get3A_832 = arith.constant 4224 : index
    %get3A_833 = tpu.vector_load %arg10[%get3A_832] {strides = array<i32>} : memref<8000xf32, #tpu.memory_space<vmem>>, vector<16xf32>,
    %get3A_834 = vector.shape_cast %get3A_833 : vector<16xf32> to vector<16xf32>
    %sub3A = arith.subf %get3A_834, %broadcast_in_dim3A : vector<16xf32>
    %mul3A_835 = arith.mulf %sub3A, %sub3A : vector<16xf32>
    %add3A_836 = arith.addf %add3A_831, %mul3A_835 : vector<16xf32>
    %add3A_837 = arith.addf %add3A_814, %add3A_836 : vector<16xf32>
    %dma_wait3A_838 = arith.constant 0 : i32
    %dma_wait3A_839 = tpu.memref_slice %arg11[%dma_wait3A_838] : memref<8000xf32, #tpu.memory_space<vmem>> -> memref<160xf32, #tpu.memory_space<vmem>>
    %dma_wait3A_840 = arith.constant 0 : i32
    %dma_wait3A_841 = tpu.memref_slice %arg8[%dma_wait3A_840] : memref<8000xi32, #tpu.memory_space<vmem>> -> memref<160xi32, #tpu.memory_space<vmem>>
    %dma_wait3A_842 = arith.constant 0 : i32
    %dma_wait3A_843 = tpu.memref_slice %arg3[%dma_wait3A_842] : memref<10000000xf32, #tpu.memory_space<hbm>> -> memref<10000000xf32, #tpu.memory_space<hbm>>
    tpu.wait_indirect_dma semaphore(%arg18 : memref<!tpu.dma_semaphore, #tpu.memory_space<semaphore_mem>>) src(%dma_wait3A_843 : memref<10000000xf32, #tpu.memory_space<hbm>>) dst(%dma_wait3A_839 : memref<160xf32, #tpu.memory_space<vmem>>)
    %broadcast_in_dim3A_844 = arith.constant 0.000000e+00 : f32
    %broadcast_in_dim3A_845 = vector.broadcast %broadcast_in_dim3A_844 : f32 to vector<16xf32>
    %scan3A_846 = arith.constant 0 : i32
    %scan3A_847 = arith.constant 2 : i32
    %scan3A_848 = arith.addi %scan3A_846, %scan3A_847 : i32
    %scan3A_849 = arith.constant 1 : i32
    %scan3A_850:4 = scf.for %scan3A_874 = %scan3A_846 to %scan3A_848 step %scan3A_849 iter_args(%scan3A_875 = %broadcast_in_dim3A_845, %scan3A_876 = %broadcast_in_dim3A_845, %scan3A_877 = %broadcast_in_dim3A_845, %scan3A_878 = %broadcast_in_dim3A_845) -> (vector<16xf32>, vector<16xf32>, vector<16xf32>, vector<16xf32>)  : i32 {
      %mul3A_879 = arith.constant 64 : i32
      %mul3A_880 = arith.muli %scan3A_874, %mul3A_879 : i32
      %add3A_881 = arith.constant 0 : i32
      %add3A_882 = arith.addi %mul3A_880, %add3A_881 : i32
      %get3A_883 = arith.index_cast %add3A_882 : i32 to index
      %get3A_884 = tpu.vector_load %arg11[%get3A_883] {strides = array<i32>} : memref<8000xf32, #tpu.memory_space<vmem>>, vector<16xf32>,
      %get3A_885 = vector.shape_cast %get3A_884 : vector<16xf32> to vector<16xf32>
      %sub3A_886 = arith.subf %get3A_885, %broadcast_in_dim3A : vector<16xf32>
      %mul3A_887 = arith.mulf %sub3A_886, %sub3A_886 : vector<16xf32>
      %add3A_888 = arith.addf %scan3A_875, %mul3A_887 : vector<16xf32>
      %add3A_889 = arith.constant 16 : i32
      %add3A_890 = arith.addi %mul3A_880, %add3A_889 : i32
      %get3A_891 = arith.index_cast %add3A_890 : i32 to index
      %get3A_892 = tpu.vector_load %arg11[%get3A_891] {strides = array<i32>} : memref<8000xf32, #tpu.memory_space<vmem>>, vector<16xf32>,
      %get3A_893 = vector.shape_cast %get3A_892 : vector<16xf32> to vector<16xf32>
      %sub3A_894 = arith.subf %get3A_893, %broadcast_in_dim3A : vector<16xf32>
      %mul3A_895 = arith.mulf %sub3A_894, %sub3A_894 : vector<16xf32>
      %add3A_896 = arith.addf %scan3A_876, %mul3A_895 : vector<16xf32>
      %add3A_897 = arith.constant 32 : i32
      %add3A_898 = arith.addi %mul3A_880, %add3A_897 : i32
      %get3A_899 = arith.index_cast %add3A_898 : i32 to index
      %get3A_900 = tpu.vector_load %arg11[%get3A_899] {strides = array<i32>} : memref<8000xf32, #tpu.memory_space<vmem>>, vector<16xf32>,
      %get3A_901 = vector.shape_cast %get3A_900 : vector<16xf32> to vector<16xf32>
      %sub3A_902 = arith.subf %get3A_901, %broadcast_in_dim3A : vector<16xf32>
      %mul3A_903 = arith.mulf %sub3A_902, %sub3A_902 : vector<16xf32>
      %add3A_904 = arith.addf %scan3A_877, %mul3A_903 : vector<16xf32>
      %add3A_905 = arith.constant 48 : i32
      %add3A_906 = arith.addi %mul3A_880, %add3A_905 : i32
      %get3A_907 = arith.index_cast %add3A_906 : i32 to index
      %get3A_908 = tpu.vector_load %arg11[%get3A_907] {strides = array<i32>} : memref<8000xf32, #tpu.memory_space<vmem>>, vector<16xf32>,
      %get3A_909 = vector.shape_cast %get3A_908 : vector<16xf32> to vector<16xf32>
      %sub3A_910 = arith.subf %get3A_909, %broadcast_in_dim3A : vector<16xf32>
      %mul3A_911 = arith.mulf %sub3A_910, %sub3A_910 : vector<16xf32>
      %add3A_912 = arith.addf %scan3A_878, %mul3A_911 : vector<16xf32>
      scf.yield %add3A_888, %add3A_896, %add3A_904, %add3A_912 : vector<16xf32>, vector<16xf32>, vector<16xf32>, vector<16xf32>
    }
    %scan3A_851 = arith.constant 2 : i32
    %add3A_852 = arith.addf %scan3A_850#0, %scan3A_850#1 : vector<16xf32>
    %add3A_853 = arith.addf %scan3A_850#2, %scan3A_850#3 : vector<16xf32>
    %add3A_854 = arith.addf %add3A_852, %add3A_853 : vector<16xf32>
    %get3A_855 = arith.constant 128 : index
    %get3A_856 = tpu.vector_load %arg11[%get3A_855] {strides = array<i32>} : memref<8000xf32, #tpu.memory_space<vmem>>, vector<16xf32>,
    %get3A_857 = vector.shape_cast %get3A_856 : vector<16xf32> to vector<16xf32>
    %sub3A_858 = arith.subf %get3A_857, %broadcast_in_dim3A : vector<16xf32>
    %mul3A_859 = arith.mulf %sub3A_858, %sub3A_858 : vector<16xf32>
    %add3A_860 = arith.addf %add3A_854, %mul3A_859 : vector<16xf32>
    %get3A_861 = arith.constant 144 : index
    %get3A_862 = tpu.vector_load %arg11[%get3A_861] {strides = array<i32>} : memref<8000xf32, #tpu.memory_space<vmem>>, vector<16xf32>,
    %get3A_863 = vector.shape_cast %get3A_862 : vector<16xf32> to vector<16xf32>
    %sub3A_864 = arith.subf %get3A_863, %broadcast_in_dim3A : vector<16xf32>
    %mul3A_865 = arith.mulf %sub3A_864, %sub3A_864 : vector<16xf32>
    %add3A_866 = arith.addf %add3A_860, %mul3A_865 : vector<16xf32>
    %lt3A = arith.constant 2 : i32
    %lt3A_867 = arith.cmpi slt, %add3A, %lt3A : i32
    %broadcast_in_dim3A_868 = arith.constant 0.000000e+00 : f32
    %broadcast_in_dim3A_869 = vector.broadcast %broadcast_in_dim3A_868 : f32 to vector<16xf32>
    %select_n3A = arith.select %lt3A_867, %add3A_866, %broadcast_in_dim3A_869 : vector<16xf32>
    %add3A_870 = arith.addf %add3A_837, %select_n3A : vector<16xf32>
    %swap3A = arith.constant 0 : index
    %swap3A_871 = tpu.vector_load %arg12[%swap3A] {strides = array<i32>} : memref<16xf32, #tpu.memory_space<vmem>>, vector<16xf32>,
    %swap3A_872 = vector.shape_cast %swap3A_871 : vector<16xf32> to vector<16xf32>
    %swap3A_873 = vector.shape_cast %add3A_870 : vector<16xf32> to vector<16xf32>
    tpu.vector_store %arg12[%swap3A], %swap3A_873 {strides = array<i32>} : memref<16xf32, #tpu.memory_space<vmem>>, vector<16xf32>,
    "tpu.region"() ({
      %run_scoped3A = tpu.sem_alloc : memref<!tpu.dma_semaphore, #tpu.memory_space<semaphore_mem>>
      %dma_start3A_874 = arith.constant 0 : i32
      %dma_start3A_875 = tpu.memref_slice %arg5[%add3A, %dma_start3A_874] : memref<32x16xf32, #tpu.memory_space<hbm>> -> memref<1x16xf32, #tpu.memory_space<hbm>>
      %dma_start3A_876 = tpu.memref_squeeze %dma_start3A_875 : memref<1x16xf32, #tpu.memory_space<hbm>> -> memref<16xf32, #tpu.memory_space<hbm>>
      %dma_start3A_877 = arith.constant 0 : i32
      %dma_start3A_878 = tpu.memref_slice %arg5[%add3A, %dma_start3A_877] : memref<32x16xf32, #tpu.memory_space<hbm>> -> memref<1x16xf32, #tpu.memory_space<hbm>>
      %dma_start3A_879 = tpu.memref_squeeze %dma_start3A_878 : memref<1x16xf32, #tpu.memory_space<hbm>> -> memref<16xf32, #tpu.memory_space<hbm>>
      tpu.enqueue_dma source(%arg12 : memref<16xf32, #tpu.memory_space<vmem>>) target(%dma_start3A_879 : memref<16xf32, #tpu.memory_space<hbm>>) target_semaphore(%run_scoped3A : memref<!tpu.dma_semaphore, #tpu.memory_space<semaphore_mem>>)
      %dma_wait3A_880 = arith.constant 0 : i32
      %dma_wait3A_881 = tpu.memref_slice %arg5[%add3A, %dma_wait3A_880] : memref<32x16xf32, #tpu.memory_space<hbm>> -> memref<1x16xf32, #tpu.memory_space<hbm>>
      %dma_wait3A_882 = tpu.memref_squeeze %dma_wait3A_881 : memref<1x16xf32, #tpu.memory_space<hbm>> -> memref<16xf32, #tpu.memory_space<hbm>>
      %dma_wait3A_883 = arith.constant 0 : i32
      %dma_wait3A_884 = tpu.memref_slice %arg5[%add3A, %dma_wait3A_883] : memref<32x16xf32, #tpu.memory_space<hbm>> -> memref<1x16xf32, #tpu.memory_space<hbm>>
      %dma_wait3A_885 = tpu.memref_squeeze %dma_wait3A_884 : memref<1x16xf32, #tpu.memory_space<hbm>> -> memref<16xf32, #tpu.memory_space<hbm>>
      tpu.wait_dma2 semaphore(%run_scoped3A : memref<!tpu.dma_semaphore, #tpu.memory_space<semaphore_mem>>) src(%arg12 : memref<16xf32, #tpu.memory_space<vmem>>) dst(%dma_wait3A_885 : memref<16xf32, #tpu.memory_space<hbm>>)
      tpu.yield
    }) : () -> ()
    return
  }
}

</mosaic_0001>

<sc_bundles>
// kernel: kernel.3.cloned.1.call-start
scs
__scs_entry_jumppad:
0x0: {  	(pc) =	sbr.rel $0x88, $3  }
0x1: {  	(tag) =	ssettag $0x0;
	lr =	simm.s32 $0x1  }
0x2: {  	[smem:$0x3F9E] =	sst lr;
	_ =	strace $0xD0000000  }
0x3: {  	_ = 	snop  }
0x4: {  	_ = 	snop  }
0x5: {  	_ = 	snop  }
0x6: {  	_ = 	snop  }
0x7: {  	_ = 	snop  }
__scs_overlays_trampoline_lowered:
0x8: {  	[smem:$0x3FAD] =	sst s0  }
0x9: {  	[smem:$0x3FAE] =	sst s1  }
0xa: {  	[smem:$0x3FAF] =	sst s2  }
0xb: {  	[smem:$0x3FB0] =	sst s3  }
0xc: {  	[smem:$0x3FB1] =	sst s4  }
0xd: {  	[smem:$0x3FB2] =	sst s5  }
0xe: {  	[smem:$0x3FB3] =	sst s6  }
0xf: {  	[smem:$0x3FB4] =	sst s7  }
0x10: {  	[smem:$0x3FB5] =	sst s8  }
0x11: {  	[smem:$0x3FB6] =	sst s9;
	s0 =	simm.s32 @!p0 $0x0  }
0x12: {  	s1 =	sld [smem:$0x3F9C];
	s0 =	simm.s32 @p0 $0x1  }
0x13: {  	[smem:$0x3FB7] =	sst s0;
	s0 =	simm.s32 @!p1 $0x0  }
0x14: {  	s2 =	sld [smem:$0x3F9B];
	s0 =	simm.s32 @p1 $0x1  }
0x15: {  	[smem:$0x3FB8] =	sst s0;
	s0 =	simm.s32 @!p2 $0x0  }
0x16: {  	s3 =	sld [smem:$0x3FDB];
	s0 =	simm.s32 @p2 $0x1  }
0x17: {  	s4 =	simm.s32 $0x1BF5;
	[smem:$0x3FBA] =	sst s0  }
0x18: {  	s0 =	sld [smem:$0x3F9D];
	_ =	swait.ge [sflag:s4], $0x0  }
0x19: {  	s7 =	sld [smem:$0x3F9E]  }
0x1a: {  	s8 =	sadd.s32 $0xFFFFE003, lr  }
0x1b: {  	s9 =	sadd.s32 $0xFFFFFEF7, lr;
	s5 =	simm.s32 $0xFFFFFFFF;
	p2 =	slt.u32 s8, $0xFFFFF086  }
0x1c: {  	p1 =	slt.u32 s9, $0xF7A;
	s5 =	simm.s32 @!p2 $0x0  }
0x1d: {  	s5 =	simm.s32 @p1 $0x1;
	p0 =	seq.s32 s7, s2  }
0x1e: {  	s7 =	smul.u32 @!p0 $0xF7A, s2;
	p2 =	seq.s32 @!p0 s5, $0x0  }
0x1f: {  	s9 =	smul.u32 $0xF7A, s1;
	s8 =	simm.s32 @!p0 $0x1BF5;
	p2 =	por !p2, p0  }
0x20: {  	[sflag:s8] =	ssyncset.s32 @!p0 $0xFFFFF086;
	s6 =	sadd.s32 @!p0 s3, s7;
	s7 =	simm.s32 @!p0 $0x108  }
0x21: {  	s3 =	sadd.s32 s3, s9;
	s6 =	sadd.s32 @!p0 $0x88, s6;
	s7 =	simm.s32 @p2 $0x1082  }
0x22: {  	[simem:s7], [sflag:s8] =	dma.local @!p0 [hbm:s6], $0xF7A  }
0x23: {  	s9 =	sor.u32 $0xD0000000, s2;
	s6 =	simm.s32 $0x108;
	_ =	swait.ge @!p0 [sflag:s8], $0x0  }
0x24: {  	s3 =	sadd.s32 $0x88, s3;
	s6 =	simm.s32 @!p1 $0x1082;
	[sflag:s4] =	ssyncset.s32 $0xFFFFF086  }
0x25: {  	[simem:s6], [sflag:s4] =	dma.local [hbm:s3], $0xF7A  }
0x26: {  	[smem:$0x3F9E] =	sst s1;
	(tag) =	ssettag s2;
	_ =	strace s9  }
0x27: {  	s1 =	sld [smem:$0x3FAE]  }
0x28: {  	s2 =	sld [smem:$0x3FAF]  }
0x29: {  	s4 =	sld [smem:$0x3FB1]  }
0x2a: {  	p0 =	seq.s32 s5, $0x0;
	s5 =	sld [smem:$0x3FB2]  }
0x2b: {  	s6 =	sld [smem:$0x3FB3]  }
0x2c: {  	s7 =	sld [smem:$0x3FB4]  }
0x2d: {  	s3 =	simm.s32 $0x108;
	s8 =	sld [smem:$0x3FB5]  }
0x2e: {  	s3 =	simm.s32 @!p0 $0x1082;
	s9 =	sld [smem:$0x3FB6]  }
0x2f: {  	lr =	sadd.s32 s0, s3;
	s0 =	sld [smem:$0x3FAD]  }
0x30: {  	s3 =	sld [smem:$0x3FB0]  }
0x31: {  	[smem:$0x3FB9] =	sst s10  }
0x32: {  	s10 =	sld [smem:$0x3FB7];
	_ =	sdelay $0x3  }
0x33: {  	p0 =	seq.s32 s10, $0x1;
	s10 =	sld [smem:$0x3FB9];
	_ =	sdelay $0x3  }
0x34: {  	[smem:$0x3FB9] =	sst s10  }
0x35: {  	s10 =	sld [smem:$0x3FB8];
	_ =	sdelay $0x3  }
0x36: {  	p1 =	seq.s32 s10, $0x1;
	s10 =	sld [smem:$0x3FB9];
	_ =	sdelay $0x3  }
0x37: {  	[smem:$0x3FB9] =	sst s10  }
0x38: {  	s10 =	sld [smem:$0x3FBA]  }
0x39: {  	_ = 	snop;
	(pc) =	sbr.ind lr, $3  }
0x3a: {  	_ = 	snop  }
0x3b: {  	_ = 	snop  }
0x3c: {  	p2 =	seq.s32 s10, $0x1;
	s10 =	sld [smem:$0x3FB9]  }
0x3d: {  	_ =	shalt  }
0x3e: {  	_ =	shalt  }
0x3f: {  	_ =	shalt  }
0x40: {  	_ =	shalt  }
0x41: {  	_ =	shalt  }
0x42: {  	_ =	shalt  }
0x43: {  	_ =	shalt  }
0x44: {  	_ =	shalt  }
0x45: {  	_ =	shalt  }
0x46: {  	_ =	shalt  }
0x47: {  	_ =	shalt  }
0x48: {  	_ =	shalt  }
0x49: {  	_ =	shalt  }
0x4a: {  	_ =	shalt  }
0x4b: {  	_ =	shalt  }
0x4c: {  	_ =	shalt  }
0x4d: {  	_ =	shalt  }
0x4e: {  	_ =	shalt  }
0x4f: {  	_ =	shalt  }
0x50: {  	_ =	shalt  }
0x51: {  	_ =	shalt  }
0x52: {  	_ =	shalt  }
0x53: {  	_ =	shalt  }
0x54: {  	_ =	shalt  }
0x55: {  	_ =	shalt  }
0x56: {  	_ =	shalt  }
0x57: {  	_ =	shalt  }
0x58: {  	_ =	shalt  }
0x59: {  	_ =	shalt  }
0x5a: {  	_ =	shalt  }
0x5b: {  	_ =	shalt  }
0x5c: {  	_ =	shalt  }
0x5d: {  	_ =	shalt  }
0x5e: {  	_ =	shalt  }
0x5f: {  	_ =	shalt  }
0x60: {  	_ =	shalt  }
0x61: {  	_ =	shalt  }
0x62: {  	_ =	shalt  }
0x63: {  	_ =	shalt  }
0x64: {  	_ =	shalt  }
0x65: {  	_ =	shalt  }
0x66: {  	_ =	shalt  }
0x67: {  	_ =	shalt  }
0x68: {  	_ =	shalt  }
0x69: {  	_ =	shalt  }
0x6a: {  	_ =	shalt  }
0x6b: {  	_ =	shalt  }
0x6c: {  	_ =	shalt  }
0x6d: {  	_ =	shalt  }
0x6e: {  	_ =	shalt  }
0x6f: {  	_ =	shalt  }
0x70: {  	_ =	shalt  }
0x71: {  	_ =	shalt  }
0x72: {  	_ =	shalt  }
0x73: {  	_ =	shalt  }
0x74: {  	_ =	shalt  }
0x75: {  	_ =	shalt  }
0x76: {  	_ =	shalt  }
0x77: {  	_ =	shalt  }
0x78: {  	_ =	shalt  }
0x79: {  	_ =	shalt  }
0x7a: {  	_ =	shalt  }
0x7b: {  	_ =	shalt  }
0x7c: {  	_ =	shalt  }
0x7d: {  	_ =	shalt  }
0x7e: {  	_ =	shalt  }
0x7f: {  	_ =	shalt  }
0x80: {  	_ =	shalt  }
0x81: {  	_ =	shalt  }
0x82: {  	_ =	shalt  }
0x83: {  	_ =	shalt  }
0x84: {  	_ =	shalt  }
0x85: {  	_ =	shalt  }
0x86: {  	_ =	shalt  }
0x87: {  	_ =	shalt  }
.Lfunc_end0:
.L_simem_size_0:
called_computation_lowered:
.L_overlay_start_0:
0x88: {  	s2 =	sld [smem:$0x3FD9]  }
0x89: {  	s3 =	sld [smem:$0x3FFE];
	_ =	sdelay $0x1  }
0x8a: {  	s1 =	srdreg.scid  }
0x8b: {  	s0 =	sand.u32 $0x1, s1  }
0x8c: {  	s17 =	sshll.u32 s0, $0xA;
	s2 =	sadd.s32 s3, s2  }
0x8d: {  	s2 =	sadd.s32 s2, s17  }
0x8e: {  	[smem:$0x3FC5] =	sst s2  }
0x8f: {  	_ = 	snop  }
0x90: {  	s2 =	sld [smem:$0x3FC9]  }
0x91: {  	s18 =	sld [smem:$0x3FC8]  }
0x92: {  	s4 =	sld [smem:$0x3FC7];
	(tm) =	ssettm $0x1  }
0x93: {  	s5 =	sld [smem:$0x3FFB];
	_ =	sdelay $0x3  }
0x94: {  	_ =	strace s5  }
0x95: {  	s5 =	sld [smem:$0x3FFC];
	_ =	sdelay $0x3  }
0x96: {  	_ =	strace s5  }
0x97: {  	s5 =	sld [smem:$0x3FFD];
	_ =	sdelay $0x3  }
0x98: {  	_ =	strace s5  }
0x99: {  	_ =	strace $0x8FFFFFFF  }
0x9a: {  	s19 =	sld [smem:$0x3FDB];
	_ =	sdelay $0x1  }
0x9b: {  	s6 =	simm.s32 $_scs_section_size  }
0x9c: {  	s7 =	simm.s32 $_size__tile_overlayer_lowered;
	s8 =	simm.s32 $_tile_overlayer_lowered  }
0x9d: {  	s22 =	simm.s32 $0x1BFF;
	s21 =	sshll.u32 s8, $0x1;
	s5 =	sadd.s32 s6, s19  }
0x9e: {  	s9 =	simm.s32 $0x0;
	s20 =	sshll.u32 s7, $0x1;
	s7 =	sadd.s32 s21, s5  }
0x9f: {  	[timem:s9], [sflag:s22] =	dma.local [hbm:s7], s20  }
0xa0: {  	_ =	swait.ge [sflag:s22], s20  }
0xa1: {  	s6 =	ssub.s32 $0x0, s20;
	[sflag:s22] =	ssyncset.done $0x0  }
0xa2: {  	[sflag:s22] =	ssyncadd.s32 s6;
	_ =	sdelay $0x1  }
0xa3: {  	s23 =	simm.s32 $0x1B8B  }
0xa4: {  	_ =	swait.ge [sflag:s23], $0x1  }
0xa5: {  	[sflag:s23] =	ssyncset.done $0x0  }
0xa6: {  	s25 =	simm.s32 $0x1B8E;
	s24 =	sld [smem:$0x3FFE];
	[sflag:s23] =	ssyncadd.s32 $0xFFFFFFFF  }
0xa7: {  	s26 =	simm.s32 $execute0_lowered;
	[smem:$0x3FD2] =	sst s25  }
0xa8: {  	s7 =	sshll.u32 s26, $0x1;
	_ =	strace $0x80000046;
	[dreg:$0x1] =	wrdreg $0xFFFFFFFF  }
0xa9: {  	s28 =	simm.s32 $_size_execute0_lowered;
	s5 =	sadd.s32 s5, s7;
	[dreg:$0x0] =	wrdreg $0x0  }
0xaa: {  	s7 =	sshll.u32 s28, $0x1;
	[dreg:$0x2] =	wrdreg s5  }
0xab: {  	[dreg:$0x3] =	wrdreg s7  }
0xac: {  	[dreg:$0x4] =	wrdreg $0xC0  }
0xad: {  	_ =	task [dreg:s9], $0x5FFFF  }
0xae: {  	[dreg:$0x1] =	wrdreg $0xFFFFFFFF  }
0xaf: {  	[dreg:$0x0] =	wrdreg $0x60  }
0xb0: {  	[dreg:$0x2] =	wrdreg s18  }
0xb1: {  	[dreg:$0x3] =	wrdreg s2  }
0xb2: {  	[dreg:$0x4] =	wrdreg s4  }
0xb3: {  	[dreg:$0x5] =	wrdreg s24  }
0xb4: {  	[dreg:$0x6] =	wrdreg $0x9  }
0xb5: {  	_ =	task.clear_ibuf [dreg:s9], $0x7FFFF;
	_ =	strace $0x90000046  }
0xb6: {  	s29 =	simm.s32 $0x9;
	_ =	strace $0x80000048  }
0xb7: {  	_ =	swait.ge [sflag:s29], $0x1  }
0xb8: {  	[sflag:s29] =	ssyncadd.s32 $0xFFFFFFFF  }
0xb9: {  	_ =	strace $0x90000048  }
0xba: {  	_ =	sfence  }
0xbb: {  	s30 =	sld [smem:$0x0];
	_ =	sdelay $0x2  }
0xbc: {  	s31 =	sshll.u32 s1, $0xD;
	s1 =	sshrl.u32 s1, $0x2  }
0xbd: {  	s3 =	sand.u32 $0x4000, s31;
	s1 =	sadd.s32 s1, s30  }
0xbe: {  	s0 =	sor.u32 s3, s0;
	s1 =	sshll.u32 s1, $0x11  }
0xbf: {  	s0 =	sor.u32 s1, s0  }
0xc0: {  	s0 =	sadd.s32 $0x8F2B, s0  }
0xc1: {  	[sflag:s0] =	ssyncadd.remote.s32 $0x1  }
0xc2: {  	_ =	sfence.sel $0xFFFF  }
0xc3: {  	[dreg:$0x0] =	wrdreg $0xFFFFFFFF;
	(pc) =	sbr.abs _section_cstart, $3  }
0xc4: {  	[dreg:$0x1] =	wrdreg $0xFFFFFFFF  }
0xc5: {  	_ =	task.clear_ibuf [dreg:s9], $0x2FFFF;
	_ =	strace $0x9FFFFFFF  }
0xc6: {  	(tm) =	ssettm $0x7FFFFFFF  }
0xc7: {  	_ =	shalt  }
tec
execute0_lowered:
.L_overlay_start_1:
0x0: {  	(tag) =	ssettag $0x1  }
0x1: {  	s0 =	rddreg [dreg:$0x0]  }
0x2: {  	s1 =	rddreg [dreg:$0x1];
	s2 =	srdreg.scid  }
0x3: {  	s9 =	stileid.u32;
	s5 =	rddreg [dreg:$0x3]  }
0x4: {  	s4 =	simm.s32 $0x0;
	s15 =	simm.s32 $0xBD00;
	s30 =	simm.s32 $0x1F80  }
0x5: {  	s31 =	simm.s32 $0x3F00;
	s10 =	simm.s32 $0x4;
	s11 =	simm.s32 $0x5  }
0x6: {  	s29 =	simm.s32 $0x6;
	s2 =	sand.u32 $0x1, s2;
	s3 =	sshll.u32 s9, $0x1  }
0x7: {  	s12 =	simm.s32 $0x8;
	s13 =	simm.s32 $0x0;
	s3 =	sor.u32 s2, s3  }
0x8: {  	[smem:$0x7FF] =	sst s4;
	s2 =	ssub.s32 $0x2, s2;
	s6 =	smul.u32 $0x1F40, s3  }
0x9: {  	_ =	strace $0x80000047;
	s7 =	smul.u32 $0x3E8, s3;
	s8 =	sshrl.u32 s2, $0x1  }
0xa: {  	s25 =	smul.u32 $0x1090, s3;
	p0 =	seq.s32 s3, $0x0;
	s6 =	sshrl.u32 s6, $0x3  }
0xb: {  	s3 =	sshll.u32 s3, $0x4;
	s7 =	sadd.s32 s0, s7;
	s6 =	sadd.s32 s0, s6  }
0xc: {  	s2 =	ssub.s32 s2, s8;
	[dreg:$0x5] =	wrdreg s7;
	s16 =	sadd.s32 $0x7D00, s6  }
0xd: {  	s8 =	simm.s32 $0x0;
	s17 =	sadd.s32 $0xFA00, s6;
	[dreg:$0x6] =	wrdreg s16  }
0xe: {  	s8 =	simm.s32 @!p0 $0x14;
	s18 =	sadd.s32 $0x17700, s6;
	[dreg:$0x7] =	wrdreg s17  }
0xf: {  	s28 =	smax.u32 s2, $0x1;
	s19 =	sadd.s32 $0x1F400, s6;
	[dreg:$0x8] =	wrdreg s18  }
0x10: {  	p0 =	seq.s32 s9, $0x0;
	s20 =	sadd.s32 $0x27100, s6;
	[dreg:$0x9] =	wrdreg s19  }
0x11: {  	s2 =	simm.s32 $0x7;
	s21 =	sadd.s32 $0x2EE00, s6;
	[dreg:$0xa] =	wrdreg s20  }
0x12: {  	s9 =	simm.s32 $0x9D80;
	s22 =	sadd.s32 $0x36B00, s6;
	[dreg:$0xb] =	wrdreg s21  }
0x13: {  	s7 =	sshrl.u32 s25, $0x3;
	s23 =	sadd.s32 $0x3E800, s6;
	[dreg:$0xc] =	wrdreg s22  }
0x14: {  	s24 =	sadd.s32 $0x46500, s6;
	s26 =	sadd.s32 $0x4E200, s6;
	[dreg:$0xd] =	wrdreg s23  }
0x15: {  	s7 =	sadd.s32 s0, s7;
	s0 =	sadd.s32 s8, s0;
	[dreg:$0xe] =	wrdreg s24  }
0x16: {  	s8 =	simm.s32 $0x3;
	[dreg:$0xf] =	wrdreg s26;
	s16 =	sadd.s32 $0x55F00, s6  }
0x17: {  	s17 =	sadd.s32 $0x5DC00, s6;
	s18 =	sadd.s32 $0x65900, s6;
	s19 =	sadd.s32 $0x6D600, s6  }
0x18: {  	s20 =	sadd.s32 s5, s3;
	s21 =	sadd.s32 $0x75300, s6;
	s22 =	sadd.s32 $0x7D000, s6  }
0x19: {  	s23 =	sadd.s32 $0x84D00, s6;
	s24 =	sadd.s32 $0x8CA00, s6;
	s25 =	sadd.s32 $0x94700, s7  }
0x1a: {  	s26 =	sadd.s32 $0x98940, s0;
	s0 =	simm.s32 $0x1;
	s3 =	simm.s32 $0x1F40  }
0x1b: {  	s5 =	simm.s32 $0x5E80;
	s6 =	simm.s32 $0x2;
	s7 =	simm.s32 $0x7E00  }
.LBB2_1:
0x1c: {  	s14 =	rddreg [dreg:$0x2]  }
0x1d: {  	[tilespmem:s15], [sflag:$0x7] =	stream.linear.gather [hbm4b:s14+s4], $0x1, $0x38;
	[tilespmem:$0xBD80] =	vst v63  }
0x1e: {  	s15 =	rddreg [dreg:$0x5]  }
0x1f: {  	[tilespmem:s4], [sflag:$0x1] =	stream.linear.gather [hbm4b:s15+s4], $0x1F40, $0x38;
	[tilespmem:$0xBD80] =	vst v63  }
0x20: {  	s15 =	rddreg [dreg:$0x6]  }
0x21: {  	[tilespmem:s30], [sflag:$0x2] =	stream.linear.gather [hbm4b:s15+s4], $0x1F40, $0x38;
	[tilespmem:$0xBD80] =	vst v63  }
0x22: {  	s15 =	rddreg [dreg:$0x7]  }
0x23: {  	[tilespmem:s31], [sflag:$0x3] =	stream.linear.gather [hbm4b:s15+s4], $0x1F40, $0x38;
	[tilespmem:$0xBD80] =	vst v63  }
0x24: {  	_ =	swait.ge [sflag:s2], $0x1  }
0x25: {  	[sflag:s2] =	ssyncset.done $0x0  }
0x26: {  	[sflag:s2] =	ssyncadd.s32 $0xFFFFFFFF  }
0x27: {  	v0 =	vld.msk [tilespmem:$0xBD00 ss:$0x0], $0xffff;
	_ =	swait.ge [sflag:s0], $0x1F40  }
0x28: {  	[sflag:s0] =	ssyncset.done $0x0  }
0x29: {  	[sflag:s0] =	ssyncadd.s32 $0xFFFFE0C0  }
0x2a: {  	[tilespmem:s5], [sflag:$0x4] =	stream.indirect.gather [hbm4b:s1+s3], $0x1, s4, s3, $0xb8;
	[tilespmem:$0xBD80] =	vst v63  }
0x2b: {  	_ =	swait.ge [sflag:s6], $0x1F40  }
0x2c: {  	[sflag:s6] =	ssyncset.done $0x0  }
0x2d: {  	[sflag:s6] =	ssyncadd.s32 $0xFFFFE0C0  }
0x2e: {  	[tilespmem:s7], [sflag:$0x5] =	stream.indirect.gather [hbm4b:s1+s3], $0x1, s30, s3, $0xb8;
	[tilespmem:$0xBD80] =	vst v63  }
0x2f: {  	_ =	swait.ge [sflag:s8], $0x1F40  }
0x30: {  	[sflag:s8] =	ssyncset.done $0x0  }
0x31: {  	[sflag:s8] =	ssyncadd.s32 $0xFFFFE0C0  }
0x32: {  	[tilespmem:s9], [sflag:$0x6] =	stream.indirect.gather [hbm4b:s1+s3], $0x1, s31, s3, $0xb8;
	[tilespmem:$0xBD80] =	vst v63  }
0x33: {  	_ =	swait.ge [sflag:s10], $0x1F40  }
0x34: {  	[sflag:s10] =	ssyncset.done $0x0  }
0x35: {  	s15 =	rddreg [dreg:$0x8];
	[sflag:s10] =	ssyncadd.s32 $0xFFFFE0C0  }
0x36: {  	[tilespmem:s4], [sflag:$0x1] =	stream.linear.gather [hbm4b:s15+s4], $0x1F40, $0x38;
	[tilespmem:$0xBD80] =	vst v63  }
0x37: {  	s15 =	simm.s32 $0x0  }
0x38: {  	v1 =	vld [tilespmem:s15+$0x5EB0]  }
0x39: {  	v2 =	vld [tilespmem:s15+$0x5E80]  }
0x3a: {  	v3 =	vld [tilespmem:s15+$0x5E90]  }
0x3b: {  	v5 =	vld [tilespmem:s15+$0x5EA0];
	_ =	sdelay $0x2  }
0x3c: {  	s15 =	simm.s32 $0x40  }
0x3d: {  	v4 =	vld [tilespmem:s15+$0x5EB0];
	v1 =	vsub.f32 v1, v0;
	v2 =	vsub.f32 v2, v0  }
0x3e: {  	v6 =	vld [tilespmem:s15+$0x5E80];
	v8 =	vsub.f32 v3, v0;
	v10 =	vsub.f32 v5, v0  }
0x3f: {  	v7 =	vld [tilespmem:s15+$0x5E90];
	v1 =	vmul.f32 v1, v1;
	v2 =	vmul.f32 v2, v2  }
0x40: {  	v3 =	vimm.f32 $0.0e+00;
	v5 =	vld [tilespmem:s15+$0x5EA0];
	v9 =	vmul.f32 v8, v8;
	v10 =	vmul.f32 v10, v10  }
0x41: {  	s14 =	simm.s32 $0x200;
	v8 =	vimm.f32 $0.0e+00;
	v1 =	vadd.f32 v1, v3;
	v2 =	vadd.f32 v2, v3  }
.LBB2_2:
0x42: {  	s15 =	sshra.s32 s14, $0x2;
	p1 =	sne.s32 s14, $0x7C00;
	s14 =	sadd.s32 $0x100, s14;
	v11 =	vsub.f32 v4, v0;
	v3 =	vadd.f32 v9, v3  }
.Ltmp0:
0x43: {  	v4 =	vld [tilespmem:s15+$0x5EB0];
	v9 =	vsub.f32 v6, v0;
	v8 =	vadd.f32 v10, v8;
	(pc) =	sbr.rel @p1 .LBB2_2-.Ltmp0, $4  }
0x44: {  	v6 =	vld [tilespmem:s15+$0x5E80];
	v10 =	vsub.f32 v7, v0;
	v11 =	vmul.f32 v11, v11  }
0x45: {  	v7 =	vld [tilespmem:s15+$0x5E90];
	v12 =	vmul.f32 v9, v9;
	v13 =	vsub.f32 v5, v0  }
0x46: {  	v5 =	vld [tilespmem:s15+$0x5EA0];
	v9 =	vmul.f32 v10, v10;
	v1 =	vadd.f32 v11, v1  }
0x47: {  	v2 =	vadd.f32 v12, v2;
	v10 =	vmul.f32 v13, v13  }
0x48: {  	_ =	swait.ge [sflag:s0], $0x1F40  }
0x49: {  	[sflag:s0] =	ssyncset.done $0x0  }
0x4a: {  	s14 =	simm.s32 $0x0;
	[sflag:s0] =	ssyncadd.s32 $0xFFFFE0C0  }
0x4b: {  	[tilespmem:s5], [sflag:$0x4] =	stream.indirect.gather [hbm4b:s1+s3], $0x1, s14, s3, $0xb8;
	[tilespmem:$0xBD80] =	vst v63  }
0x4c: {  	_ =	swait.ge [sflag:s11], $0x1F40  }
0x4d: {  	[sflag:s11] =	ssyncset.done $0x0  }
0x4e: {  	s15 =	rddreg [dreg:$0x9];
	[sflag:s11] =	ssyncadd.s32 $0xFFFFE0C0  }
0x4f: {  	[tilespmem:s30], [sflag:$0x2] =	stream.linear.gather [hbm4b:s15+s14], $0x1F40, $0x38;
	[tilespmem:$0xBD80] =	vst v63  }
0x50: {  	v6 =	vsub.f32 v6, v0;
	s15 =	simm.s32 $0x0  }
0x51: {  	v4 =	vsub.f32 v4, v0;
	v11 =	vld [tilespmem:s15+$0x7E30]  }
0x52: {  	v7 =	vsub.f32 v7, v0;
	v6 =	vmul.f32 v6, v6;
	v12 =	vld [tilespmem:s15+$0x7E00]  }
0x53: {  	v3 =	vadd.f32 v9, v3;
	v4 =	vmul.f32 v4, v4;
	v13 =	vld [tilespmem:s15+$0x7E10]  }
0x54: {  	v5 =	vsub.f32 v5, v0;
	v7 =	vmul.f32 v7, v7;
	v2 =	vadd.f32 v6, v2;
	v9 =	vld [tilespmem:s15+$0x7E20]  }
0x55: {  	v8 =	vadd.f32 v10, v8  }
0x56: {  	v27 =	vadd.f32 v4, v1;
	v5 =	vmul.f32 v5, v5;
	[tilespmem:$0x1FFD0] =	vst v2;
	v2 =	vadd.f32 v7, v3;
	s15 =	simm.s32 $0x40  }
0x57: {  	v4 =	vld [tilespmem:s15+$0x7E30];
	v1 =	vsub.f32 v11, v0;
	v10 =	vsub.f32 v12, v0  }
0x58: {  	v5 =	vadd.f32 v5, v8;
	v6 =	vld [tilespmem:s15+$0x7E00];
	v3 =	vsub.f32 v13, v0  }
0x59: {  	[tilespmem:$0x1FFE0] =	vst v2;
	v7 =	vld [tilespmem:s15+$0x7E10];
	v11 =	vsub.f32 v9, v0;
	v1 =	vmul.f32 v1, v1;
	v10 =	vmul.f32 v10, v10  }
0x5a: {  	v8 =	vimm.f32 $0.0e+00;
	v2 =	vimm.f32 $0.0e+00;
	[tilespmem:$0x1FFF0] =	vst v5;
	v5 =	vld [tilespmem:s15+$0x7E20];
	v9 =	vmul.f32 v3, v3  }
0x5b: {  	s14 =	simm.s32 $0x200;
	v1 =	vadd.f32 v1, v2;
	v3 =	vadd.f32 v10, v2;
	v10 =	vmul.f32 v11, v11  }
.LBB2_4:
0x5c: {  	s15 =	sshra.s32 s14, $0x2;
	p1 =	sne.s32 s14, $0x7C00;
	s14 =	sadd.s32 $0x100, s14;
	v11 =	vsub.f32 v4, v0;
	v2 =	vadd.f32 v9, v2  }
.Ltmp1:
0x5d: {  	v4 =	vld [tilespmem:s15+$0x7E30];
	v9 =	vsub.f32 v6, v0;
	v8 =	vadd.f32 v10, v8;
	(pc) =	sbr.rel @p1 .LBB2_4-.Ltmp1, $4  }
0x5e: {  	v6 =	vld [tilespmem:s15+$0x7E00];
	v10 =	vsub.f32 v7, v0;
	v11 =	vmul.f32 v11, v11  }
0x5f: {  	v7 =	vld [tilespmem:s15+$0x7E10];
	v12 =	vmul.f32 v9, v9;
	v13 =	vsub.f32 v5, v0  }
0x60: {  	v5 =	vld [tilespmem:s15+$0x7E20];
	v9 =	vmul.f32 v10, v10;
	v1 =	vadd.f32 v11, v1  }
0x61: {  	v3 =	vadd.f32 v12, v3;
	v10 =	vmul.f32 v13, v13  }
0x62: {  	_ =	swait.ge [sflag:s6], $0x1F40  }
0x63: {  	[sflag:s6] =	ssyncset.done $0x0  }
0x64: {  	[sflag:s6] =	ssyncadd.s32 $0xFFFFE0C0  }
0x65: {  	[tilespmem:s7], [sflag:$0x5] =	stream.indirect.gather [hbm4b:s1+s3], $0x1, s30, s3, $0xb8;
	[tilespmem:$0xBD80] =	vst v63  }
0x66: {  	_ =	swait.ge [sflag:s29], $0x1F40  }
0x67: {  	[sflag:s29] =	ssyncset.done $0x0  }
0x68: {  	s14 =	simm.s32 $0x0;
	s15 =	rddreg [dreg:$0xa];
	[sflag:s29] =	ssyncadd.s32 $0xFFFFE0C0  }
0x69: {  	[tilespmem:s31], [sflag:$0x3] =	stream.linear.gather [hbm4b:s15+s14], $0x1F40, $0x38;
	[tilespmem:$0xBD80] =	vst v63  }
0x6a: {  	v6 =	vsub.f32 v6, v0;
	s15 =	simm.s32 $0x0  }
0x6b: {  	v4 =	vsub.f32 v4, v0;
	v11 =	vld [tilespmem:s15+$0x9DB0]  }
0x6c: {  	v7 =	vsub.f32 v7, v0;
	v6 =	vmul.f32 v6, v6;
	v12 =	vld [tilespmem:s15+$0x9D80]  }
0x6d: {  	v2 =	vadd.f32 v9, v2;
	v4 =	vmul.f32 v4, v4;
	v13 =	vld [tilespmem:s15+$0x9D90]  }
0x6e: {  	v5 =	vsub.f32 v5, v0;
	v7 =	vmul.f32 v7, v7;
	v3 =	vadd.f32 v6, v3;
	v9 =	vld [tilespmem:s15+$0x9DA0]  }
0x6f: {  	v1 =	vadd.f32 v4, v1  }
0x70: {  	v8 =	vadd.f32 v10, v8;
	v2 =	vadd.f32 v7, v2;
	[tilespmem:$0x1FFA0] =	vst v3;
	v3 =	vmul.f32 v5, v5;
	s15 =	simm.s32 $0x40  }
0x71: {  	[tilespmem:$0x1FF90] =	vst v1;
	v4 =	vld [tilespmem:s15+$0x9DB0];
	v1 =	vsub.f32 v11, v0;
	v5 =	vsub.f32 v12, v0  }
0x72: {  	v6 =	vld [tilespmem:s15+$0x9D80];
	v3 =	vadd.f32 v3, v8;
	v10 =	vsub.f32 v13, v0  }
0x73: {  	v7 =	vld [tilespmem:s15+$0x9D90];
	v63 =	vsub.f32 v9, v0;
	v1 =	vmul.f32 v1, v1;
	v11 =	vmul.f32 v5, v5  }
0x74: {  	[tilespmem:$0x1FFB0] =	vst v2;
	v2 =	vimm.f32 $0.0e+00;
	v8 =	vimm.f32 $0.0e+00;
	v9 =	vmul.f32 v10, v10;
	v5 =	vld [tilespmem:s15+$0x9DA0]  }
0x75: {  	s14 =	simm.s32 $0x200;
	[tilespmem:$0x1FFC0] =	vst v3;
	v10 =	vmul.f32 v63, v63;
	v1 =	vadd.f32 v1, v2;
	v3 =	vadd.f32 v11, v2  }
.LBB2_6:
0x76: {  	s15 =	sshra.s32 s14, $0x2;
	p1 =	sne.s32 s14, $0x7C00;
	s14 =	sadd.s32 $0x100, s14;
	v11 =	vsub.f32 v4, v0;
	v2 =	vadd.f32 v9, v2  }
.Ltmp2:
0x77: {  	v4 =	vld [tilespmem:s15+$0x9DB0];
	v9 =	vsub.f32 v6, v0;
	v8 =	vadd.f32 v10, v8;
	(pc) =	sbr.rel @p1 .LBB2_6-.Ltmp2, $4  }
0x78: {  	v6 =	vld [tilespmem:s15+$0x9D80];
	v10 =	vsub.f32 v7, v0;
	v11 =	vmul.f32 v11, v11  }
0x79: {  	v7 =	vld [tilespmem:s15+$0x9D90];
	v12 =	vmul.f32 v9, v9;
	v13 =	vsub.f32 v5, v0  }
0x7a: {  	v5 =	vld [tilespmem:s15+$0x9DA0];
	v9 =	vmul.f32 v10, v10;
	v1 =	vadd.f32 v11, v1  }
0x7b: {  	v3 =	vadd.f32 v12, v3;
	v10 =	vmul.f32 v13, v13  }
0x7c: {  	_ =	swait.ge [sflag:s8], $0x1F40  }
0x7d: {  	[sflag:s8] =	ssyncset.done $0x0  }
0x7e: {  	[sflag:s8] =	ssyncadd.s32 $0xFFFFE0C0  }
0x7f: {  	[tilespmem:s9], [sflag:$0x6] =	stream.indirect.gather [hbm4b:s1+s3], $0x1, s31, s3, $0xb8;
	[tilespmem:$0xBD80] =	vst v63  }
0x80: {  	_ =	swait.ge [sflag:s10], $0x1F40  }
0x81: {  	[sflag:s10] =	ssyncset.done $0x0  }
0x82: {  	s14 =	simm.s32 $0x0;
	s15 =	rddreg [dreg:$0xb];
	[sflag:s10] =	ssyncadd.s32 $0xFFFFE0C0  }
0x83: {  	[tilespmem:s14], [sflag:$0x1] =	stream.linear.gather [hbm4b:s15+s14], $0x1F40, $0x38;
	[tilespmem:$0xBD80] =	vst v63  }
0x84: {  	v6 =	vsub.f32 v6, v0;
	s15 =	simm.s32 $0x0  }
0x85: {  	v4 =	vsub.f32 v4, v0;
	v11 =	vld [tilespmem:s15+$0x5EB0]  }
0x86: {  	v7 =	vsub.f32 v7, v0;
	v6 =	vmul.f32 v6, v6;
	v12 =	vld [tilespmem:s15+$0x5E80]  }
0x87: {  	v2 =	vadd.f32 v9, v2;
	v4 =	vmul.f32 v4, v4;
	v13 =	vld [tilespmem:s15+$0x5E90]  }
0x88: {  	v5 =	vsub.f32 v5, v0;
	v7 =	vmul.f32 v7, v7;
	v3 =	vadd.f32 v6, v3;
	v9 =	vld [tilespmem:s15+$0x5EA0]  }
0x89: {  	v1 =	vadd.f32 v4, v1  }
0x8a: {  	v8 =	vadd.f32 v10, v8;
	v2 =	vadd.f32 v7, v2;
	[tilespmem:$0x1FF60] =	vst v3;
	v3 =	vmul.f32 v5, v5;
	s15 =	simm.s32 $0x40  }
0x8b: {  	[tilespmem:$0x1FF50] =	vst v1;
	v4 =	vld [tilespmem:s15+$0x5EB0];
	v1 =	vsub.f32 v11, v0;
	v5 =	vsub.f32 v12, v0  }
0x8c: {  	v6 =	vld [tilespmem:s15+$0x5E80];
	v3 =	vadd.f32 v3, v8;
	v10 =	vsub.f32 v13, v0  }
0x8d: {  	v7 =	vld [tilespmem:s15+$0x5E90];
	v63 =	vsub.f32 v9, v0;
	v1 =	vmul.f32 v1, v1;
	v11 =	vmul.f32 v5, v5  }
0x8e: {  	[tilespmem:$0x1FF70] =	vst v2;
	v2 =	vimm.f32 $0.0e+00;
	v8 =	vimm.f32 $0.0e+00;
	v9 =	vmul.f32 v10, v10;
	v5 =	vld [tilespmem:s15+$0x5EA0]  }
0x8f: {  	s14 =	simm.s32 $0x200;
	[tilespmem:$0x1FF80] =	vst v3;
	v10 =	vmul.f32 v63, v63;
	v1 =	vadd.f32 v1, v2;
	v3 =	vadd.f32 v11, v2  }
.LBB2_8:
0x90: {  	s15 =	sshra.s32 s14, $0x2;
	p1 =	sne.s32 s14, $0x7C00;
	s14 =	sadd.s32 $0x100, s14;
	v11 =	vsub.f32 v4, v0;
	v2 =	vadd.f32 v9, v2  }
.Ltmp3:
0x91: {  	v4 =	vld [tilespmem:s15+$0x5EB0];
	v9 =	vsub.f32 v6, v0;
	v8 =	vadd.f32 v10, v8;
	(pc) =	sbr.rel @p1 .LBB2_8-.Ltmp3, $4  }
0x92: {  	v6 =	vld [tilespmem:s15+$0x5E80];
	v10 =	vsub.f32 v7, v0;
	v11 =	vmul.f32 v11, v11  }
0x93: {  	v7 =	vld [tilespmem:s15+$0x5E90];
	v12 =	vmul.f32 v9, v9;
	v13 =	vsub.f32 v5, v0  }
0x94: {  	v5 =	vld [tilespmem:s15+$0x5EA0];
	v9 =	vmul.f32 v10, v10;
	v1 =	vadd.f32 v11, v1  }
0x95: {  	v3 =	vadd.f32 v12, v3;
	v10 =	vmul.f32 v13, v13  }
0x96: {  	_ =	swait.ge [sflag:s0], $0x1F40  }
0x97: {  	[sflag:s0] =	ssyncset.done $0x0  }
0x98: {  	s14 =	simm.s32 $0x0;
	[sflag:s0] =	ssyncadd.s32 $0xFFFFE0C0  }
0x99: {  	[tilespmem:s5], [sflag:$0x4] =	stream.indirect.gather [hbm4b:s1+s3], $0x1, s14, s3, $0xb8;
	[tilespmem:$0xBD80] =	vst v63  }
0x9a: {  	_ =	swait.ge [sflag:s11], $0x1F40  }
0x9b: {  	[sflag:s11] =	ssyncset.done $0x0  }
0x9c: {  	s15 =	rddreg [dreg:$0xc];
	[sflag:s11] =	ssyncadd.s32 $0xFFFFE0C0  }
0x9d: {  	[tilespmem:s30], [sflag:$0x2] =	stream.linear.gather [hbm4b:s15+s14], $0x1F40, $0x38;
	[tilespmem:$0xBD80] =	vst v63  }
0x9e: {  	v6 =	vsub.f32 v6, v0;
	s15 =	simm.s32 $0x0  }
0x9f: {  	v4 =	vsub.f32 v4, v0;
	v11 =	vld [tilespmem:s15+$0x7E30]  }
0xa0: {  	v7 =	vsub.f32 v7, v0;
	v6 =	vmul.f32 v6, v6;
	v12 =	vld [tilespmem:s15+$0x7E00]  }
0xa1: {  	v2 =	vadd.f32 v9, v2;
	v4 =	vmul.f32 v4, v4;
	v13 =	vld [tilespmem:s15+$0x7E10]  }
0xa2: {  	v5 =	vsub.f32 v5, v0;
	v7 =	vmul.f32 v7, v7;
	v3 =	vadd.f32 v6, v3;
	v9 =	vld [tilespmem:s15+$0x7E20]  }
0xa3: {  	v1 =	vadd.f32 v4, v1  }
0xa4: {  	v8 =	vadd.f32 v10, v8;
	v2 =	vadd.f32 v7, v2;
	[tilespmem:$0x1FF20] =	vst v3;
	v3 =	vmul.f32 v5, v5;
	s15 =	simm.s32 $0x40  }
0xa5: {  	[tilespmem:$0x1FF10] =	vst v1;
	v4 =	vld [tilespmem:s15+$0x7E30];
	v1 =	vsub.f32 v11, v0;
	v5 =	vsub.f32 v12, v0  }
0xa6: {  	v6 =	vld [tilespmem:s15+$0x7E00];
	v3 =	vadd.f32 v3, v8;
	v10 =	vsub.f32 v13, v0  }
0xa7: {  	v7 =	vld [tilespmem:s15+$0x7E10];
	v63 =	vsub.f32 v9, v0;
	v1 =	vmul.f32 v1, v1;
	v11 =	vmul.f32 v5, v5  }
0xa8: {  	[tilespmem:$0x1FF30] =	vst v2;
	v2 =	vimm.f32 $0.0e+00;
	v8 =	vimm.f32 $0.0e+00;
	v9 =	vmul.f32 v10, v10;
	v5 =	vld [tilespmem:s15+$0x7E20]  }
0xa9: {  	s14 =	simm.s32 $0x200;
	[tilespmem:$0x1FF40] =	vst v3;
	v10 =	vmul.f32 v63, v63;
	v1 =	vadd.f32 v1, v2;
	v3 =	vadd.f32 v11, v2  }
.LBB2_10:
0xaa: {  	s15 =	sshra.s32 s14, $0x2;
	p1 =	sne.s32 s14, $0x7C00;
	s14 =	sadd.s32 $0x100, s14;
	v11 =	vsub.f32 v4, v0;
	v2 =	vadd.f32 v9, v2  }
.Ltmp4:
0xab: {  	v4 =	vld [tilespmem:s15+$0x7E30];
	v9 =	vsub.f32 v6, v0;
	v8 =	vadd.f32 v10, v8;
	(pc) =	sbr.rel @p1 .LBB2_10-.Ltmp4, $4  }
0xac: {  	v6 =	vld [tilespmem:s15+$0x7E00];
	v10 =	vsub.f32 v7, v0;
	v11 =	vmul.f32 v11, v11  }
0xad: {  	v7 =	vld [tilespmem:s15+$0x7E10];
	v12 =	vmul.f32 v9, v9;
	v13 =	vsub.f32 v5, v0  }
0xae: {  	v5 =	vld [tilespmem:s15+$0x7E20];
	v9 =	vmul.f32 v10, v10;
	v1 =	vadd.f32 v11, v1  }
0xaf: {  	v3 =	vadd.f32 v12, v3;
	v10 =	vmul.f32 v13, v13  }
0xb0: {  	_ =	swait.ge [sflag:s6], $0x1F40  }
0xb1: {  	[sflag:s6] =	ssyncset.done $0x0  }
0xb2: {  	[sflag:s6] =	ssyncadd.s32 $0xFFFFE0C0  }
0xb3: {  	[tilespmem:s7], [sflag:$0x5] =	stream.indirect.gather [hbm4b:s1+s3], $0x1, s30, s3, $0xb8;
	[tilespmem:$0xBD80] =	vst v63  }
0xb4: {  	_ =	swait.ge [sflag:s29], $0x1F40  }
0xb5: {  	[sflag:s29] =	ssyncset.done $0x0  }
0xb6: {  	s14 =	simm.s32 $0x0;
	s15 =	rddreg [dreg:$0xd];
	[sflag:s29] =	ssyncadd.s32 $0xFFFFE0C0  }
0xb7: {  	[tilespmem:s31], [sflag:$0x3] =	stream.linear.gather [hbm4b:s15+s14], $0x1F40, $0x38;
	[tilespmem:$0xBD80] =	vst v63  }
0xb8: {  	v6 =	vsub.f32 v6, v0;
	s15 =	simm.s32 $0x0  }
0xb9: {  	v4 =	vsub.f32 v4, v0;
	v11 =	vld [tilespmem:s15+$0x9DB0]  }
0xba: {  	v7 =	vsub.f32 v7, v0;
	v6 =	vmul.f32 v6, v6;
	v12 =	vld [tilespmem:s15+$0x9D80]  }
0xbb: {  	v2 =	vadd.f32 v9, v2;
	v4 =	vmul.f32 v4, v4;
	v13 =	vld [tilespmem:s15+$0x9D90]  }
0xbc: {  	v5 =	vsub.f32 v5, v0;
	v7 =	vmul.f32 v7, v7;
	v3 =	vadd.f32 v6, v3;
	v9 =	vld [tilespmem:s15+$0x9DA0]  }
0xbd: {  	v1 =	vadd.f32 v4, v1  }
0xbe: {  	v8 =	vadd.f32 v10, v8;
	v2 =	vadd.f32 v7, v2;
	[tilespmem:$0x1FEE0] =	vst v3;
	v3 =	vmul.f32 v5, v5;
	s15 =	simm.s32 $0x40  }
0xbf: {  	[tilespmem:$0x1FED0] =	vst v1;
	v4 =	vld [tilespmem:s15+$0x9DB0];
	v1 =	vsub.f32 v11, v0;
	v5 =	vsub.f32 v12, v0  }
0xc0: {  	v6 =	vld [tilespmem:s15+$0x9D80];
	v3 =	vadd.f32 v3, v8;
	v10 =	vsub.f32 v13, v0  }
0xc1: {  	v7 =	vld [tilespmem:s15+$0x9D90];
	v63 =	vsub.f32 v9, v0;
	v1 =	vmul.f32 v1, v1;
	v11 =	vmul.f32 v5, v5  }
0xc2: {  	[tilespmem:$0x1FEF0] =	vst v2;
	v2 =	vimm.f32 $0.0e+00;
	v8 =	vimm.f32 $0.0e+00;
	v9 =	vmul.f32 v10, v10;
	v5 =	vld [tilespmem:s15+$0x9DA0]  }
0xc3: {  	s14 =	simm.s32 $0x200;
	[tilespmem:$0x1FF00] =	vst v3;
	v10 =	vmul.f32 v63, v63;
	v1 =	vadd.f32 v1, v2;
	v3 =	vadd.f32 v11, v2  }
.LBB2_12:
0xc4: {  	s15 =	sshra.s32 s14, $0x2;
	p1 =	sne.s32 s14, $0x7C00;
	s14 =	sadd.s32 $0x100, s14;
	v11 =	vsub.f32 v4, v0;
	v2 =	vadd.f32 v9, v2  }
.Ltmp5:
0xc5: {  	v4 =	vld [tilespmem:s15+$0x9DB0];
	v9 =	vsub.f32 v6, v0;
	v8 =	vadd.f32 v10, v8;
	(pc) =	sbr.rel @p1 .LBB2_12-.Ltmp5, $4  }
0xc6: {  	v6 =	vld [tilespmem:s15+$0x9D80];
	v10 =	vsub.f32 v7, v0;
	v11 =	vmul.f32 v11, v11  }
0xc7: {  	v7 =	vld [tilespmem:s15+$0x9D90];
	v12 =	vmul.f32 v9, v9;
	v13 =	vsub.f32 v5, v0  }
0xc8: {  	v5 =	vld [tilespmem:s15+$0x9DA0];
	v9 =	vmul.f32 v10, v10;
	v1 =	vadd.f32 v11, v1  }
0xc9: {  	v3 =	vadd.f32 v12, v3;
	v10 =	vmul.f32 v13, v13  }
0xca: {  	_ =	swait.ge [sflag:s8], $0x1F40  }
0xcb: {  	[sflag:s8] =	ssyncset.done $0x0  }
0xcc: {  	[sflag:s8] =	ssyncadd.s32 $0xFFFFE0C0  }
0xcd: {  	[tilespmem:s9], [sflag:$0x6] =	stream.indirect.gather [hbm4b:s1+s3], $0x1, s31, s3, $0xb8;
	[tilespmem:$0xBD80] =	vst v63  }
0xce: {  	_ =	swait.ge [sflag:s10], $0x1F40  }
0xcf: {  	[sflag:s10] =	ssyncset.done $0x0  }
0xd0: {  	s14 =	simm.s32 $0x0;
	s15 =	rddreg [dreg:$0xe];
	[sflag:s10] =	ssyncadd.s32 $0xFFFFE0C0  }
0xd1: {  	[tilespmem:s14], [sflag:$0x1] =	stream.linear.gather [hbm4b:s15+s14], $0x1F40, $0x38;
	[tilespmem:$0xBD80] =	vst v63  }
0xd2: {  	v6 =	vsub.f32 v6, v0;
	s15 =	simm.s32 $0x0  }
0xd3: {  	v4 =	vsub.f32 v4, v0;
	v11 =	vld [tilespmem:s15+$0x5EB0]  }
0xd4: {  	v7 =	vsub.f32 v7, v0;
	v6 =	vmul.f32 v6, v6;
	v12 =	vld [tilespmem:s15+$0x5E80]  }
0xd5: {  	v2 =	vadd.f32 v9, v2;
	v4 =	vmul.f32 v4, v4;
	v13 =	vld [tilespmem:s15+$0x5E90]  }
0xd6: {  	v5 =	vsub.f32 v5, v0;
	v7 =	vmul.f32 v7, v7;
	v3 =	vadd.f32 v6, v3;
	v9 =	vld [tilespmem:s15+$0x5EA0]  }
0xd7: {  	v1 =	vadd.f32 v4, v1  }
0xd8: {  	v8 =	vadd.f32 v10, v8;
	v2 =	vadd.f32 v7, v2;
	[tilespmem:$0x1FEA0] =	vst v3;
	v3 =	vmul.f32 v5, v5;
	s15 =	simm.s32 $0x40  }
0xd9: {  	[tilespmem:$0x1FE90] =	vst v1;
	v4 =	vld [tilespmem:s15+$0x5EB0];
	v1 =	vsub.f32 v11, v0;
	v5 =	vsub.f32 v12, v0  }
0xda: {  	v6 =	vld [tilespmem:s15+$0x5E80];
	v3 =	vadd.f32 v3, v8;
	v10 =	vsub.f32 v13, v0  }
0xdb: {  	v7 =	vld [tilespmem:s15+$0x5E90];
	v63 =	vsub.f32 v9, v0;
	v1 =	vmul.f32 v1, v1;
	v11 =	vmul.f32 v5, v5  }
0xdc: {  	[tilespmem:$0x1FEB0] =	vst v2;
	v2 =	vimm.f32 $0.0e+00;
	v8 =	vimm.f32 $0.0e+00;
	v9 =	vmul.f32 v10, v10;
	v5 =	vld [tilespmem:s15+$0x5EA0]  }
0xdd: {  	s14 =	simm.s32 $0x200;
	[tilespmem:$0x1FEC0] =	vst v3;
	v10 =	vmul.f32 v63, v63;
	v1 =	vadd.f32 v1, v2;
	v3 =	vadd.f32 v11, v2  }
.LBB2_14:
0xde: {  	s15 =	sshra.s32 s14, $0x2;
	p1 =	sne.s32 s14, $0x7C00;
	s14 =	sadd.s32 $0x100, s14;
	v11 =	vsub.f32 v4, v0;
	v2 =	vadd.f32 v9, v2  }
.Ltmp6:
0xdf: {  	v4 =	vld [tilespmem:s15+$0x5EB0];
	v9 =	vsub.f32 v6, v0;
	v8 =	vadd.f32 v10, v8;
	(pc) =	sbr.rel @p1 .LBB2_14-.Ltmp6, $4  }
0xe0: {  	v6 =	vld [tilespmem:s15+$0x5E80];
	v10 =	vsub.f32 v7, v0;
	v11 =	vmul.f32 v11, v11  }
0xe1: {  	v7 =	vld [tilespmem:s15+$0x5E90];
	v12 =	vmul.f32 v9, v9;
	v13 =	vsub.f32 v5, v0  }
0xe2: {  	v5 =	vld [tilespmem:s15+$0x5EA0];
	v9 =	vmul.f32 v10, v10;
	v1 =	vadd.f32 v11, v1  }
0xe3: {  	v3 =	vadd.f32 v12, v3;
	v10 =	vmul.f32 v13, v13  }
0xe4: {  	_ =	swait.ge [sflag:s0], $0x1F40  }
0xe5: {  	[sflag:s0] =	ssyncset.done $0x0  }
0xe6: {  	s14 =	simm.s32 $0x0;
	[sflag:s0] =	ssyncadd.s32 $0xFFFFE0C0  }
0xe7: {  	[tilespmem:s5], [sflag:$0x4] =	stream.indirect.gather [hbm4b:s1+s3], $0x1, s14, s3, $0xb8;
	[tilespmem:$0xBD80] =	vst v63  }
0xe8: {  	_ =	swait.ge [sflag:s11], $0x1F40  }
0xe9: {  	[sflag:s11] =	ssyncset.done $0x0  }
0xea: {  	s15 =	rddreg [dreg:$0xf];
	[sflag:s11] =	ssyncadd.s32 $0xFFFFE0C0  }
0xeb: {  	[tilespmem:s30], [sflag:$0x2] =	stream.linear.gather [hbm4b:s15+s14], $0x1F40, $0x38;
	[tilespmem:$0xBD80] =	vst v63  }
0xec: {  	v6 =	vsub.f32 v6, v0;
	s15 =	simm.s32 $0x0  }
0xed: {  	v4 =	vsub.f32 v4, v0;
	v11 =	vld [tilespmem:s15+$0x7E30]  }
0xee: {  	v7 =	vsub.f32 v7, v0;
	v6 =	vmul.f32 v6, v6;
	v12 =	vld [tilespmem:s15+$0x7E00]  }
0xef: {  	v2 =	vadd.f32 v9, v2;
	v4 =	vmul.f32 v4, v4;
	v13 =	vld [tilespmem:s15+$0x7E10]  }
0xf0: {  	v5 =	vsub.f32 v5, v0;
	v7 =	vmul.f32 v7, v7;
	v3 =	vadd.f32 v6, v3;
	v9 =	vld [tilespmem:s15+$0x7E20]  }
0xf1: {  	v1 =	vadd.f32 v4, v1  }
0xf2: {  	v8 =	vadd.f32 v10, v8;
	v2 =	vadd.f32 v7, v2;
	[tilespmem:$0x1FE60] =	vst v3;
	v3 =	vmul.f32 v5, v5;
	s15 =	simm.s32 $0x40  }
0xf3: {  	[tilespmem:$0x1FE50] =	vst v1;
	v4 =	vld [tilespmem:s15+$0x7E30];
	v1 =	vsub.f32 v11, v0;
	v5 =	vsub.f32 v12, v0  }
0xf4: {  	v6 =	vld [tilespmem:s15+$0x7E00];
	v3 =	vadd.f32 v3, v8;
	v10 =	vsub.f32 v13, v0  }
0xf5: {  	v7 =	vld [tilespmem:s15+$0x7E10];
	v63 =	vsub.f32 v9, v0;
	v1 =	vmul.f32 v1, v1;
	v11 =	vmul.f32 v5, v5  }
0xf6: {  	[tilespmem:$0x1FE70] =	vst v2;
	v2 =	vimm.f32 $0.0e+00;
	v8 =	vimm.f32 $0.0e+00;
	v9 =	vmul.f32 v10, v10;
	v5 =	vld [tilespmem:s15+$0x7E20]  }
0xf7: {  	s14 =	simm.s32 $0x200;
	[tilespmem:$0x1FE80] =	vst v3;
	v10 =	vmul.f32 v63, v63;
	v1 =	vadd.f32 v1, v2;
	v3 =	vadd.f32 v11, v2  }
.LBB2_16:
0xf8: {  	s15 =	sshra.s32 s14, $0x2;
	p1 =	sne.s32 s14, $0x7C00;
	s14 =	sadd.s32 $0x100, s14;
	v11 =	vsub.f32 v4, v0;
	v2 =	vadd.f32 v9, v2  }
.Ltmp7:
0xf9: {  	v4 =	vld [tilespmem:s15+$0x7E30];
	v9 =	vsub.f32 v6, v0;
	v8 =	vadd.f32 v10, v8;
	(pc) =	sbr.rel @p1 .LBB2_16-.Ltmp7, $4  }
0xfa: {  	v6 =	vld [tilespmem:s15+$0x7E00];
	v10 =	vsub.f32 v7, v0;
	v11 =	vmul.f32 v11, v11  }
0xfb: {  	v7 =	vld [tilespmem:s15+$0x7E10];
	v12 =	vmul.f32 v9, v9;
	v13 =	vsub.f32 v5, v0  }
0xfc: {  	v5 =	vld [tilespmem:s15+$0x7E20];
	v9 =	vmul.f32 v10, v10;
	v1 =	vadd.f32 v11, v1  }
0xfd: {  	v3 =	vadd.f32 v12, v3;
	v10 =	vmul.f32 v13, v13  }
0xfe: {  	_ =	swait.ge [sflag:s6], $0x1F40  }
0xff: {  	[sflag:s6] =	ssyncset.done $0x0  }
0x100: {  	[sflag:s6] =	ssyncadd.s32 $0xFFFFE0C0  }
0x101: {  	[tilespmem:s7], [sflag:$0x5] =	stream.indirect.gather [hbm4b:s1+s3], $0x1, s30, s3, $0xb8;
	[tilespmem:$0xBD80] =	vst v63  }
0x102: {  	_ =	swait.ge [sflag:s29], $0x1F40  }
0x103: {  	[sflag:s29] =	ssyncset.done $0x0  }
0x104: {  	s14 =	simm.s32 $0x0;
	s15 =	simm.s32 $0x0;
	[sflag:s29] =	ssyncadd.s32 $0xFFFFE0C0  }
0x105: {  	[tilespmem:s31], [sflag:$0x3] =	stream.linear.gather [hbm4b:s16+s14], $0x1F40, $0x38;
	[tilespmem:$0xBD80] =	vst v63  }
0x106: {  	v11 =	vld [tilespmem:s15+$0x9DB0]  }
0x107: {  	v4 =	vsub.f32 v4, v0;
	v6 =	vsub.f32 v6, v0;
	v12 =	vld [tilespmem:s15+$0x9D80]  }
0x108: {  	v2 =	vadd.f32 v9, v2;
	v13 =	vld [tilespmem:s15+$0x9D90]  }
0x109: {  	v7 =	vsub.f32 v7, v0;
	v4 =	vmul.f32 v4, v4;
	v6 =	vmul.f32 v6, v6;
	v9 =	vld [tilespmem:s15+$0x9DA0]  }
0x10a: {  	v8 =	vadd.f32 v10, v8;
	v5 =	vsub.f32 v5, v0  }
0x10b: {  	v7 =	vmul.f32 v7, v7;
	v29 =	vadd.f32 v4, v1;
	v30 =	vadd.f32 v6, v3;
	s15 =	simm.s32 $0x40  }
0x10c: {  	v3 =	vmul.f32 v5, v5;
	v4 =	vld [tilespmem:s15+$0x9DB0];
	v1 =	vsub.f32 v11, v0;
	v5 =	vsub.f32 v12, v0  }
0x10d: {  	v31 =	vadd.f32 v7, v2;
	v2 =	vimm.f32 $0.0e+00;
	v6 =	vld [tilespmem:s15+$0x9D80];
	v10 =	vsub.f32 v13, v0  }
0x10e: {  	v7 =	vld [tilespmem:s15+$0x9D90];
	v63 =	vsub.f32 v9, v0;
	v1 =	vmul.f32 v1, v1;
	v11 =	vmul.f32 v5, v5  }
0x10f: {  	v32 =	vadd.f32 v3, v8;
	v8 =	vimm.f32 $0.0e+00;
	v9 =	vmul.f32 v10, v10;
	v5 =	vld [tilespmem:s15+$0x9DA0]  }
0x110: {  	s14 =	simm.s32 $0x200;
	v10 =	vmul.f32 v63, v63;
	v1 =	vadd.f32 v1, v2;
	v3 =	vadd.f32 v11, v2  }
.LBB2_18:
0x111: {  	s15 =	sshra.s32 s14, $0x2;
	p1 =	sne.s32 s14, $0x7C00;
	s14 =	sadd.s32 $0x100, s14;
	v11 =	vsub.f32 v4, v0;
	v2 =	vadd.f32 v9, v2  }
.Ltmp8:
0x112: {  	v4 =	vld [tilespmem:s15+$0x9DB0];
	v9 =	vsub.f32 v6, v0;
	v8 =	vadd.f32 v10, v8;
	(pc) =	sbr.rel @p1 .LBB2_18-.Ltmp8, $4  }
0x113: {  	v6 =	vld [tilespmem:s15+$0x9D80];
	v10 =	vsub.f32 v7, v0;
	v11 =	vmul.f32 v11, v11  }
0x114: {  	v7 =	vld [tilespmem:s15+$0x9D90];
	v12 =	vmul.f32 v9, v9;
	v13 =	vsub.f32 v5, v0  }
0x115: {  	v5 =	vld [tilespmem:s15+$0x9DA0];
	v9 =	vmul.f32 v10, v10;
	v1 =	vadd.f32 v11, v1  }
0x116: {  	v3 =	vadd.f32 v12, v3;
	v10 =	vmul.f32 v13, v13  }
0x117: {  	_ =	swait.ge [sflag:s8], $0x1F40  }
0x118: {  	[sflag:s8] =	ssyncset.done $0x0  }
0x119: {  	[sflag:s8] =	ssyncadd.s32 $0xFFFFE0C0  }
0x11a: {  	[tilespmem:s9], [sflag:$0x6] =	stream.indirect.gather [hbm4b:s1+s3], $0x1, s31, s3, $0xb8;
	[tilespmem:$0xBD80] =	vst v63  }
0x11b: {  	_ =	swait.ge [sflag:s10], $0x1F40  }
0x11c: {  	[sflag:s10] =	ssyncset.done $0x0  }
0x11d: {  	s14 =	simm.s32 $0x0;
	s15 =	simm.s32 $0x0;
	[sflag:s10] =	ssyncadd.s32 $0xFFFFE0C0  }
0x11e: {  	[tilespmem:s14], [sflag:$0x1] =	stream.linear.gather [hbm4b:s17+s14], $0x1F40, $0x38;
	[tilespmem:$0xBD80] =	vst v63  }
0x11f: {  	v11 =	vld [tilespmem:s15+$0x5EB0]  }
0x120: {  	v4 =	vsub.f32 v4, v0;
	v6 =	vsub.f32 v6, v0;
	v12 =	vld [tilespmem:s15+$0x5E80]  }
0x121: {  	v2 =	vadd.f32 v9, v2;
	v13 =	vld [tilespmem:s15+$0x5E90]  }
0x122: {  	v7 =	vsub.f32 v7, v0;
	v4 =	vmul.f32 v4, v4;
	v6 =	vmul.f32 v6, v6;
	v9 =	vld [tilespmem:s15+$0x5EA0]  }
0x123: {  	v8 =	vadd.f32 v10, v8;
	v5 =	vsub.f32 v5, v0  }
0x124: {  	v7 =	vmul.f32 v7, v7;
	v33 =	vadd.f32 v4, v1;
	v34 =	vadd.f32 v6, v3;
	s15 =	simm.s32 $0x40  }
0x125: {  	v3 =	vmul.f32 v5, v5;
	v4 =	vld [tilespmem:s15+$0x5EB0];
	v1 =	vsub.f32 v11, v0;
	v5 =	vsub.f32 v12, v0  }
0x126: {  	v35 =	vadd.f32 v7, v2;
	v2 =	vimm.f32 $0.0e+00;
	v6 =	vld [tilespmem:s15+$0x5E80];
	v10 =	vsub.f32 v13, v0  }
0x127: {  	v7 =	vld [tilespmem:s15+$0x5E90];
	v63 =	vsub.f32 v9, v0;
	v1 =	vmul.f32 v1, v1;
	v11 =	vmul.f32 v5, v5  }
0x128: {  	v36 =	vadd.f32 v3, v8;
	v8 =	vimm.f32 $0.0e+00;
	v9 =	vmul.f32 v10, v10;
	v5 =	vld [tilespmem:s15+$0x5EA0]  }
0x129: {  	s14 =	simm.s32 $0x200;
	v10 =	vmul.f32 v63, v63;
	v1 =	vadd.f32 v1, v2;
	v3 =	vadd.f32 v11, v2  }
.LBB2_20:
0x12a: {  	s15 =	sshra.s32 s14, $0x2;
	p1 =	sne.s32 s14, $0x7C00;
	s14 =	sadd.s32 $0x100, s14;
	v11 =	vsub.f32 v4, v0;
	v2 =	vadd.f32 v9, v2  }
.Ltmp9:
0x12b: {  	v4 =	vld [tilespmem:s15+$0x5EB0];
	v9 =	vsub.f32 v6, v0;
	v8 =	vadd.f32 v10, v8;
	(pc) =	sbr.rel @p1 .LBB2_20-.Ltmp9, $4  }
0x12c: {  	v6 =	vld [tilespmem:s15+$0x5E80];
	v10 =	vsub.f32 v7, v0;
	v11 =	vmul.f32 v11, v11  }
0x12d: {  	v7 =	vld [tilespmem:s15+$0x5E90];
	v12 =	vmul.f32 v9, v9;
	v13 =	vsub.f32 v5, v0  }
0x12e: {  	v5 =	vld [tilespmem:s15+$0x5EA0];
	v9 =	vmul.f32 v10, v10;
	v1 =	vadd.f32 v11, v1  }
0x12f: {  	v3 =	vadd.f32 v12, v3;
	v10 =	vmul.f32 v13, v13  }
0x130: {  	_ =	swait.ge [sflag:s0], $0x1F40  }
0x131: {  	[sflag:s0] =	ssyncset.done $0x0  }
0x132: {  	s14 =	simm.s32 $0x0;
	[sflag:s0] =	ssyncadd.s32 $0xFFFFE0C0  }
0x133: {  	[tilespmem:s5], [sflag:$0x4] =	stream.indirect.gather [hbm4b:s1+s3], $0x1, s14, s3, $0xb8;
	[tilespmem:$0xBD80] =	vst v63  }
0x134: {  	_ =	swait.ge [sflag:s11], $0x1F40  }
0x135: {  	[sflag:s11] =	ssyncset.done $0x0  }
0x136: {  	s15 =	simm.s32 $0x0;
	[sflag:s11] =	ssyncadd.s32 $0xFFFFE0C0  }
0x137: {  	[tilespmem:s30], [sflag:$0x2] =	stream.linear.gather [hbm4b:s18+s14], $0x1F40, $0x38;
	[tilespmem:$0xBD80] =	vst v63  }
0x138: {  	v11 =	vld [tilespmem:s15+$0x7E30]  }
0x139: {  	v4 =	vsub.f32 v4, v0;
	v6 =	vsub.f32 v6, v0;
	v12 =	vld [tilespmem:s15+$0x7E00]  }
0x13a: {  	v2 =	vadd.f32 v9, v2;
	v13 =	vld [tilespmem:s15+$0x7E10]  }
0x13b: {  	v7 =	vsub.f32 v7, v0;
	v4 =	vmul.f32 v4, v4;
	v6 =	vmul.f32 v6, v6;
	v9 =	vld [tilespmem:s15+$0x7E20]  }
0x13c: {  	v8 =	vadd.f32 v10, v8;
	v5 =	vsub.f32 v5, v0  }
0x13d: {  	v7 =	vmul.f32 v7, v7;
	v37 =	vadd.f32 v4, v1;
	v38 =	vadd.f32 v6, v3;
	s15 =	simm.s32 $0x40  }
0x13e: {  	v3 =	vmul.f32 v5, v5;
	v4 =	vld [tilespmem:s15+$0x7E30];
	v1 =	vsub.f32 v11, v0;
	v5 =	vsub.f32 v12, v0  }
0x13f: {  	v39 =	vadd.f32 v7, v2;
	v2 =	vimm.f32 $0.0e+00;
	v6 =	vld [tilespmem:s15+$0x7E00];
	v10 =	vsub.f32 v13, v0  }
0x140: {  	v7 =	vld [tilespmem:s15+$0x7E10];
	v63 =	vsub.f32 v9, v0;
	v1 =	vmul.f32 v1, v1;
	v11 =	vmul.f32 v5, v5  }
0x141: {  	v40 =	vadd.f32 v3, v8;
	v8 =	vimm.f32 $0.0e+00;
	v9 =	vmul.f32 v10, v10;
	v5 =	vld [tilespmem:s15+$0x7E20]  }
0x142: {  	s14 =	simm.s32 $0x200;
	v10 =	vmul.f32 v63, v63;
	v1 =	vadd.f32 v1, v2;
	v3 =	vadd.f32 v11, v2  }
.LBB2_22:
0x143: {  	s15 =	sshra.s32 s14, $0x2;
	p1 =	sne.s32 s14, $0x7C00;
	s14 =	sadd.s32 $0x100, s14;
	v11 =	vsub.f32 v4, v0;
	v2 =	vadd.f32 v9, v2  }
.Ltmp10:
0x144: {  	v4 =	vld [tilespmem:s15+$0x7E30];
	v9 =	vsub.f32 v6, v0;
	v8 =	vadd.f32 v10, v8;
	(pc) =	sbr.rel @p1 .LBB2_22-.Ltmp10, $4  }
0x145: {  	v6 =	vld [tilespmem:s15+$0x7E00];
	v10 =	vsub.f32 v7, v0;
	v11 =	vmul.f32 v11, v11  }
0x146: {  	v7 =	vld [tilespmem:s15+$0x7E10];
	v12 =	vmul.f32 v9, v9;
	v13 =	vsub.f32 v5, v0  }
0x147: {  	v5 =	vld [tilespmem:s15+$0x7E20];
	v9 =	vmul.f32 v10, v10;
	v1 =	vadd.f32 v11, v1  }
0x148: {  	v3 =	vadd.f32 v12, v3;
	v10 =	vmul.f32 v13, v13  }
0x149: {  	_ =	swait.ge [sflag:s6], $0x1F40  }
0x14a: {  	[sflag:s6] =	ssyncset.done $0x0  }
0x14b: {  	[sflag:s6] =	ssyncadd.s32 $0xFFFFE0C0  }
0x14c: {  	[tilespmem:s7], [sflag:$0x5] =	stream.indirect.gather [hbm4b:s1+s3], $0x1, s30, s3, $0xb8;
	[tilespmem:$0xBD80] =	vst v63  }
0x14d: {  	_ =	swait.ge [sflag:s29], $0x1F40  }
0x14e: {  	[sflag:s29] =	ssyncset.done $0x0  }
0x14f: {  	s14 =	simm.s32 $0x0;
	s15 =	simm.s32 $0x0;
	[sflag:s29] =	ssyncadd.s32 $0xFFFFE0C0  }
0x150: {  	[tilespmem:s31], [sflag:$0x3] =	stream.linear.gather [hbm4b:s19+s14], $0x1F40, $0x38;
	[tilespmem:$0xBD80] =	vst v63  }
0x151: {  	v11 =	vld [tilespmem:s15+$0x9DB0]  }
0x152: {  	v4 =	vsub.f32 v4, v0;
	v6 =	vsub.f32 v6, v0;
	v12 =	vld [tilespmem:s15+$0x9D80]  }
0x153: {  	v2 =	vadd.f32 v9, v2;
	v13 =	vld [tilespmem:s15+$0x9D90]  }
0x154: {  	v7 =	vsub.f32 v7, v0;
	v4 =	vmul.f32 v4, v4;
	v6 =	vmul.f32 v6, v6;
	v9 =	vld [tilespmem:s15+$0x9DA0]  }
0x155: {  	v8 =	vadd.f32 v10, v8;
	v5 =	vsub.f32 v5, v0  }
0x156: {  	v7 =	vmul.f32 v7, v7;
	v41 =	vadd.f32 v4, v1;
	v42 =	vadd.f32 v6, v3;
	s15 =	simm.s32 $0x40  }
0x157: {  	v3 =	vmul.f32 v5, v5;
	v4 =	vld [tilespmem:s15+$0x9DB0];
	v1 =	vsub.f32 v11, v0;
	v5 =	vsub.f32 v12, v0  }
0x158: {  	v43 =	vadd.f32 v7, v2;
	v2 =	vimm.f32 $0.0e+00;
	v6 =	vld [tilespmem:s15+$0x9D80];
	v10 =	vsub.f32 v13, v0  }
0x159: {  	v7 =	vld [tilespmem:s15+$0x9D90];
	v63 =	vsub.f32 v9, v0;
	v1 =	vmul.f32 v1, v1;
	v11 =	vmul.f32 v5, v5  }
0x15a: {  	v44 =	vadd.f32 v3, v8;
	v8 =	vimm.f32 $0.0e+00;
	v9 =	vmul.f32 v10, v10;
	v5 =	vld [tilespmem:s15+$0x9DA0]  }
0x15b: {  	s14 =	simm.s32 $0x200;
	v10 =	vmul.f32 v63, v63;
	v1 =	vadd.f32 v1, v2;
	v3 =	vadd.f32 v11, v2  }
.LBB2_24:
0x15c: {  	s15 =	sshra.s32 s14, $0x2;
	p1 =	sne.s32 s14, $0x7C00;
	s14 =	sadd.s32 $0x100, s14;
	v11 =	vsub.f32 v4, v0;
	v2 =	vadd.f32 v9, v2  }
.Ltmp11:
0x15d: {  	v4 =	vld [tilespmem:s15+$0x9DB0];
	v9 =	vsub.f32 v6, v0;
	v8 =	vadd.f32 v10, v8;
	(pc) =	sbr.rel @p1 .LBB2_24-.Ltmp11, $4  }
0x15e: {  	v6 =	vld [tilespmem:s15+$0x9D80];
	v10 =	vsub.f32 v7, v0;
	v11 =	vmul.f32 v11, v11  }
0x15f: {  	v7 =	vld [tilespmem:s15+$0x9D90];
	v12 =	vmul.f32 v9, v9;
	v13 =	vsub.f32 v5, v0  }
0x160: {  	v5 =	vld [tilespmem:s15+$0x9DA0];
	v9 =	vmul.f32 v10, v10;
	v1 =	vadd.f32 v11, v1  }
0x161: {  	v3 =	vadd.f32 v12, v3;
	v10 =	vmul.f32 v13, v13  }
0x162: {  	_ =	swait.ge [sflag:s8], $0x1F40  }
0x163: {  	[sflag:s8] =	ssyncset.done $0x0  }
0x164: {  	[sflag:s8] =	ssyncadd.s32 $0xFFFFE0C0  }
0x165: {  	[tilespmem:s9], [sflag:$0x6] =	stream.indirect.gather [hbm4b:s1+s3], $0x1, s31, s3, $0xb8;
	[tilespmem:$0xBD80] =	vst v63  }
0x166: {  	_ =	swait.ge [sflag:s10], $0x1F40  }
0x167: {  	[sflag:s10] =	ssyncset.done $0x0  }
0x168: {  	s14 =	simm.s32 $0x0;
	s15 =	simm.s32 $0x0;
	[sflag:s10] =	ssyncadd.s32 $0xFFFFE0C0  }
0x169: {  	[tilespmem:s14], [sflag:$0x1] =	stream.linear.gather [hbm4b:s21+s14], $0x1F40, $0x38;
	[tilespmem:$0xBD80] =	vst v63  }
0x16a: {  	v11 =	vld [tilespmem:s15+$0x5EB0]  }
0x16b: {  	v4 =	vsub.f32 v4, v0;
	v6 =	vsub.f32 v6, v0;
	v12 =	vld [tilespmem:s15+$0x5E80]  }
0x16c: {  	v2 =	vadd.f32 v9, v2;
	v13 =	vld [tilespmem:s15+$0x5E90]  }
0x16d: {  	v7 =	vsub.f32 v7, v0;
	v4 =	vmul.f32 v4, v4;
	v6 =	vmul.f32 v6, v6;
	v9 =	vld [tilespmem:s15+$0x5EA0]  }
0x16e: {  	v8 =	vadd.f32 v10, v8;
	v5 =	vsub.f32 v5, v0  }
0x16f: {  	v7 =	vmul.f32 v7, v7;
	v45 =	vadd.f32 v4, v1;
	v46 =	vadd.f32 v6, v3;
	s15 =	simm.s32 $0x40  }
0x170: {  	v3 =	vmul.f32 v5, v5;
	v4 =	vld [tilespmem:s15+$0x5EB0];
	v1 =	vsub.f32 v11, v0;
	v5 =	vsub.f32 v12, v0  }
0x171: {  	v47 =	vadd.f32 v7, v2;
	v2 =	vimm.f32 $0.0e+00;
	v6 =	vld [tilespmem:s15+$0x5E80];
	v10 =	vsub.f32 v13, v0  }
0x172: {  	v7 =	vld [tilespmem:s15+$0x5E90];
	v63 =	vsub.f32 v9, v0;
	v1 =	vmul.f32 v1, v1;
	v11 =	vmul.f32 v5, v5  }
0x173: {  	v48 =	vadd.f32 v3, v8;
	v8 =	vimm.f32 $0.0e+00;
	v9 =	vmul.f32 v10, v10;
	v5 =	vld [tilespmem:s15+$0x5EA0]  }
0x174: {  	s14 =	simm.s32 $0x200;
	v10 =	vmul.f32 v63, v63;
	v1 =	vadd.f32 v1, v2;
	v3 =	vadd.f32 v11, v2  }
.LBB2_26:
0x175: {  	s15 =	sshra.s32 s14, $0x2;
	p1 =	sne.s32 s14, $0x7C00;
	s14 =	sadd.s32 $0x100, s14;
	v11 =	vsub.f32 v4, v0;
	v2 =	vadd.f32 v9, v2  }
.Ltmp12:
0x176: {  	v4 =	vld [tilespmem:s15+$0x5EB0];
	v9 =	vsub.f32 v6, v0;
	v8 =	vadd.f32 v10, v8;
	(pc) =	sbr.rel @p1 .LBB2_26-.Ltmp12, $4  }
0x177: {  	v6 =	vld [tilespmem:s15+$0x5E80];
	v10 =	vsub.f32 v7, v0;
	v11 =	vmul.f32 v11, v11  }
0x178: {  	v7 =	vld [tilespmem:s15+$0x5E90];
	v12 =	vmul.f32 v9, v9;
	v13 =	vsub.f32 v5, v0  }
0x179: {  	v5 =	vld [tilespmem:s15+$0x5EA0];
	v9 =	vmul.f32 v10, v10;
	v1 =	vadd.f32 v11, v1  }
0x17a: {  	v3 =	vadd.f32 v12, v3;
	v10 =	vmul.f32 v13, v13  }
0x17b: {  	_ =	swait.ge [sflag:s0], $0x1F40  }
0x17c: {  	[sflag:s0] =	ssyncset.done $0x0  }
0x17d: {  	s14 =	simm.s32 $0x0;
	[sflag:s0] =	ssyncadd.s32 $0xFFFFE0C0  }
0x17e: {  	[tilespmem:s5], [sflag:$0x4] =	stream.indirect.gather [hbm4b:s1+s3], $0x1, s14, s3, $0xb8;
	[tilespmem:$0xBD80] =	vst v63  }
0x17f: {  	_ =	swait.ge [sflag:s11], $0x1F40  }
0x180: {  	[sflag:s11] =	ssyncset.done $0x0  }
0x181: {  	s15 =	simm.s32 $0x0;
	[sflag:s11] =	ssyncadd.s32 $0xFFFFE0C0  }
0x182: {  	[tilespmem:s30], [sflag:$0x2] =	stream.linear.gather [hbm4b:s22+s14], $0x1F40, $0x38;
	[tilespmem:$0xBD80] =	vst v63  }
0x183: {  	v11 =	vld [tilespmem:s15+$0x7E30]  }
0x184: {  	v4 =	vsub.f32 v4, v0;
	v6 =	vsub.f32 v6, v0;
	v12 =	vld [tilespmem:s15+$0x7E00]  }
0x185: {  	v2 =	vadd.f32 v9, v2;
	v13 =	vld [tilespmem:s15+$0x7E10]  }
0x186: {  	v7 =	vsub.f32 v7, v0;
	v4 =	vmul.f32 v4, v4;
	v6 =	vmul.f32 v6, v6;
	v9 =	vld [tilespmem:s15+$0x7E20]  }
0x187: {  	v8 =	vadd.f32 v10, v8;
	v5 =	vsub.f32 v5, v0  }
0x188: {  	v7 =	vmul.f32 v7, v7;
	v49 =	vadd.f32 v4, v1;
	v50 =	vadd.f32 v6, v3;
	s15 =	simm.s32 $0x40  }
0x189: {  	v3 =	vmul.f32 v5, v5;
	v4 =	vld [tilespmem:s15+$0x7E30];
	v1 =	vsub.f32 v11, v0;
	v5 =	vsub.f32 v12, v0  }
0x18a: {  	v51 =	vadd.f32 v7, v2;
	v2 =	vimm.f32 $0.0e+00;
	v6 =	vld [tilespmem:s15+$0x7E00];
	v10 =	vsub.f32 v13, v0  }
0x18b: {  	v7 =	vld [tilespmem:s15+$0x7E10];
	v63 =	vsub.f32 v9, v0;
	v1 =	vmul.f32 v1, v1;
	v11 =	vmul.f32 v5, v5  }
0x18c: {  	v52 =	vadd.f32 v3, v8;
	v8 =	vimm.f32 $0.0e+00;
	v9 =	vmul.f32 v10, v10;
	v5 =	vld [tilespmem:s15+$0x7E20]  }
0x18d: {  	s14 =	simm.s32 $0x200;
	v10 =	vmul.f32 v63, v63;
	v1 =	vadd.f32 v1, v2;
	v3 =	vadd.f32 v11, v2  }
.LBB2_28:
0x18e: {  	s15 =	sshra.s32 s14, $0x2;
	p1 =	sne.s32 s14, $0x7C00;
	s14 =	sadd.s32 $0x100, s14;
	v11 =	vsub.f32 v4, v0;
	v2 =	vadd.f32 v9, v2  }
.Ltmp13:
0x18f: {  	v4 =	vld [tilespmem:s15+$0x7E30];
	v9 =	vsub.f32 v6, v0;
	v8 =	vadd.f32 v10, v8;
	(pc) =	sbr.rel @p1 .LBB2_28-.Ltmp13, $4  }
0x190: {  	v6 =	vld [tilespmem:s15+$0x7E00];
	v10 =	vsub.f32 v7, v0;
	v11 =	vmul.f32 v11, v11  }
0x191: {  	v7 =	vld [tilespmem:s15+$0x7E10];
	v12 =	vmul.f32 v9, v9;
	v13 =	vsub.f32 v5, v0  }
0x192: {  	v5 =	vld [tilespmem:s15+$0x7E20];
	v9 =	vmul.f32 v10, v10;
	v1 =	vadd.f32 v11, v1  }
0x193: {  	v3 =	vadd.f32 v12, v3;
	v10 =	vmul.f32 v13, v13  }
0x194: {  	_ =	swait.ge [sflag:s6], $0x1F40  }
0x195: {  	[sflag:s6] =	ssyncset.done $0x0  }
0x196: {  	[sflag:s6] =	ssyncadd.s32 $0xFFFFE0C0  }
0x197: {  	[tilespmem:s7], [sflag:$0x5] =	stream.indirect.gather [hbm4b:s1+s3], $0x1, s30, s3, $0xb8;
	[tilespmem:$0xBD80] =	vst v63  }
0x198: {  	_ =	swait.ge [sflag:s29], $0x1F40  }
0x199: {  	[sflag:s29] =	ssyncset.done $0x0  }
0x19a: {  	s14 =	simm.s32 $0x0;
	s15 =	simm.s32 $0x0;
	[sflag:s29] =	ssyncadd.s32 $0xFFFFE0C0  }
0x19b: {  	[tilespmem:s31], [sflag:$0x3] =	stream.linear.gather [hbm4b:s23+s14], $0x1F40, $0x38;
	[tilespmem:$0xBD80] =	vst v63  }
0x19c: {  	v11 =	vld [tilespmem:s15+$0x9DB0]  }
0x19d: {  	v4 =	vsub.f32 v4, v0;
	v6 =	vsub.f32 v6, v0;
	v12 =	vld [tilespmem:s15+$0x9D80]  }
0x19e: {  	v2 =	vadd.f32 v9, v2;
	v13 =	vld [tilespmem:s15+$0x9D90]  }
0x19f: {  	v7 =	vsub.f32 v7, v0;
	v4 =	vmul.f32 v4, v4;
	v6 =	vmul.f32 v6, v6;
	v9 =	vld [tilespmem:s15+$0x9DA0]  }
0x1a0: {  	v8 =	vadd.f32 v10, v8;
	v5 =	vsub.f32 v5, v0  }
0x1a1: {  	v7 =	vmul.f32 v7, v7;
	v53 =	vadd.f32 v4, v1;
	v54 =	vadd.f32 v6, v3;
	s15 =	simm.s32 $0x40  }
0x1a2: {  	v3 =	vmul.f32 v5, v5;
	v4 =	vld [tilespmem:s15+$0x9DB0];
	v1 =	vsub.f32 v11, v0;
	v5 =	vsub.f32 v12, v0  }
0x1a3: {  	v55 =	vadd.f32 v7, v2;
	v2 =	vimm.f32 $0.0e+00;
	v6 =	vld [tilespmem:s15+$0x9D80];
	v10 =	vsub.f32 v13, v0  }
0x1a4: {  	v7 =	vld [tilespmem:s15+$0x9D90];
	v63 =	vsub.f32 v9, v0;
	v1 =	vmul.f32 v1, v1;
	v11 =	vmul.f32 v5, v5  }
0x1a5: {  	v56 =	vadd.f32 v3, v8;
	v8 =	vimm.f32 $0.0e+00;
	v9 =	vmul.f32 v10, v10;
	v5 =	vld [tilespmem:s15+$0x9DA0]  }
0x1a6: {  	s14 =	simm.s32 $0x200;
	v10 =	vmul.f32 v63, v63;
	v1 =	vadd.f32 v1, v2;
	v3 =	vadd.f32 v11, v2  }
.LBB2_30:
0x1a7: {  	s15 =	sshra.s32 s14, $0x2;
	p1 =	sne.s32 s14, $0x7C00;
	s14 =	sadd.s32 $0x100, s14;
	v11 =	vsub.f32 v4, v0;
	v2 =	vadd.f32 v9, v2  }
.Ltmp14:
0x1a8: {  	v4 =	vld [tilespmem:s15+$0x9DB0];
	v9 =	vsub.f32 v6, v0;
	v8 =	vadd.f32 v10, v8;
	(pc) =	sbr.rel @p1 .LBB2_30-.Ltmp14, $4  }
0x1a9: {  	v6 =	vld [tilespmem:s15+$0x9D80];
	v10 =	vsub.f32 v7, v0;
	v11 =	vmul.f32 v11, v11  }
0x1aa: {  	v7 =	vld [tilespmem:s15+$0x9D90];
	v12 =	vmul.f32 v9, v9;
	v13 =	vsub.f32 v5, v0  }
0x1ab: {  	v5 =	vld [tilespmem:s15+$0x9DA0];
	v9 =	vmul.f32 v10, v10;
	v1 =	vadd.f32 v11, v1  }
0x1ac: {  	v3 =	vadd.f32 v12, v3;
	v10 =	vmul.f32 v13, v13  }
0x1ad: {  	_ =	swait.ge [sflag:s8], $0x1F40  }
0x1ae: {  	[sflag:s8] =	ssyncset.done $0x0  }
0x1af: {  	[sflag:s8] =	ssyncadd.s32 $0xFFFFE0C0  }
0x1b0: {  	[tilespmem:s9], [sflag:$0x6] =	stream.indirect.gather [hbm4b:s1+s3], $0x1, s31, s3, $0xb8;
	[tilespmem:$0xBD80] =	vst v63  }
0x1b1: {  	_ =	swait.ge [sflag:s10], $0x1F40  }
0x1b2: {  	[sflag:s10] =	ssyncset.done $0x0  }
0x1b3: {  	s14 =	simm.s32 $0x0;
	s15 =	simm.s32 $0x0;
	[sflag:s10] =	ssyncadd.s32 $0xFFFFE0C0  }
0x1b4: {  	[tilespmem:s14], [sflag:$0x1] =	stream.linear.gather [hbm4b:s24+s14], $0x1F40, $0x38;
	[tilespmem:$0xBD80] =	vst v63  }
0x1b5: {  	v11 =	vld [tilespmem:s15+$0x5EB0]  }
0x1b6: {  	v4 =	vsub.f32 v4, v0;
	v6 =	vsub.f32 v6, v0;
	v12 =	vld [tilespmem:s15+$0x5E80]  }
0x1b7: {  	v2 =	vadd.f32 v9, v2;
	v13 =	vld [tilespmem:s15+$0x5E90]  }
0x1b8: {  	v7 =	vsub.f32 v7, v0;
	v4 =	vmul.f32 v4, v4;
	v6 =	vmul.f32 v6, v6;
	v9 =	vld [tilespmem:s15+$0x5EA0]  }
0x1b9: {  	v8 =	vadd.f32 v10, v8;
	v5 =	vsub.f32 v5, v0  }
0x1ba: {  	v7 =	vmul.f32 v7, v7;
	v57 =	vadd.f32 v4, v1;
	v58 =	vadd.f32 v6, v3;
	s15 =	simm.s32 $0x40  }
0x1bb: {  	v3 =	vmul.f32 v5, v5;
	v4 =	vld [tilespmem:s15+$0x5EB0];
	v1 =	vsub.f32 v11, v0;
	v5 =	vsub.f32 v12, v0  }
0x1bc: {  	v59 =	vadd.f32 v7, v2;
	v2 =	vimm.f32 $0.0e+00;
	v6 =	vld [tilespmem:s15+$0x5E80];
	v10 =	vsub.f32 v13, v0  }
0x1bd: {  	v7 =	vld [tilespmem:s15+$0x5E90];
	v23 =	vsub.f32 v9, v0;
	v1 =	vmul.f32 v1, v1;
	v11 =	vmul.f32 v5, v5  }
0x1be: {  	v60 =	vadd.f32 v3, v8;
	v8 =	vimm.f32 $0.0e+00;
	v9 =	vmul.f32 v10, v10;
	v5 =	vld [tilespmem:s15+$0x5EA0]  }
0x1bf: {  	s14 =	simm.s32 $0x200;
	v10 =	vmul.f32 v23, v23;
	v1 =	vadd.f32 v1, v2;
	v3 =	vadd.f32 v11, v2  }
.LBB2_32:
0x1c0: {  	s15 =	sshra.s32 s14, $0x2;
	p1 =	sne.s32 s14, $0x7C00;
	s14 =	sadd.s32 $0x100, s14;
	v11 =	vsub.f32 v4, v0;
	v2 =	vadd.f32 v9, v2  }
.Ltmp15:
0x1c1: {  	v4 =	vld [tilespmem:s15+$0x5EB0];
	v9 =	vsub.f32 v6, v0;
	v8 =	vadd.f32 v10, v8;
	(pc) =	sbr.rel @p1 .LBB2_32-.Ltmp15, $4  }
0x1c2: {  	v6 =	vld [tilespmem:s15+$0x5E80];
	v10 =	vsub.f32 v7, v0;
	v11 =	vmul.f32 v11, v11  }
0x1c3: {  	v7 =	vld [tilespmem:s15+$0x5E90];
	v12 =	vmul.f32 v9, v9;
	v13 =	vsub.f32 v5, v0  }
0x1c4: {  	v5 =	vld [tilespmem:s15+$0x5EA0];
	v9 =	vmul.f32 v10, v10;
	v1 =	vadd.f32 v11, v1  }
0x1c5: {  	v3 =	vadd.f32 v12, v3;
	v10 =	vmul.f32 v13, v13  }
0x1c6: {  	_ =	swait.ge [sflag:s0], $0x1F40  }
0x1c7: {  	[sflag:s0] =	ssyncset.done $0x0  }
0x1c8: {  	s14 =	simm.s32 $0x0;
	[sflag:s0] =	ssyncadd.s32 $0xFFFFE0C0  }
0x1c9: {  	[tilespmem:s5], [sflag:$0x4] =	stream.indirect.gather [hbm4b:s1+s3], $0x1, s14, s3, $0xb8;
	[tilespmem:$0xBD80] =	vst v63  }
0x1ca: {  	_ =	swait.ge [sflag:s11], $0x1F40  }
0x1cb: {  	[sflag:s11] =	ssyncset.done $0x0  }
0x1cc: {  	s15 =	simm.s32 $0x0;
	[sflag:s11] =	ssyncadd.s32 $0xFFFFE0C0  }
0x1cd: {  	[tilespmem:s30], [sflag:$0x2] =	stream.linear.gather [hbm4b:s25+s14], $0x1090, $0x38;
	[tilespmem:$0xBD80] =	vst v63  }
0x1ce: {  	v4 =	vsub.f32 v4, v0;
	v11 =	vld [tilespmem:s15+$0x7E30]  }
0x1cf: {  	v6 =	vsub.f32 v6, v0;
	v12 =	vld [tilespmem:s15+$0x7E00]  }
0x1d0: {  	v2 =	vadd.f32 v9, v2;
	v4 =	vmul.f32 v4, v4;
	v13 =	vld [tilespmem:s15+$0x7E10]  }
0x1d1: {  	v8 =	vadd.f32 v10, v8;
	v7 =	vsub.f32 v7, v0;
	v6 =	vmul.f32 v6, v6;
	v9 =	vld [tilespmem:s15+$0x7E20]  }
0x1d2: {  	v5 =	vsub.f32 v5, v0;
	v61 =	vadd.f32 v4, v1  }
0x1d3: {  	v7 =	vmul.f32 v7, v7;
	v62 =	vadd.f32 v6, v3;
	s15 =	simm.s32 $0x40;
	v1 =	vsub.f32 v11, v0  }
0x1d4: {  	v4 =	vmul.f32 v5, v5;
	v3 =	vimm.f32 $0.0e+00;
	v5 =	vld [tilespmem:s15+$0x7E30];
	v6 =	vsub.f32 v12, v0  }
0x1d5: {  	v63 =	vadd.f32 v7, v2;
	v7 =	vld [tilespmem:s15+$0x7E00];
	v2 =	vsub.f32 v13, v0;
	v11 =	vmul.f32 v1, v1  }
0x1d6: {  	v9 =	vsub.f32 v9, v0;
	v12 =	vmul.f32 v6, v6;
	v1 =	vadd.f32 v4, v8;
	v8 =	vld [tilespmem:s15+$0x7E10]  }
0x1d7: {  	v10 =	vmul.f32 v2, v2;
	v6 =	vld [tilespmem:s15+$0x7E20];
	v2 =	vadd.f32 v11, v3  }
0x1d8: {  	s14 =	simm.s32 $0x200;
	v4 =	vadd.f32 v12, v3;
	v11 =	vmul.f32 v9, v9;
	v9 =	vimm.f32 $0.0e+00  }
.LBB2_34:
0x1d9: {  	s15 =	sshra.s32 s14, $0x2;
	p1 =	sne.s32 s14, $0x7C00;
	s14 =	sadd.s32 $0x100, s14;
	v12 =	vsub.f32 v5, v0;
	v3 =	vadd.f32 v10, v3  }
.Ltmp16:
0x1da: {  	v5 =	vld [tilespmem:s15+$0x7E30];
	v10 =	vsub.f32 v7, v0;
	v9 =	vadd.f32 v11, v9;
	(pc) =	sbr.rel @p1 .LBB2_34-.Ltmp16, $4  }
0x1db: {  	v7 =	vld [tilespmem:s15+$0x7E00];
	v11 =	vsub.f32 v8, v0;
	v12 =	vmul.f32 v12, v12  }
0x1dc: {  	v8 =	vld [tilespmem:s15+$0x7E10];
	v13 =	vmul.f32 v10, v10;
	v14 =	vsub.f32 v6, v0  }
0x1dd: {  	v6 =	vld [tilespmem:s15+$0x7E20];
	v10 =	vmul.f32 v11, v11;
	v2 =	vadd.f32 v12, v2  }
0x1de: {  	v4 =	vadd.f32 v13, v4;
	v11 =	vmul.f32 v14, v14  }
0x1df: {  	_ =	swait.ge [sflag:s6], $0x1090  }
0x1e0: {  	[sflag:s6] =	ssyncset.done $0x0  }
0x1e1: {  	s14 =	simm.s32 $0x1090;
	[sflag:s6] =	ssyncadd.s32 $0xFFFFEF70  }
0x1e2: {  	[tilespmem:s7], [sflag:$0x5] =	stream.indirect.gather [hbm4b:s1+s14], $0x1, s30, s14, $0xb8;
	[tilespmem:$0xBD80] =	vst v63  }
0x1e3: {  	_ =	swait.ge [sflag:s29], $0x1F40  }
0x1e4: {  	[sflag:s29] =	ssyncset.done $0x0  }
0x1e5: {  	s15 =	simm.s32 $0x0;
	[sflag:s29] =	ssyncadd.s32 $0xFFFFE0C0  }
0x1e6: {  	[tilespmem:s31], [sflag:$0x3] =	stream.linear.gather [hbm4b:s26+s15], $0xA0, $0x38;
	[tilespmem:$0xBD80] =	vst v63  }
0x1e7: {  	s15 =	simm.s32 $0x0  }
0x1e8: {  	v12 =	vld [tilespmem:s15+$0x9DB0]  }
0x1e9: {  	v5 =	vsub.f32 v5, v0;
	v10 =	vadd.f32 v10, v3;
	v13 =	vld [tilespmem:s15+$0x9D80]  }
0x1ea: {  	v7 =	vsub.f32 v7, v0;
	v3 =	vsub.f32 v8, v0;
	v14 =	vld [tilespmem:s15+$0x9D90]  }
0x1eb: {  	v5 =	vmul.f32 v5, v5;
	v8 =	vld [tilespmem:s15+$0x9DA0]  }
0x1ec: {  	v15 =	vadd.f32 v11, v9;
	v7 =	vmul.f32 v7, v7;
	v9 =	vmul.f32 v3, v3  }
0x1ed: {  	v6 =	vsub.f32 v6, v0;
	v2 =	vadd.f32 v5, v2  }
0x1ee: {  	v3 =	vadd.f32 v7, v4;
	v4 =	vadd.f32 v9, v10;
	s15 =	simm.s32 $0x40  }
0x1ef: {  	v9 =	vld [tilespmem:s15+$0x9DB0];
	v5 =	vsub.f32 v12, v0;
	v12 =	vsub.f32 v13, v0  }
0x1f0: {  	v6 =	vmul.f32 v6, v6;
	v11 =	vld [tilespmem:s15+$0x9D80];
	v10 =	vsub.f32 v14, v0;
	v17 =	vsub.f32 v8, v0  }
0x1f1: {  	v7 =	vimm.f32 $0.0e+00;
	v13 =	vmul.f32 v5, v5;
	v16 =	vmul.f32 v12, v12;
	v12 =	vld [tilespmem:s15+$0x9D90]  }
0x1f2: {  	v5 =	vadd.f32 v6, v15;
	v14 =	vmul.f32 v10, v10;
	v10 =	vld [tilespmem:s15+$0x9DA0];
	v15 =	vmul.f32 v17, v17  }
0x1f3: {  	s14 =	simm.s32 $0x200;
	v6 =	vadd.f32 v13, v7;
	v8 =	vadd.f32 v16, v7;
	v13 =	vimm.f32 $0.0e+00  }
.LBB2_36:
0x1f4: {  	s15 =	sshra.s32 s14, $0x2;
	p1 =	sne.s32 s14, $0x7C00;
	s14 =	sadd.s32 $0x100, s14;
	v16 =	vsub.f32 v9, v0;
	v7 =	vadd.f32 v14, v7  }
.Ltmp17:
0x1f5: {  	v9 =	vld [tilespmem:s15+$0x9DB0];
	v14 =	vsub.f32 v11, v0;
	v13 =	vadd.f32 v15, v13;
	(pc) =	sbr.rel @p1 .LBB2_36-.Ltmp17, $4  }
0x1f6: {  	v11 =	vld [tilespmem:s15+$0x9D80];
	v15 =	vsub.f32 v12, v0;
	v16 =	vmul.f32 v16, v16  }
0x1f7: {  	v12 =	vld [tilespmem:s15+$0x9D90];
	v17 =	vmul.f32 v14, v14;
	v18 =	vsub.f32 v10, v0  }
0x1f8: {  	v10 =	vld [tilespmem:s15+$0x9DA0];
	v14 =	vmul.f32 v15, v15;
	v6 =	vadd.f32 v16, v6  }
0x1f9: {  	v8 =	vadd.f32 v17, v8;
	v15 =	vmul.f32 v18, v18  }
0x1fa: {  	_ =	swait.ge [sflag:s8], $0xA0  }
0x1fb: {  	[sflag:s8] =	ssyncset.done $0x0  }
0x1fc: {  	s14 =	simm.s32 $0xA0;
	[sflag:s8] =	ssyncadd.s32 $0xFFFFFF60  }
0x1fd: {  	[tilespmem:s9], [sflag:$0x6] =	stream.indirect.gather [hbm4b:s1+s14], $0x1, s31, s14, $0xb8;
	[tilespmem:$0xBD80] =	vst v63  }
0x1fe: {  	_ =	swait.ge [sflag:s10], $0x1F40  }
0x1ff: {  	[sflag:s10] =	ssyncset.done $0x0  }
0x200: {  	s15 =	simm.s32 $0x0;
	[sflag:s10] =	ssyncadd.s32 $0xFFFFE0C0  }
0x201: {  	v16 =	vld [tilespmem:s15+$0x5EB0]  }
0x202: {  	v9 =	vsub.f32 v9, v0;
	v14 =	vadd.f32 v14, v7;
	v17 =	vld [tilespmem:s15+$0x5E80]  }
0x203: {  	v11 =	vsub.f32 v11, v0;
	v7 =	vsub.f32 v12, v0;
	v18 =	vld [tilespmem:s15+$0x5E90]  }
0x204: {  	v9 =	vmul.f32 v9, v9;
	v12 =	vld [tilespmem:s15+$0x5EA0]  }
0x205: {  	v19 =	vadd.f32 v15, v13;
	v11 =	vmul.f32 v11, v11;
	v13 =	vmul.f32 v7, v7  }
0x206: {  	v10 =	vsub.f32 v10, v0;
	v6 =	vadd.f32 v9, v6  }
0x207: {  	v7 =	vadd.f32 v11, v8;
	v8 =	vadd.f32 v13, v14;
	s15 =	simm.s32 $0x40  }
0x208: {  	v13 =	vld [tilespmem:s15+$0x5EB0];
	v9 =	vsub.f32 v16, v0;
	v16 =	vsub.f32 v17, v0  }
0x209: {  	v10 =	vmul.f32 v10, v10;
	v15 =	vld [tilespmem:s15+$0x5E80];
	v14 =	vsub.f32 v18, v0;
	v21 =	vsub.f32 v12, v0  }
0x20a: {  	v11 =	vimm.f32 $0.0e+00;
	v17 =	vmul.f32 v9, v9;
	v20 =	vmul.f32 v16, v16;
	v16 =	vld [tilespmem:s15+$0x5E90]  }
0x20b: {  	v9 =	vadd.f32 v10, v19;
	v18 =	vmul.f32 v14, v14;
	v14 =	vld [tilespmem:s15+$0x5EA0];
	v19 =	vmul.f32 v21, v21  }
0x20c: {  	s14 =	simm.s32 $0x200;
	v10 =	vadd.f32 v17, v11;
	v12 =	vadd.f32 v20, v11;
	v17 =	vimm.f32 $0.0e+00  }
.LBB2_38:
0x20d: {  	s15 =	sshra.s32 s14, $0x2;
	p1 =	sne.s32 s14, $0x7C00;
	s14 =	sadd.s32 $0x100, s14;
	v20 =	vsub.f32 v13, v0;
	v11 =	vadd.f32 v18, v11  }
.Ltmp18:
0x20e: {  	v13 =	vld [tilespmem:s15+$0x5EB0];
	v18 =	vsub.f32 v15, v0;
	v17 =	vadd.f32 v19, v17;
	(pc) =	sbr.rel @p1 .LBB2_38-.Ltmp18, $4  }
0x20f: {  	v15 =	vld [tilespmem:s15+$0x5E80];
	v19 =	vsub.f32 v16, v0;
	v20 =	vmul.f32 v20, v20  }
0x210: {  	v16 =	vld [tilespmem:s15+$0x5E90];
	v21 =	vmul.f32 v18, v18;
	v22 =	vsub.f32 v14, v0  }
0x211: {  	v14 =	vld [tilespmem:s15+$0x5EA0];
	v18 =	vmul.f32 v19, v19;
	v10 =	vadd.f32 v20, v10  }
0x212: {  	v12 =	vadd.f32 v21, v12;
	v19 =	vmul.f32 v22, v22  }
0x213: {  	_ =	swait.ge [sflag:s11], $0x1090  }
0x214: {  	[sflag:s11] =	ssyncset.done $0x0  }
0x215: {  	s14 =	simm.s32 $0x0;
	[sflag:s11] =	ssyncadd.s32 $0xFFFFEF70  }
0x216: {  	v20 =	vld [tilespmem:s14+$0x7E30]  }
0x217: {  	v13 =	vsub.f32 v13, v0;
	v18 =	vadd.f32 v18, v11;
	v21 =	vld [tilespmem:s14+$0x7E00]  }
0x218: {  	v15 =	vsub.f32 v15, v0;
	v11 =	vsub.f32 v16, v0;
	v22 =	vld [tilespmem:s14+$0x7E10]  }
0x219: {  	v13 =	vmul.f32 v13, v13;
	v16 =	vld [tilespmem:s14+$0x7E20]  }
0x21a: {  	v17 =	vadd.f32 v19, v17;
	v15 =	vmul.f32 v15, v15;
	v19 =	vmul.f32 v11, v11  }
0x21b: {  	v14 =	vsub.f32 v14, v0;
	v10 =	vadd.f32 v13, v10  }
0x21c: {  	s15 =	simm.s32 $0x40;
	v11 =	vadd.f32 v15, v12;
	v12 =	vadd.f32 v19, v18  }
0x21d: {  	v14 =	vmul.f32 v14, v14;
	v18 =	vld [tilespmem:s15+$0x7E30];
	v13 =	vsub.f32 v20, v0;
	v15 =	vsub.f32 v21, v0  }
0x21e: {  	v19 =	vld [tilespmem:s15+$0x7E00];
	v21 =	vsub.f32 v22, v0;
	v25 =	vsub.f32 v16, v0  }
0x21f: {  	v22 =	vmul.f32 v13, v13;
	v24 =	vmul.f32 v15, v15;
	v13 =	vadd.f32 v14, v17;
	v14 =	vld [tilespmem:s15+$0x7E10]  }
0x220: {  	v20 =	vimm.f32 $0.0e+00;
	v23 =	vmul.f32 v21, v21;
	v15 =	vld [tilespmem:s15+$0x7E20];
	v21 =	vimm.f32 $0.0e+00  }
0x221: {  	s14 =	simm.s32 $0x200;
	v16 =	vadd.f32 v22, v20;
	v17 =	vadd.f32 v24, v20;
	v22 =	vmul.f32 v25, v25  }
.LBB2_40:
0x222: {  	s15 =	sshra.s32 s14, $0x2;
	p1 =	sne.s32 s14, $0x4100;
	s14 =	sadd.s32 $0x100, s14;
	v24 =	vsub.f32 v18, v0;
	v20 =	vadd.f32 v23, v20  }
.Ltmp19:
0x223: {  	v18 =	vld [tilespmem:s15+$0x7E30];
	v23 =	vsub.f32 v19, v0;
	v21 =	vadd.f32 v22, v21;
	(pc) =	sbr.rel @p1 .LBB2_40-.Ltmp19, $4  }
0x224: {  	v19 =	vld [tilespmem:s15+$0x7E00];
	v22 =	vsub.f32 v14, v0;
	v24 =	vmul.f32 v24, v24  }
0x225: {  	v14 =	vld [tilespmem:s15+$0x7E10];
	v25 =	vmul.f32 v23, v23;
	v26 =	vsub.f32 v15, v0  }
0x226: {  	v15 =	vld [tilespmem:s15+$0x7E20];
	v23 =	vmul.f32 v22, v22;
	v16 =	vadd.f32 v24, v16  }
0x227: {  	v17 =	vadd.f32 v25, v17;
	v22 =	vmul.f32 v26, v26  }
0x228: {  	v24 =	vld [tilespmem:$0x1FFD0]  }
0x229: {  	v25 =	vld [tilespmem:$0x1FFE0]  }
0x22a: {  	v28 =	vld [tilespmem:$0x1FFF0];
	_ =	sdelay $0x3  }
0x22b: {  	v26 =	vld [tilespmem:$0x1FFA0]  }
0x22c: {  	v24 =	vadd.f32 v25, v24;
	v25 =	vadd.f32 v27, v28;
	v27 =	vld [tilespmem:$0x1FFB0];
	_ =	sdelay $0x3  }
0x22d: {  	v28 =	vld [tilespmem:$0x1FFC0]  }
0x22e: {  	v26 =	vadd.f32 v27, v26;
	v27 =	vld [tilespmem:$0x1FF90];
	_ =	sdelay $0x4  }
0x22f: {  	v27 =	vadd.f32 v27, v28;
	_ =	sdelay $0x1  }
0x230: {  	v24 =	vadd.f32 v25, v24;
	v25 =	vadd.f32 v27, v26;
	v26 =	vld [tilespmem:$0x1FF60]  }
0x231: {  	v27 =	vld [tilespmem:$0x1FF70];
	_ =	sdelay $0x3  }
0x232: {  	v28 =	vld [tilespmem:$0x1FF80]  }
0x233: {  	v26 =	vadd.f32 v27, v26;
	v27 =	vld [tilespmem:$0x1FF50];
	_ =	sdelay $0x4  }
0x234: {  	v27 =	vadd.f32 v27, v28;
	_ =	sdelay $0x1  }
0x235: {  	v24 =	vadd.f32 v25, v24;
	v25 =	vadd.f32 v27, v26;
	v26 =	vld [tilespmem:$0x1FF20]  }
0x236: {  	v27 =	vld [tilespmem:$0x1FF30];
	_ =	sdelay $0x3  }
0x237: {  	v28 =	vld [tilespmem:$0x1FF40]  }
0x238: {  	v26 =	vadd.f32 v27, v26;
	v27 =	vld [tilespmem:$0x1FF10];
	_ =	sdelay $0x4  }
0x239: {  	v27 =	vadd.f32 v27, v28;
	_ =	sdelay $0x1  }
0x23a: {  	v24 =	vadd.f32 v25, v24;
	v25 =	vadd.f32 v27, v26;
	v26 =	vld [tilespmem:$0x1FEE0]  }
0x23b: {  	v27 =	vld [tilespmem:$0x1FEF0];
	_ =	sdelay $0x3  }
0x23c: {  	v28 =	vld [tilespmem:$0x1FF00]  }
0x23d: {  	v26 =	vadd.f32 v27, v26;
	v27 =	vld [tilespmem:$0x1FED0];
	_ =	sdelay $0x4  }
0x23e: {  	v27 =	vadd.f32 v27, v28;
	_ =	sdelay $0x1  }
0x23f: {  	v24 =	vadd.f32 v25, v24;
	v25 =	vadd.f32 v27, v26;
	v26 =	vld [tilespmem:$0x1FEA0]  }
0x240: {  	v27 =	vld [tilespmem:$0x1FEB0];
	_ =	sdelay $0x3  }
0x241: {  	v28 =	vld [tilespmem:$0x1FEC0]  }
0x242: {  	v26 =	vadd.f32 v27, v26;
	v27 =	vld [tilespmem:$0x1FE90];
	_ =	sdelay $0x2  }
0x243: {  	v31 =	vadd.f32 v31, v30  }
0x244: {  	v30 =	vadd.f32 v29, v32;
	v32 =	vadd.f32 v35, v34  }
0x245: {  	v34 =	vadd.f32 v33, v36;
	v27 =	vadd.f32 v27, v28  }
0x246: {  	v36 =	vadd.f32 v39, v38;
	v38 =	vadd.f32 v37, v40  }
0x247: {  	v24 =	vadd.f32 v25, v24;
	v25 =	vadd.f32 v27, v26;
	v26 =	vld [tilespmem:$0x1FE60]  }
0x248: {  	v40 =	vadd.f32 v43, v42;
	v42 =	vadd.f32 v41, v44;
	v27 =	vld [tilespmem:$0x1FE70]  }
0x249: {  	v44 =	vadd.f32 v47, v46;
	v45 =	vadd.f32 v45, v48  }
0x24a: {  	v20 =	vadd.f32 v23, v20;
	v48 =	vadd.f32 v51, v50  }
0x24b: {  	v18 =	vsub.f32 v18, v0;
	v50 =	vadd.f32 v49, v52  }
0x24c: {  	v55 =	vadd.f32 v55, v54;
	v56 =	vadd.f32 v53, v56;
	v28 =	vld [tilespmem:$0x1FE80]  }
0x24d: {  	v33 =	vadd.f32 v57, v60;
	v26 =	vadd.f32 v27, v26;
	v27 =	vld [tilespmem:$0x1FE50]  }
0x24e: {  	v1 =	vadd.f32 v61, v1;
	v3 =	vadd.f32 v4, v3  }
0x24f: {  	v2 =	vadd.f32 v2, v5;
	v6 =	vadd.f32 v6, v9  }
0x250: {  	v19 =	vsub.f32 v19, v0;
	v21 =	vadd.f32 v22, v21  }
0x251: {  	v31 =	vadd.f32 v30, v31;
	v35 =	vadd.f32 v34, v32  }
0x252: {  	v39 =	vadd.f32 v38, v36;
	v27 =	vadd.f32 v27, v28  }
0x253: {  	v43 =	vadd.f32 v42, v40;
	v47 =	vadd.f32 v45, v44  }
0x254: {  	v24 =	vadd.f32 v25, v24;
	v25 =	vadd.f32 v27, v26  }
0x255: {  	v52 =	vadd.f32 v50, v48;
	v30 =	vadd.f32 v56, v55  }
0x256: {  	v32 =	vadd.f32 v59, v58;
	v24 =	vadd.f32 v25, v24  }
0x257: {  	v14 =	vsub.f32 v14, v0;
	v2 =	vadd.f32 v2, v3;
	v27 =	vld [tilespmem:$0x8E80];
	_ =	swait.ge [sflag:s29], $0xA0  }
0x258: {  	v45 =	vadd.f32 v8, v7;
	[sflag:s29] =	ssyncset.done $0x0;
	v24 =	vadd.f32 v31, v24  }
0x259: {  	v18 =	vmul.f32 v18, v18;
	v55 =	vadd.f32 v12, v11;
	v56 =	vadd.f32 v10, v13;
	[sflag:s29] =	ssyncadd.s32 $0xFFFFFF60  }
0x25a: {  	v15 =	vsub.f32 v15, v0;
	v28 =	vld [tilespmem:$0x9D80];
	v24 =	vadd.f32 v35, v24  }
0x25b: {  	v19 =	vmul.f32 v19, v19;
	v16 =	vadd.f32 v18, v16;
	v34 =	vadd.f32 v33, v32;
	v40 =	vld [tilespmem:$0x9DD0]  }
0x25c: {  	v3 =	vadd.f32 v6, v45;
	v31 =	vld [tilespmem:$0x9DC0];
	v24 =	vadd.f32 v39, v24  }
0x25d: {  	v14 =	vmul.f32 v14, v14;
	v61 =	vadd.f32 v56, v55;
	v17 =	vadd.f32 v19, v17;
	v41 =	vld [tilespmem:$0x9DE0]  }
0x25e: {  	v38 =	vld [tilespmem:$0x9DB0];
	v35 =	vadd.f32 v63, v62;
	v46 =	vadd.f32 v43, v24  }
0x25f: {  	v14 =	vadd.f32 v14, v20;
	v37 =	vld [tilespmem:$0x9DA0];
	v18 =	vsub.f32 v28, v0  }
0x260: {  	v44 =	vld [tilespmem:$0x9DF0];
	v1 =	vadd.f32 v1, v35;
	v51 =	vadd.f32 v47, v46  }
0x261: {  	v36 =	vld [tilespmem:$0x9D90];
	v48 =	vsub.f32 v40, v0;
	v23 =	vsub.f32 v31, v0  }
0x262: {  	v4 =	vsub.f32 v41, v0;
	v29 =	vadd.f32 v52, v51  }
0x263: {  	v49 =	vsub.f32 v38, v0;
	v18 =	vmul.f32 v18, v18;
	v39 =	vmul.f32 v23, v23  }
0x264: {  	v15 =	vmul.f32 v15, v15;
	v47 =	vsub.f32 v37, v0;
	v19 =	vadd.f32 v30, v29  }
0x265: {  	v4 =	vmul.f32 v4, v4;
	v43 =	vadd.f32 v39, v18;
	v18 =	vsub.f32 v44, v0  }
0x266: {  	v46 =	vsub.f32 v36, v0;
	v8 =	vmul.f32 v47, v47;
	v19 =	vadd.f32 v34, v19  }
0x267: {  	v42 =	vadd.f32 v15, v21;
	v51 =	vmul.f32 v49, v49;
	v52 =	vld [tilespmem:$0x9E00];
	v18 =	vmul.f32 v18, v18  }
0x268: {  	v50 =	vmul.f32 v48, v48;
	v7 =	vmul.f32 v46, v46;
	v1 =	vadd.f32 v1, v19  }
0x269: {  	v54 =	vld [tilespmem:$0x9E10];
	v4 =	vadd.f32 v4, v8;
	v53 =	vadd.f32 v18, v51  }
0x26a: {  	v1 =	vadd.f32 v2, v1;
	v2 =	vadd.f32 v50, v7  }
0x26b: {  	v57 =	vadd.f32 v14, v17;
	v4 =	vadd.f32 v53, v4  }
0x26c: {  	v6 =	vsub.f32 v52, v0;
	v2 =	vadd.f32 v2, v43  }
0x26d: {  	v5 =	vadd.f32 v16, v42;
	v58 =	vsub.f32 v27, v0  }
0x26e: {  	v59 =	vsub.f32 v54, v0;
	v60 =	vmul.f32 v6, v6;
	v2 =	vadd.f32 v4, v2  }
0x26f: {  	v5 =	vadd.f32 v5, v57;
	v62 =	vmul.f32 v58, v58;
	v1 =	vadd.f32 v3, v1  }
0x270: {  	v0 =	vmul.f32 v59, v59;
	v2 =	vadd.f32 v60, v2  }
0x271: {  	v63 =	vadd.f32 v62, v5;
	v1 =	vadd.f32 v61, v1  }
0x272: {  	v0 =	vadd.f32 v0, v2  }
0x273: {  	v1 =	vadd.f32 v63, v1  }
0x274: {  	v0 =	vpsel !p0, $0x0, v0  }
0x275: {  	s13 =	sadd.s32 $0x1, s13;
	v0 =	vadd.f32 v0, v1  }
0x276: {  	p1 =	sne.s32 s13, s28  }
.Ltmp20:
0x277: {  	s15 =	simm.s32 $0xBD00;
	[tilespmem:$0xBD00] =	vst v0;
	(pc) =	sbr.rel @p1 .LBB2_1-.Ltmp20, $4  }
0x278: {  	[hbm4b:s20+s4] =	stream.linear.scatter [tilespmem:s15], [sflag:$0x8], $0x80, $0x38;
	[tilespmem:$0xBD80] =	vst v63  }
0x279: {  	_ =	swait.ge [sflag:s12], $0x80  }
0x27a: {  	[sflag:s12] =	ssyncset.done $0x0  }
0x27b: {  	[sflag:s12] =	ssyncadd.s32 $0xFFFFFF80  }
0x27c: {  	_ =	sfence.sel $0x180000  }
0x27d: {  	[bflag:$0x0] =	sbarrier.arrive $0xFFFF  }
0x27e: {  	_ =	strace $0x90000047  }
0x27f: {  	s0 =	stileid.u32;
	[bflag:$0x2] =	sbarrier.arrive $0xFFFF  }
0x280: {  	p0 =	sne.s32 s0, $0x0;
	s0 =	rddreg [dreg:$0x4]  }
0x281: {  	s0 =	sadd.s32 @!p0 $0x100000, s0  }
0x282: {  	[sflag:s0] =	ssyncadd.tile.s32 @!p0 $0x1;
	_ =	shalt  }
.Lfunc_end2:
_tile_overlayer_lowered:
.L_overlay_start_2:
0x283: {  	(tag) =	ssettag $0x2  }
0x284: {  	s0 =	rddreg [dreg:$0x0];
	s2 =	stileid.u32  }
0x285: {  	s1 =	rddreg [dreg:$0x1];
	p0 =	sne.s32 s2, $0x0  }
0x286: {  	s3 =	rddreg [dreg:$0x2];
	[bflag:$0x3] =	sbarrier.arrive $0xFFFF;
	s2 =	simm.s32 @!p0 $0x1C08  }
0x287: {  	[timem:s3], [sflag:s2] =	dma.local @!p0 [hbm:s0], s1  }
0x288: {  	s0 =	simm.s32 @!p0 $0x8  }
0x289: {  	_ =	swait.ge @!p0 [sflag:s0], s1  }
0x28a: {  	s1 =	ssub.s32 @!p0 $0x0, s1;
	[sflag:s0] =	ssyncset.done @!p0 $0x0  }
0x28b: {  	[sflag:s0] =	ssyncadd.s32 @!p0 s1  }
0x28c: {  	[bflag:$0x3] =	sbarrier.arrive $0xFFFF  }
0x28d: {  	_ =	shalt  }

</sc_bundles>
